<compile_context>
chip_gen: v7x
topology: tpu7x:2x2x1
jax: 0.10.2.dev20260603
libtpu: 0.0.44.dev20260713+nightly
codegen_flags: <defaults>
</compile_context>

<pallas_src>
import functools

import jax
import jax.numpy as jnp
from jax import lax
from jax.experimental import pallas as pl
from jax.experimental.pallas import tpu as pltpu
from jax.experimental.pallas import tpu_sc as plsc

VOCAB = 100000
EMBED = 64
B = 4096
L = 50

_NC = 2
_NS = 16
_NW = _NC * _NS
_CH = 128
_PADW = _CH + 1

_mesh = plsc.VectorSubcoreMesh(core_axis_name="c", subcore_axis_name="s")


@functools.partial(
    pl.kernel,
    mesh=_mesh,
    out_type=jax.ShapeDtypeStruct((L, 8, B // _CH, 8, _CH), jnp.float32),
    scratch_types=[
        pltpu.VMEM((7, 8, _CH), jnp.int32),
        pltpu.VMEM((2, _CH, EMBED), jnp.float32),
        pltpu.VMEM((2, EMBED, _PADW), jnp.float32),
        pltpu.SemaphoreType.DMA,
        pltpu.SemaphoreType.DMA,
        pltpu.SemaphoreType.DMA,
    ],
    compiler_params=pltpu.CompilerParams(
        use_tc_tiling_on_sc=False, needs_layout_passes=False
    ),
)
def _gather(x_hbm, table_hbm, out_hbm, xbuf, rows_v, obuf, gsem0, gsem1, osem):
    wid = lax.axis_index("s") * _NC + lax.axis_index("c")
    lane = lax.iota(jnp.int32, 16)
    rvec = [fc * 16 + lane for fc in range(EMBED // 16)]
    gsems = (gsem0, gsem1)

    pltpu.sync_copy(x_hbm.at[:, wid], xbuf)

    def gfire(i, sb):
        pltpu.async_copy(
            table_hbm.at[xbuf.at[i // 8, i % 8]], rows_v.at[sb], gsems[sb]
        )

    def gwait(sb):
        pltpu.make_async_copy(
            table_hbm.at[pl.ds(0, _CH)], rows_v.at[0], gsems[sb]
        ).wait()

    def owait():
        for _ in range(8):
            pltpu.make_async_copy(
                obuf.at[0, pl.ds(0, 8), pl.ds(0, _CH)], out_hbm.at[0, 0, 0], osem
            ).wait()

    def transpose(sb):
        def bl_body(b16, _):
            for blo in range(8):
                bl = b16 * 8 + blo
                cbl = lane * 0 + bl
                vs = [
                    rows_v[sb, bl, pl.ds(fc * 16, 16)]
                    for fc in range(EMBED // 16)
                ]
                for fc in range(EMBED // 16):
                    plsc.store_scatter(obuf.at[sb], [rvec[fc], cbl], vs[fc])
            return 0

        lax.fori_loop(0, _CH // 8, bl_body, 0)

    gfire(0, 0)

    def pair(p, _):
        for sb in (0, 1):
            i = p * 2 + sb

            @pl.when(i + 1 < L)
            def _():
                gfire(i + 1, 1 - sb)

            gwait(sb)

            @pl.when(i >= 2)
            def _():
                owait()

            transpose(sb)
            for eh in range(8):
                pltpu.async_copy(
                    obuf.at[sb, pl.ds(eh * 8, 8), pl.ds(0, _CH)],
                    out_hbm.at[i, eh, wid],
                    osem,
                )
        return 0

    lax.fori_loop(0, L // 2, pair, 0)
    owait()
    owait()


def kernel(x, seq_lengths, table):
    del seq_lengths
    x7 = jnp.pad(x.T, ((0, 6), (0, 0))).reshape(7, 8, B // _CH, _CH)
    x7 = x7.transpose(0, 2, 1, 3)
    out5 = _gather(x7.astype(jnp.int32), table)
    return out5.transpose(2, 4, 0, 1, 3).reshape(B, L, EMBED)

# --- scband reference (transcript-rebuilt; emitter-appended) ---
"""Pipeline reference for scband-translator-rnn-17815524343865 (READ-ONLY COPY).

The authoritative reference and input builder live on the scoring server;
editing this copy changes nothing except your own understanding.
"""

import jax, jax.numpy as jnp
import numpy as np

VOCAB = 100000
EMBED = 64
B = 4096
L = 50


def setup_inputs(seed: int = 0) -> dict:
    key = jax.random.key(seed)
    k1, k2, k3 = jax.random.split(key, 3)
    x = jax.random.randint(k1, (B, L), 0, VOCAB)
    seq_lengths = jax.random.randint(k2, (B,), 1, L + 1)
    table = jax.random.normal(k3, (VOCAB, EMBED), dtype=jnp.float32) * 0.02
    # padding_idx=0: row 0 of the embedding table is zero
    table = table.at[0].set(0.0)
    return {"x": x, "seq_lengths": seq_lengths, "table": table}


def reference(x, seq_lengths, table):
    # nn.Embedding(vocab_size, embedding_size, padding_idx=0) lookup
    # seq_lengths accompanies the padded batch but does not alter the lookup itself.
    emb = jnp.take(table, x, axis=0)
    return emb

if __name__ == "__main__":
    import jax
    _d = setup_inputs()
    print(jax.jit(kernel)(*tuple(_d.values())))

</pallas_src>

<mosaic_0001>
#map = affine_map<(d0, d1) -> (0, 0, 0, 0)>
#map1 = affine_map<(d0, d1) -> (0, 0)>
#map2 = affine_map<(d0, d1) -> (0, 0, 0, 0, 0)>
module attributes {stable_mosaic.version = 14 : i64} {
  func.func @_gather(%arg0: i32, %arg1: i32, %arg2: memref<7x32x8x128xi32, #tpu.memory_space<hbm>>, %arg3: memref<100000x64xf32, #tpu.memory_space<hbm>>, %arg4: memref<50x8x32x8x128xf32, #tpu.memory_space<hbm>>, %arg5: memref<7x8x128xi32, #tpu.memory_space<vmem>>, %arg6: memref<2x128x64xf32, #tpu.memory_space<vmem>>, %arg7: memref<2x64x129xf32, #tpu.memory_space<vmem>>, %arg8: memref<!tpu.dma_semaphore, #tpu.memory_space<semaphore_mem>>, %arg9: memref<!tpu.dma_semaphore, #tpu.memory_space<semaphore_mem>>, %arg10: memref<!tpu.dma_semaphore, #tpu.memory_space<semaphore_mem>>) attributes {dimension_semantics = [#tpu.dimension_semantics<core_parallel>, #tpu.dimension_semantics<subcore_parallel>], iteration_bounds = array<i64: 2, 16>, scalar_prefetch = 0 : i64, scratch_operands = 6 : i64, tpu.core_type = #tpu.core_type<sc_vector_subcore>, window_params = [{transform_indices = #map}, {transform_indices = #map1}, {transform_indices = #map2}]} {
    %mul3A = arith.constant 2 : i32
    %mul3A_0 = arith.muli %arg1, %mul3A : i32
    %add3A = arith.addi %mul3A_0, %arg0 : i32
    %iota3A = tpu.iota {dimensions = array<i32: 0>} : vector<16xi32>
    %add3A_1 = arith.constant 0 : i32
    %add3A_2 = vector.broadcast %add3A_1 : i32 to vector<16xi32>
    %add3A_3 = arith.addi %add3A_2, %iota3A : vector<16xi32>
    %add3A_4 = arith.constant 16 : i32
    %add3A_5 = vector.broadcast %add3A_4 : i32 to vector<16xi32>
    %add3A_6 = arith.addi %add3A_5, %iota3A : vector<16xi32>
    %add3A_7 = arith.constant 32 : i32
    %add3A_8 = vector.broadcast %add3A_7 : i32 to vector<16xi32>
    %add3A_9 = arith.addi %add3A_8, %iota3A : vector<16xi32>
    %add3A_10 = arith.constant 48 : i32
    %add3A_11 = vector.broadcast %add3A_10 : i32 to vector<16xi32>
    %add3A_12 = arith.addi %add3A_11, %iota3A : vector<16xi32>
    "tpu.region"() ({
      %run_scoped3A = tpu.sem_alloc : memref<!tpu.dma_semaphore, #tpu.memory_space<semaphore_mem>>
      %dma_start3A_350 = arith.constant 0 : i32
      %dma_start3A_351 = arith.constant 0 : i32
      %dma_start3A_352 = arith.constant 0 : i32
      %dma_start3A_353 = tpu.memref_slice %arg2[%dma_start3A_350, %add3A, %dma_start3A_351, %dma_start3A_352] : memref<7x32x8x128xi32, #tpu.memory_space<hbm>> -> memref<7x1x8x128xi32, #tpu.memory_space<hbm>>
      %dma_start3A_354 = tpu.memref_squeeze %dma_start3A_353 : memref<7x1x8x128xi32, #tpu.memory_space<hbm>> -> memref<7x8x128xi32, #tpu.memory_space<hbm>>
      %dma_start3A_355 = arith.constant 0 : i32
      %dma_start3A_356 = arith.constant 0 : i32
      %dma_start3A_357 = arith.constant 0 : i32
      %dma_start3A_358 = tpu.memref_slice %arg2[%dma_start3A_355, %add3A, %dma_start3A_356, %dma_start3A_357] : memref<7x32x8x128xi32, #tpu.memory_space<hbm>> -> memref<7x1x8x128xi32, #tpu.memory_space<hbm>>
      %dma_start3A_359 = tpu.memref_squeeze %dma_start3A_358 : memref<7x1x8x128xi32, #tpu.memory_space<hbm>> -> memref<7x8x128xi32, #tpu.memory_space<hbm>>
      tpu.enqueue_dma source(%dma_start3A_359 : memref<7x8x128xi32, #tpu.memory_space<hbm>>) target(%arg5 : memref<7x8x128xi32, #tpu.memory_space<vmem>>) target_semaphore(%run_scoped3A : memref<!tpu.dma_semaphore, #tpu.memory_space<semaphore_mem>>)
      %dma_wait3A_360 = arith.constant 0 : i32
      %dma_wait3A_361 = arith.constant 0 : i32
      %dma_wait3A_362 = arith.constant 0 : i32
      %dma_wait3A_363 = tpu.memref_slice %arg2[%dma_wait3A_360, %add3A, %dma_wait3A_361, %dma_wait3A_362] : memref<7x32x8x128xi32, #tpu.memory_space<hbm>> -> memref<7x1x8x128xi32, #tpu.memory_space<hbm>>
      %dma_wait3A_364 = tpu.memref_squeeze %dma_wait3A_363 : memref<7x1x8x128xi32, #tpu.memory_space<hbm>> -> memref<7x8x128xi32, #tpu.memory_space<hbm>>
      %dma_wait3A_365 = arith.constant 0 : i32
      %dma_wait3A_366 = arith.constant 0 : i32
      %dma_wait3A_367 = arith.constant 0 : i32
      %dma_wait3A_368 = tpu.memref_slice %arg2[%dma_wait3A_365, %add3A, %dma_wait3A_366, %dma_wait3A_367] : memref<7x32x8x128xi32, #tpu.memory_space<hbm>> -> memref<7x1x8x128xi32, #tpu.memory_space<hbm>>
      %dma_wait3A_369 = tpu.memref_squeeze %dma_wait3A_368 : memref<7x1x8x128xi32, #tpu.memory_space<hbm>> -> memref<7x8x128xi32, #tpu.memory_space<hbm>>
      tpu.wait_dma2 semaphore(%run_scoped3A : memref<!tpu.dma_semaphore, #tpu.memory_space<semaphore_mem>>) src(%dma_wait3A_369 : memref<7x8x128xi32, #tpu.memory_space<hbm>>) dst(%arg5 : memref<7x8x128xi32, #tpu.memory_space<vmem>>)
      tpu.yield
    }) : () -> ()
    %dma_start3A = arith.constant 0 : i32
    %dma_start3A_13 = arith.constant 0 : i32
    %dma_start3A_14 = arith.constant 0 : i32
    %dma_start3A_15 = arith.constant 0 : i32
    %dma_start3A_16 = arith.constant 0 : i32
    %dma_start3A_17 = tpu.memref_slice %arg6[%dma_start3A_14, %dma_start3A_15, %dma_start3A_16] : memref<2x128x64xf32, #tpu.memory_space<vmem>> -> memref<1x128x64xf32, #tpu.memory_space<vmem>>
    %dma_start3A_18 = tpu.memref_squeeze %dma_start3A_17 : memref<1x128x64xf32, #tpu.memory_space<vmem>> -> memref<128x64xf32, #tpu.memory_space<vmem>>
    %dma_start3A_19 = arith.constant 0 : i32
    %dma_start3A_20 = tpu.memref_slice %arg5[%dma_start3A, %dma_start3A_13, %dma_start3A_19] : memref<7x8x128xi32, #tpu.memory_space<vmem>> -> memref<1x1x128xi32, #tpu.memory_space<vmem>>
    %dma_start3A_21 = tpu.memref_squeeze %dma_start3A_20 : memref<1x1x128xi32, #tpu.memory_space<vmem>> -> memref<128xi32, #tpu.memory_space<vmem>>
    %dma_start3A_22 = arith.constant 0 : i32
    %dma_start3A_23 = arith.constant 0 : i32
    %dma_start3A_24 = tpu.memref_slice %arg3[%dma_start3A_22, %dma_start3A_23] : memref<100000x64xf32, #tpu.memory_space<hbm>> -> memref<100000x64xf32, #tpu.memory_space<hbm>>
    tpu.enqueue_indirect_dma source(%dma_start3A_24 : memref<100000x64xf32, #tpu.memory_space<hbm>>) target(%dma_start3A_18 : memref<128x64xf32, #tpu.memory_space<vmem>>) offsets(%dma_start3A_21 : memref<128xi32, #tpu.memory_space<vmem>>) semaphore(%arg8 : memref<!tpu.dma_semaphore, #tpu.memory_space<semaphore_mem>>)
    %scan3A = arith.constant 0 : i32
    %scan3A_25 = arith.constant 0 : i32
    %scan3A_26 = arith.constant 25 : i32
    %scan3A_27 = arith.addi %scan3A_25, %scan3A_26 : i32
    %scan3A_28 = arith.constant 1 : i32
    %scan3A_29 = scf.for %scan3A_350 = %scan3A_25 to %scan3A_27 step %scan3A_28 iter_args(%scan3A_351 = %scan3A) -> (i32)  : i32 {
      %mul3A_352 = arith.constant 2 : i32
      %mul3A_353 = arith.muli %scan3A_350, %mul3A_352 : i32
      %add3A_354 = arith.constant 0 : i32
      %add3A_355 = arith.addi %mul3A_353, %add3A_354 : i32
      %add3A_356 = arith.constant 1 : i32
      %add3A_357 = arith.addi %add3A_355, %add3A_356 : i32
      %lt3A = arith.constant 50 : i32
      %lt3A_358 = arith.cmpi slt, %add3A_357, %lt3A : i32
      %convert_element_type3A = arith.extui %lt3A_358 : i1 to i32
      %cond3A = arith.constant 0 : i32
      %cond3A_359 = arith.cmpi ne, %convert_element_type3A, %cond3A : i32
      scf.if %cond3A_359 {
        %add3A_713 = arith.constant 1 : i32
        %add3A_714 = arith.addi %add3A_355, %add3A_713 : i32
        %jit3A = arith.constant 8 : i32
        %div3A = arith.divsi %add3A_714, %jit3A : i32
        %sign3A = arith.constant 0 : i32
        %sign3A_715 = arith.cmpi sgt, %add3A_714, %sign3A : i32
        %sign3A_716 = arith.extui %sign3A_715 : i1 to i32
        %sign3A_717 = arith.constant 0 : i32
        %sign3A_718 = arith.cmpi slt, %add3A_714, %sign3A_717 : i32
        %sign3A_719 = arith.extui %sign3A_718 : i1 to i32
        %sign3A_720 = arith.subi %sign3A_716, %sign3A_719 : i32
        %sign3A_721 = arith.constant 0 : i32
        %sign3A_722 = arith.cmpi sgt, %jit3A, %sign3A_721 : i32
        %sign3A_723 = arith.extui %sign3A_722 : i1 to i32
        %sign3A_724 = arith.constant 0 : i32
        %sign3A_725 = arith.cmpi slt, %jit3A, %sign3A_724 : i32
        %sign3A_726 = arith.extui %sign3A_725 : i1 to i32
        %sign3A_727 = arith.subi %sign3A_723, %sign3A_726 : i32
        %ne3A = arith.cmpi ne, %sign3A_720, %sign3A_727 : i32
        %rem3A = arith.remsi %add3A_714, %jit3A : i32
        %ne3A_728 = arith.constant 0 : i32
        %ne3A_729 = arith.cmpi ne, %rem3A, %ne3A_728 : i32
        %and3A = arith.andi %ne3A, %ne3A_729 : i1
        %sub3A = arith.constant 1 : i32
        %sub3A_730 = arith.subi %div3A, %sub3A : i32
        %select_n3A = arith.select %and3A, %sub3A_730, %div3A : i32
        %jit3A_731 = arith.constant 8 : i32
        %eq3A = arith.constant 0 : i32
        %eq3A_732 = arith.cmpi eq, %jit3A_731, %eq3A : i32
        %jit3A_733 = arith.constant 1 : i32
        %select_n3A_734 = arith.select %eq3A_732, %jit3A_733, %jit3A_731 : i32
        %rem3A_735 = arith.remsi %add3A_714, %select_n3A_734 : i32
        %ne3A_736 = arith.constant 0 : i32
        %ne3A_737 = arith.cmpi ne, %rem3A_735, %ne3A_736 : i32
        %lt3A_738 = arith.constant 0 : i32
        %lt3A_739 = arith.cmpi slt, %rem3A_735, %lt3A_738 : i32
        %lt3A_740 = arith.constant 0 : i32
        %lt3A_741 = arith.cmpi slt, %select_n3A_734, %lt3A_740 : i32
        %ne3A_742 = arith.xori %lt3A_739, %lt3A_741 : i1
        %and3A_743 = arith.andi %ne3A_742, %ne3A_737 : i1
        %add3A_744 = arith.addi %rem3A_735, %select_n3A_734 : i32
        %select_n3A_745 = arith.select %and3A_743, %add3A_744, %rem3A_735 : i32
        %dma_start3A_746 = arith.constant 1 : i32
        %dma_start3A_747 = arith.constant 0 : i32
        %dma_start3A_748 = arith.constant 0 : i32
        %dma_start3A_749 = tpu.memref_slice %arg6[%dma_start3A_746, %dma_start3A_747, %dma_start3A_748] : memref<2x128x64xf32, #tpu.memory_space<vmem>> -> memref<1x128x64xf32, #tpu.memory_space<vmem>>
        %dma_start3A_750 = tpu.memref_squeeze %dma_start3A_749 : memref<1x128x64xf32, #tpu.memory_space<vmem>> -> memref<128x64xf32, #tpu.memory_space<vmem>>
        %dma_start3A_751 = arith.constant 0 : i32
        %dma_start3A_752 = tpu.memref_slice %arg5[%select_n3A, %select_n3A_745, %dma_start3A_751] : memref<7x8x128xi32, #tpu.memory_space<vmem>> -> memref<1x1x128xi32, #tpu.memory_space<vmem>>
        %dma_start3A_753 = tpu.memref_squeeze %dma_start3A_752 : memref<1x1x128xi32, #tpu.memory_space<vmem>> -> memref<128xi32, #tpu.memory_space<vmem>>
        %dma_start3A_754 = arith.constant 0 : i32
        %dma_start3A_755 = arith.constant 0 : i32
        %dma_start3A_756 = tpu.memref_slice %arg3[%dma_start3A_754, %dma_start3A_755] : memref<100000x64xf32, #tpu.memory_space<hbm>> -> memref<100000x64xf32, #tpu.memory_space<hbm>>
        tpu.enqueue_indirect_dma source(%dma_start3A_756 : memref<100000x64xf32, #tpu.memory_space<hbm>>) target(%dma_start3A_750 : memref<128x64xf32, #tpu.memory_space<vmem>>) offsets(%dma_start3A_753 : memref<128xi32, #tpu.memory_space<vmem>>) semaphore(%arg9 : memref<!tpu.dma_semaphore, #tpu.memory_space<semaphore_mem>>)
      } else {
      }
      %dma_wait3A_360 = arith.constant 0 : i32
      %dma_wait3A_361 = arith.constant 0 : i32
      %dma_wait3A_362 = arith.constant 0 : i32
      %dma_wait3A_363 = tpu.memref_slice %arg6[%dma_wait3A_360, %dma_wait3A_361, %dma_wait3A_362] : memref<2x128x64xf32, #tpu.memory_space<vmem>> -> memref<1x128x64xf32, #tpu.memory_space<vmem>>
      %dma_wait3A_364 = tpu.memref_squeeze %dma_wait3A_363 : memref<1x128x64xf32, #tpu.memory_space<vmem>> -> memref<128x64xf32, #tpu.memory_space<vmem>>
      %dma_wait3A_365 = arith.constant 0 : i32
      %dma_wait3A_366 = arith.constant 0 : i32
      %dma_wait3A_367 = tpu.memref_slice %arg3[%dma_wait3A_365, %dma_wait3A_366] : memref<100000x64xf32, #tpu.memory_space<hbm>> -> memref<128x64xf32, #tpu.memory_space<hbm>>
      %dma_wait3A_368 = arith.constant 0 : i32
      %dma_wait3A_369 = arith.constant 0 : i32
      %dma_wait3A_370 = tpu.memref_slice %arg6[%dma_wait3A_360, %dma_wait3A_368, %dma_wait3A_369] : memref<2x128x64xf32, #tpu.memory_space<vmem>> -> memref<1x128x64xf32, #tpu.memory_space<vmem>>
      %dma_wait3A_371 = tpu.memref_squeeze %dma_wait3A_370 : memref<1x128x64xf32, #tpu.memory_space<vmem>> -> memref<128x64xf32, #tpu.memory_space<vmem>>
      %dma_wait3A_372 = arith.constant 0 : i32
      %dma_wait3A_373 = arith.constant 0 : i32
      %dma_wait3A_374 = tpu.memref_slice %arg3[%dma_wait3A_372, %dma_wait3A_373] : memref<100000x64xf32, #tpu.memory_space<hbm>> -> memref<128x64xf32, #tpu.memory_space<hbm>>
      tpu.wait_dma2 semaphore(%arg8 : memref<!tpu.dma_semaphore, #tpu.memory_space<semaphore_mem>>) src(%dma_wait3A_374 : memref<128x64xf32, #tpu.memory_space<hbm>>) dst(%dma_wait3A_371 : memref<128x64xf32, #tpu.memory_space<vmem>>)
      %ge3A = arith.constant 2 : i32
      %ge3A_375 = arith.cmpi sge, %add3A_355, %ge3A : i32
      %convert_element_type3A_376 = arith.extui %ge3A_375 : i1 to i32
      %cond3A_377 = arith.constant 0 : i32
      %cond3A_378 = arith.cmpi ne, %convert_element_type3A_376, %cond3A_377 : i32
      scf.if %cond3A_378 {
        %dma_wait3A_713 = arith.constant 0 : i32
        %dma_wait3A_714 = arith.constant 0 : i32
        %dma_wait3A_715 = arith.constant 0 : i32
        %dma_wait3A_716 = arith.constant 0 : i32
        %dma_wait3A_717 = arith.constant 0 : i32
        %dma_wait3A_718 = arith.constant 0 : i32
        %dma_wait3A_719 = tpu.memref_slice %arg7[%dma_wait3A_713, %dma_wait3A_717, %dma_wait3A_718] : memref<2x64x129xf32, #tpu.memory_space<vmem>> -> memref<1x8x128xf32, #tpu.memory_space<vmem>>
        %dma_wait3A_720 = tpu.memref_squeeze %dma_wait3A_719 : memref<1x8x128xf32, #tpu.memory_space<vmem>> -> memref<8x128xf32, #tpu.memory_space<vmem>>
        %dma_wait3A_721 = arith.constant 0 : i32
        %dma_wait3A_722 = arith.constant 0 : i32
        %dma_wait3A_723 = tpu.memref_slice %arg4[%dma_wait3A_714, %dma_wait3A_715, %dma_wait3A_716, %dma_wait3A_721, %dma_wait3A_722] : memref<50x8x32x8x128xf32, #tpu.memory_space<hbm>> -> memref<1x1x1x8x128xf32, #tpu.memory_space<hbm>>
        %dma_wait3A_724 = tpu.memref_squeeze %dma_wait3A_723 : memref<1x1x1x8x128xf32, #tpu.memory_space<hbm>> -> memref<8x128xf32, #tpu.memory_space<hbm>>
        %dma_wait3A_725 = arith.constant 0 : i32
        %dma_wait3A_726 = arith.constant 0 : i32
        %dma_wait3A_727 = tpu.memref_slice %arg4[%dma_wait3A_714, %dma_wait3A_715, %dma_wait3A_716, %dma_wait3A_725, %dma_wait3A_726] : memref<50x8x32x8x128xf32, #tpu.memory_space<hbm>> -> memref<1x1x1x8x128xf32, #tpu.memory_space<hbm>>
        %dma_wait3A_728 = tpu.memref_squeeze %dma_wait3A_727 : memref<1x1x1x8x128xf32, #tpu.memory_space<hbm>> -> memref<8x128xf32, #tpu.memory_space<hbm>>
        %dma_wait3A_729 = arith.constant 0 : i32
        %dma_wait3A_730 = arith.constant 0 : i32
        %dma_wait3A_731 = tpu.memref_slice %arg7[%dma_wait3A_713, %dma_wait3A_729, %dma_wait3A_730] : memref<2x64x129xf32, #tpu.memory_space<vmem>> -> memref<1x8x128xf32, #tpu.memory_space<vmem>>
        %dma_wait3A_732 = tpu.memref_squeeze %dma_wait3A_731 : memref<1x8x128xf32, #tpu.memory_space<vmem>> -> memref<8x128xf32, #tpu.memory_space<vmem>>
        tpu.wait_dma2 semaphore(%arg10 : memref<!tpu.dma_semaphore, #tpu.memory_space<semaphore_mem>>) src(%dma_wait3A_732 : memref<8x128xf32, #tpu.memory_space<vmem>>) dst(%dma_wait3A_728 : memref<8x128xf32, #tpu.memory_space<hbm>>)
        %dma_wait3A_733 = arith.constant 0 : i32
        %dma_wait3A_734 = arith.constant 0 : i32
        %dma_wait3A_735 = arith.constant 0 : i32
        %dma_wait3A_736 = arith.constant 0 : i32
        %dma_wait3A_737 = arith.constant 0 : i32
        %dma_wait3A_738 = arith.constant 0 : i32
        %dma_wait3A_739 = tpu.memref_slice %arg7[%dma_wait3A_733, %dma_wait3A_737, %dma_wait3A_738] : memref<2x64x129xf32, #tpu.memory_space<vmem>> -> memref<1x8x128xf32, #tpu.memory_space<vmem>>
        %dma_wait3A_740 = tpu.memref_squeeze %dma_wait3A_739 : memref<1x8x128xf32, #tpu.memory_space<vmem>> -> memref<8x128xf32, #tpu.memory_space<vmem>>
        %dma_wait3A_741 = arith.constant 0 : i32
        %dma_wait3A_742 = arith.constant 0 : i32
        %dma_wait3A_743 = tpu.memref_slice %arg4[%dma_wait3A_734, %dma_wait3A_735, %dma_wait3A_736, %dma_wait3A_741, %dma_wait3A_742] : memref<50x8x32x8x128xf32, #tpu.memory_space<hbm>> -> memref<1x1x1x8x128xf32, #tpu.memory_space<hbm>>
        %dma_wait3A_744 = tpu.memref_squeeze %dma_wait3A_743 : memref<1x1x1x8x128xf32, #tpu.memory_space<hbm>> -> memref<8x128xf32, #tpu.memory_space<hbm>>
        %dma_wait3A_745 = arith.constant 0 : i32
        %dma_wait3A_746 = arith.constant 0 : i32
        %dma_wait3A_747 = tpu.memref_slice %arg4[%dma_wait3A_734, %dma_wait3A_735, %dma_wait3A_736, %dma_wait3A_745, %dma_wait3A_746] : memref<50x8x32x8x128xf32, #tpu.memory_space<hbm>> -> memref<1x1x1x8x128xf32, #tpu.memory_space<hbm>>
        %dma_wait3A_748 = tpu.memref_squeeze %dma_wait3A_747 : memref<1x1x1x8x128xf32, #tpu.memory_space<hbm>> -> memref<8x128xf32, #tpu.memory_space<hbm>>
        %dma_wait3A_749 = arith.constant 0 : i32
        %dma_wait3A_750 = arith.constant 0 : i32
        %dma_wait3A_751 = tpu.memref_slice %arg7[%dma_wait3A_733, %dma_wait3A_749, %dma_wait3A_750] : memref<2x64x129xf32, #tpu.memory_space<vmem>> -> memref<1x8x128xf32, #tpu.memory_space<vmem>>
        %dma_wait3A_752 = tpu.memref_squeeze %dma_wait3A_751 : memref<1x8x128xf32, #tpu.memory_space<vmem>> -> memref<8x128xf32, #tpu.memory_space<vmem>>
        tpu.wait_dma2 semaphore(%arg10 : memref<!tpu.dma_semaphore, #tpu.memory_space<semaphore_mem>>) src(%dma_wait3A_752 : memref<8x128xf32, #tpu.memory_space<vmem>>) dst(%dma_wait3A_748 : memref<8x128xf32, #tpu.memory_space<hbm>>)
        %dma_wait3A_753 = arith.constant 0 : i32
        %dma_wait3A_754 = arith.constant 0 : i32
        %dma_wait3A_755 = arith.constant 0 : i32
        %dma_wait3A_756 = arith.constant 0 : i32
        %dma_wait3A_757 = arith.constant 0 : i32
        %dma_wait3A_758 = arith.constant 0 : i32
        %dma_wait3A_759 = tpu.memref_slice %arg7[%dma_wait3A_753, %dma_wait3A_757, %dma_wait3A_758] : memref<2x64x129xf32, #tpu.memory_space<vmem>> -> memref<1x8x128xf32, #tpu.memory_space<vmem>>
        %dma_wait3A_760 = tpu.memref_squeeze %dma_wait3A_759 : memref<1x8x128xf32, #tpu.memory_space<vmem>> -> memref<8x128xf32, #tpu.memory_space<vmem>>
        %dma_wait3A_761 = arith.constant 0 : i32
        %dma_wait3A_762 = arith.constant 0 : i32
        %dma_wait3A_763 = tpu.memref_slice %arg4[%dma_wait3A_754, %dma_wait3A_755, %dma_wait3A_756, %dma_wait3A_761, %dma_wait3A_762] : memref<50x8x32x8x128xf32, #tpu.memory_space<hbm>> -> memref<1x1x1x8x128xf32, #tpu.memory_space<hbm>>
        %dma_wait3A_764 = tpu.memref_squeeze %dma_wait3A_763 : memref<1x1x1x8x128xf32, #tpu.memory_space<hbm>> -> memref<8x128xf32, #tpu.memory_space<hbm>>
        %dma_wait3A_765 = arith.constant 0 : i32
        %dma_wait3A_766 = arith.constant 0 : i32
        %dma_wait3A_767 = tpu.memref_slice %arg4[%dma_wait3A_754, %dma_wait3A_755, %dma_wait3A_756, %dma_wait3A_765, %dma_wait3A_766] : memref<50x8x32x8x128xf32, #tpu.memory_space<hbm>> -> memref<1x1x1x8x128xf32, #tpu.memory_space<hbm>>
        %dma_wait3A_768 = tpu.memref_squeeze %dma_wait3A_767 : memref<1x1x1x8x128xf32, #tpu.memory_space<hbm>> -> memref<8x128xf32, #tpu.memory_space<hbm>>
        %dma_wait3A_769 = arith.constant 0 : i32
        %dma_wait3A_770 = arith.constant 0 : i32
        %dma_wait3A_771 = tpu.memref_slice %arg7[%dma_wait3A_753, %dma_wait3A_769, %dma_wait3A_770] : memref<2x64x129xf32, #tpu.memory_space<vmem>> -> memref<1x8x128xf32, #tpu.memory_space<vmem>>
        %dma_wait3A_772 = tpu.memref_squeeze %dma_wait3A_771 : memref<1x8x128xf32, #tpu.memory_space<vmem>> -> memref<8x128xf32, #tpu.memory_space<vmem>>
        tpu.wait_dma2 semaphore(%arg10 : memref<!tpu.dma_semaphore, #tpu.memory_space<semaphore_mem>>) src(%dma_wait3A_772 : memref<8x128xf32, #tpu.memory_space<vmem>>) dst(%dma_wait3A_768 : memref<8x128xf32, #tpu.memory_space<hbm>>)
        %dma_wait3A_773 = arith.constant 0 : i32
        %dma_wait3A_774 = arith.constant 0 : i32
        %dma_wait3A_775 = arith.constant 0 : i32
        %dma_wait3A_776 = arith.constant 0 : i32
        %dma_wait3A_777 = arith.constant 0 : i32
        %dma_wait3A_778 = arith.constant 0 : i32
        %dma_wait3A_779 = tpu.memref_slice %arg7[%dma_wait3A_773, %dma_wait3A_777, %dma_wait3A_778] : memref<2x64x129xf32, #tpu.memory_space<vmem>> -> memref<1x8x128xf32, #tpu.memory_space<vmem>>
        %dma_wait3A_780 = tpu.memref_squeeze %dma_wait3A_779 : memref<1x8x128xf32, #tpu.memory_space<vmem>> -> memref<8x128xf32, #tpu.memory_space<vmem>>
        %dma_wait3A_781 = arith.constant 0 : i32
        %dma_wait3A_782 = arith.constant 0 : i32
        %dma_wait3A_783 = tpu.memref_slice %arg4[%dma_wait3A_774, %dma_wait3A_775, %dma_wait3A_776, %dma_wait3A_781, %dma_wait3A_782] : memref<50x8x32x8x128xf32, #tpu.memory_space<hbm>> -> memref<1x1x1x8x128xf32, #tpu.memory_space<hbm>>
        %dma_wait3A_784 = tpu.memref_squeeze %dma_wait3A_783 : memref<1x1x1x8x128xf32, #tpu.memory_space<hbm>> -> memref<8x128xf32, #tpu.memory_space<hbm>>
        %dma_wait3A_785 = arith.constant 0 : i32
        %dma_wait3A_786 = arith.constant 0 : i32
        %dma_wait3A_787 = tpu.memref_slice %arg4[%dma_wait3A_774, %dma_wait3A_775, %dma_wait3A_776, %dma_wait3A_785, %dma_wait3A_786] : memref<50x8x32x8x128xf32, #tpu.memory_space<hbm>> -> memref<1x1x1x8x128xf32, #tpu.memory_space<hbm>>
        %dma_wait3A_788 = tpu.memref_squeeze %dma_wait3A_787 : memref<1x1x1x8x128xf32, #tpu.memory_space<hbm>> -> memref<8x128xf32, #tpu.memory_space<hbm>>
        %dma_wait3A_789 = arith.constant 0 : i32
        %dma_wait3A_790 = arith.constant 0 : i32
        %dma_wait3A_791 = tpu.memref_slice %arg7[%dma_wait3A_773, %dma_wait3A_789, %dma_wait3A_790] : memref<2x64x129xf32, #tpu.memory_space<vmem>> -> memref<1x8x128xf32, #tpu.memory_space<vmem>>
        %dma_wait3A_792 = tpu.memref_squeeze %dma_wait3A_791 : memref<1x8x128xf32, #tpu.memory_space<vmem>> -> memref<8x128xf32, #tpu.memory_space<vmem>>
        tpu.wait_dma2 semaphore(%arg10 : memref<!tpu.dma_semaphore, #tpu.memory_space<semaphore_mem>>) src(%dma_wait3A_792 : memref<8x128xf32, #tpu.memory_space<vmem>>) dst(%dma_wait3A_788 : memref<8x128xf32, #tpu.memory_space<hbm>>)
        %dma_wait3A_793 = arith.constant 0 : i32
        %dma_wait3A_794 = arith.constant 0 : i32
        %dma_wait3A_795 = arith.constant 0 : i32
        %dma_wait3A_796 = arith.constant 0 : i32
        %dma_wait3A_797 = arith.constant 0 : i32
        %dma_wait3A_798 = arith.constant 0 : i32
        %dma_wait3A_799 = tpu.memref_slice %arg7[%dma_wait3A_793, %dma_wait3A_797, %dma_wait3A_798] : memref<2x64x129xf32, #tpu.memory_space<vmem>> -> memref<1x8x128xf32, #tpu.memory_space<vmem>>
        %dma_wait3A_800 = tpu.memref_squeeze %dma_wait3A_799 : memref<1x8x128xf32, #tpu.memory_space<vmem>> -> memref<8x128xf32, #tpu.memory_space<vmem>>
        %dma_wait3A_801 = arith.constant 0 : i32
        %dma_wait3A_802 = arith.constant 0 : i32
        %dma_wait3A_803 = tpu.memref_slice %arg4[%dma_wait3A_794, %dma_wait3A_795, %dma_wait3A_796, %dma_wait3A_801, %dma_wait3A_802] : memref<50x8x32x8x128xf32, #tpu.memory_space<hbm>> -> memref<1x1x1x8x128xf32, #tpu.memory_space<hbm>>
        %dma_wait3A_804 = tpu.memref_squeeze %dma_wait3A_803 : memref<1x1x1x8x128xf32, #tpu.memory_space<hbm>> -> memref<8x128xf32, #tpu.memory_space<hbm>>
        %dma_wait3A_805 = arith.constant 0 : i32
        %dma_wait3A_806 = arith.constant 0 : i32
        %dma_wait3A_807 = tpu.memref_slice %arg4[%dma_wait3A_794, %dma_wait3A_795, %dma_wait3A_796, %dma_wait3A_805, %dma_wait3A_806] : memref<50x8x32x8x128xf32, #tpu.memory_space<hbm>> -> memref<1x1x1x8x128xf32, #tpu.memory_space<hbm>>
        %dma_wait3A_808 = tpu.memref_squeeze %dma_wait3A_807 : memref<1x1x1x8x128xf32, #tpu.memory_space<hbm>> -> memref<8x128xf32, #tpu.memory_space<hbm>>
        %dma_wait3A_809 = arith.constant 0 : i32
        %dma_wait3A_810 = arith.constant 0 : i32
        %dma_wait3A_811 = tpu.memref_slice %arg7[%dma_wait3A_793, %dma_wait3A_809, %dma_wait3A_810] : memref<2x64x129xf32, #tpu.memory_space<vmem>> -> memref<1x8x128xf32, #tpu.memory_space<vmem>>
        %dma_wait3A_812 = tpu.memref_squeeze %dma_wait3A_811 : memref<1x8x128xf32, #tpu.memory_space<vmem>> -> memref<8x128xf32, #tpu.memory_space<vmem>>
        tpu.wait_dma2 semaphore(%arg10 : memref<!tpu.dma_semaphore, #tpu.memory_space<semaphore_mem>>) src(%dma_wait3A_812 : memref<8x128xf32, #tpu.memory_space<vmem>>) dst(%dma_wait3A_808 : memref<8x128xf32, #tpu.memory_space<hbm>>)
        %dma_wait3A_813 = arith.constant 0 : i32
        %dma_wait3A_814 = arith.constant 0 : i32
        %dma_wait3A_815 = arith.constant 0 : i32
        %dma_wait3A_816 = arith.constant 0 : i32
        %dma_wait3A_817 = arith.constant 0 : i32
        %dma_wait3A_818 = arith.constant 0 : i32
        %dma_wait3A_819 = tpu.memref_slice %arg7[%dma_wait3A_813, %dma_wait3A_817, %dma_wait3A_818] : memref<2x64x129xf32, #tpu.memory_space<vmem>> -> memref<1x8x128xf32, #tpu.memory_space<vmem>>
        %dma_wait3A_820 = tpu.memref_squeeze %dma_wait3A_819 : memref<1x8x128xf32, #tpu.memory_space<vmem>> -> memref<8x128xf32, #tpu.memory_space<vmem>>
        %dma_wait3A_821 = arith.constant 0 : i32
        %dma_wait3A_822 = arith.constant 0 : i32
        %dma_wait3A_823 = tpu.memref_slice %arg4[%dma_wait3A_814, %dma_wait3A_815, %dma_wait3A_816, %dma_wait3A_821, %dma_wait3A_822] : memref<50x8x32x8x128xf32, #tpu.memory_space<hbm>> -> memref<1x1x1x8x128xf32, #tpu.memory_space<hbm>>
        %dma_wait3A_824 = tpu.memref_squeeze %dma_wait3A_823 : memref<1x1x1x8x128xf32, #tpu.memory_space<hbm>> -> memref<8x128xf32, #tpu.memory_space<hbm>>
        %dma_wait3A_825 = arith.constant 0 : i32
        %dma_wait3A_826 = arith.constant 0 : i32
        %dma_wait3A_827 = tpu.memref_slice %arg4[%dma_wait3A_814, %dma_wait3A_815, %dma_wait3A_816, %dma_wait3A_825, %dma_wait3A_826] : memref<50x8x32x8x128xf32, #tpu.memory_space<hbm>> -> memref<1x1x1x8x128xf32, #tpu.memory_space<hbm>>
        %dma_wait3A_828 = tpu.memref_squeeze %dma_wait3A_827 : memref<1x1x1x8x128xf32, #tpu.memory_space<hbm>> -> memref<8x128xf32, #tpu.memory_space<hbm>>
        %dma_wait3A_829 = arith.constant 0 : i32
        %dma_wait3A_830 = arith.constant 0 : i32
        %dma_wait3A_831 = tpu.memref_slice %arg7[%dma_wait3A_813, %dma_wait3A_829, %dma_wait3A_830] : memref<2x64x129xf32, #tpu.memory_space<vmem>> -> memref<1x8x128xf32, #tpu.memory_space<vmem>>
        %dma_wait3A_832 = tpu.memref_squeeze %dma_wait3A_831 : memref<1x8x128xf32, #tpu.memory_space<vmem>> -> memref<8x128xf32, #tpu.memory_space<vmem>>
        tpu.wait_dma2 semaphore(%arg10 : memref<!tpu.dma_semaphore, #tpu.memory_space<semaphore_mem>>) src(%dma_wait3A_832 : memref<8x128xf32, #tpu.memory_space<vmem>>) dst(%dma_wait3A_828 : memref<8x128xf32, #tpu.memory_space<hbm>>)
        %dma_wait3A_833 = arith.constant 0 : i32
        %dma_wait3A_834 = arith.constant 0 : i32
        %dma_wait3A_835 = arith.constant 0 : i32
        %dma_wait3A_836 = arith.constant 0 : i32
        %dma_wait3A_837 = arith.constant 0 : i32
        %dma_wait3A_838 = arith.constant 0 : i32
        %dma_wait3A_839 = tpu.memref_slice %arg7[%dma_wait3A_833, %dma_wait3A_837, %dma_wait3A_838] : memref<2x64x129xf32, #tpu.memory_space<vmem>> -> memref<1x8x128xf32, #tpu.memory_space<vmem>>
        %dma_wait3A_840 = tpu.memref_squeeze %dma_wait3A_839 : memref<1x8x128xf32, #tpu.memory_space<vmem>> -> memref<8x128xf32, #tpu.memory_space<vmem>>
        %dma_wait3A_841 = arith.constant 0 : i32
        %dma_wait3A_842 = arith.constant 0 : i32
        %dma_wait3A_843 = tpu.memref_slice %arg4[%dma_wait3A_834, %dma_wait3A_835, %dma_wait3A_836, %dma_wait3A_841, %dma_wait3A_842] : memref<50x8x32x8x128xf32, #tpu.memory_space<hbm>> -> memref<1x1x1x8x128xf32, #tpu.memory_space<hbm>>
        %dma_wait3A_844 = tpu.memref_squeeze %dma_wait3A_843 : memref<1x1x1x8x128xf32, #tpu.memory_space<hbm>> -> memref<8x128xf32, #tpu.memory_space<hbm>>
        %dma_wait3A_845 = arith.constant 0 : i32
        %dma_wait3A_846 = arith.constant 0 : i32
        %dma_wait3A_847 = tpu.memref_slice %arg4[%dma_wait3A_834, %dma_wait3A_835, %dma_wait3A_836, %dma_wait3A_845, %dma_wait3A_846] : memref<50x8x32x8x128xf32, #tpu.memory_space<hbm>> -> memref<1x1x1x8x128xf32, #tpu.memory_space<hbm>>
        %dma_wait3A_848 = tpu.memref_squeeze %dma_wait3A_847 : memref<1x1x1x8x128xf32, #tpu.memory_space<hbm>> -> memref<8x128xf32, #tpu.memory_space<hbm>>
        %dma_wait3A_849 = arith.constant 0 : i32
        %dma_wait3A_850 = arith.constant 0 : i32
        %dma_wait3A_851 = tpu.memref_slice %arg7[%dma_wait3A_833, %dma_wait3A_849, %dma_wait3A_850] : memref<2x64x129xf32, #tpu.memory_space<vmem>> -> memref<1x8x128xf32, #tpu.memory_space<vmem>>
        %dma_wait3A_852 = tpu.memref_squeeze %dma_wait3A_851 : memref<1x8x128xf32, #tpu.memory_space<vmem>> -> memref<8x128xf32, #tpu.memory_space<vmem>>
        tpu.wait_dma2 semaphore(%arg10 : memref<!tpu.dma_semaphore, #tpu.memory_space<semaphore_mem>>) src(%dma_wait3A_852 : memref<8x128xf32, #tpu.memory_space<vmem>>) dst(%dma_wait3A_848 : memref<8x128xf32, #tpu.memory_space<hbm>>)
        %dma_wait3A_853 = arith.constant 0 : i32
        %dma_wait3A_854 = arith.constant 0 : i32
        %dma_wait3A_855 = arith.constant 0 : i32
        %dma_wait3A_856 = arith.constant 0 : i32
        %dma_wait3A_857 = arith.constant 0 : i32
        %dma_wait3A_858 = arith.constant 0 : i32
        %dma_wait3A_859 = tpu.memref_slice %arg7[%dma_wait3A_853, %dma_wait3A_857, %dma_wait3A_858] : memref<2x64x129xf32, #tpu.memory_space<vmem>> -> memref<1x8x128xf32, #tpu.memory_space<vmem>>
        %dma_wait3A_860 = tpu.memref_squeeze %dma_wait3A_859 : memref<1x8x128xf32, #tpu.memory_space<vmem>> -> memref<8x128xf32, #tpu.memory_space<vmem>>
        %dma_wait3A_861 = arith.constant 0 : i32
        %dma_wait3A_862 = arith.constant 0 : i32
        %dma_wait3A_863 = tpu.memref_slice %arg4[%dma_wait3A_854, %dma_wait3A_855, %dma_wait3A_856, %dma_wait3A_861, %dma_wait3A_862] : memref<50x8x32x8x128xf32, #tpu.memory_space<hbm>> -> memref<1x1x1x8x128xf32, #tpu.memory_space<hbm>>
        %dma_wait3A_864 = tpu.memref_squeeze %dma_wait3A_863 : memref<1x1x1x8x128xf32, #tpu.memory_space<hbm>> -> memref<8x128xf32, #tpu.memory_space<hbm>>
        %dma_wait3A_865 = arith.constant 0 : i32
        %dma_wait3A_866 = arith.constant 0 : i32
        %dma_wait3A_867 = tpu.memref_slice %arg4[%dma_wait3A_854, %dma_wait3A_855, %dma_wait3A_856, %dma_wait3A_865, %dma_wait3A_866] : memref<50x8x32x8x128xf32, #tpu.memory_space<hbm>> -> memref<1x1x1x8x128xf32, #tpu.memory_space<hbm>>
        %dma_wait3A_868 = tpu.memref_squeeze %dma_wait3A_867 : memref<1x1x1x8x128xf32, #tpu.memory_space<hbm>> -> memref<8x128xf32, #tpu.memory_space<hbm>>
        %dma_wait3A_869 = arith.constant 0 : i32
        %dma_wait3A_870 = arith.constant 0 : i32
        %dma_wait3A_871 = tpu.memref_slice %arg7[%dma_wait3A_853, %dma_wait3A_869, %dma_wait3A_870] : memref<2x64x129xf32, #tpu.memory_space<vmem>> -> memref<1x8x128xf32, #tpu.memory_space<vmem>>
        %dma_wait3A_872 = tpu.memref_squeeze %dma_wait3A_871 : memref<1x8x128xf32, #tpu.memory_space<vmem>> -> memref<8x128xf32, #tpu.memory_space<vmem>>
        tpu.wait_dma2 semaphore(%arg10 : memref<!tpu.dma_semaphore, #tpu.memory_space<semaphore_mem>>) src(%dma_wait3A_872 : memref<8x128xf32, #tpu.memory_space<vmem>>) dst(%dma_wait3A_868 : memref<8x128xf32, #tpu.memory_space<hbm>>)
      } else {
      }
      %scan3A_379 = arith.constant 0 : i32
      %scan3A_380 = arith.constant 0 : i32
      %scan3A_381 = arith.constant 16 : i32
      %scan3A_382 = arith.addi %scan3A_380, %scan3A_381 : i32
      %scan3A_383 = arith.constant 1 : i32
      %scan3A_384 = scf.for %scan3A_713 = %scan3A_380 to %scan3A_382 step %scan3A_383 iter_args(%scan3A_714 = %scan3A_379) -> (i32)  : i32 {
        %mul3A_715 = arith.constant 8 : i32
        %mul3A_716 = arith.muli %scan3A_713, %mul3A_715 : i32
        %add3A_717 = arith.constant 0 : i32
        %add3A_718 = arith.addi %mul3A_716, %add3A_717 : i32
        %mul3A_719 = arith.constant 0 : i32
        %mul3A_720 = vector.broadcast %mul3A_719 : i32 to vector<16xi32>
        %mul3A_721 = arith.muli %iota3A, %mul3A_720 : vector<16xi32>
        %add3A_722 = vector.broadcast %add3A_718 : i32 to vector<16xi32>
        %add3A_723 = arith.addi %mul3A_721, %add3A_722 : vector<16xi32>
        %get3A = arith.constant 0 : i32
        %get3A_724 = arith.index_cast %get3A : i32 to index
        %get3A_725 = arith.index_cast %add3A_718 : i32 to index
        %get3A_726 = arith.constant 0 : index
        %get3A_727 = tpu.vector_load %arg6[%get3A_724, %get3A_725, %get3A_726] {strides = array<i32>} : memref<2x128x64xf32, #tpu.memory_space<vmem>>, vector<16xf32>,
        %get3A_728 = arith.constant 0 : i32
        %get3A_729 = arith.index_cast %get3A_728 : i32 to index
        %get3A_730 = arith.index_cast %add3A_718 : i32 to index
        %get3A_731 = arith.constant 16 : index
        %get3A_732 = tpu.vector_load %arg6[%get3A_729, %get3A_730, %get3A_731] {strides = array<i32>} : memref<2x128x64xf32, #tpu.memory_space<vmem>>, vector<16xf32>,
        %get3A_733 = arith.constant 0 : i32
        %get3A_734 = arith.index_cast %get3A_733 : i32 to index
        %get3A_735 = arith.index_cast %add3A_718 : i32 to index
        %get3A_736 = arith.constant 32 : index
        %get3A_737 = tpu.vector_load %arg6[%get3A_734, %get3A_735, %get3A_736] {strides = array<i32>} : memref<2x128x64xf32, #tpu.memory_space<vmem>>, vector<16xf32>,
        %get3A_738 = arith.constant 0 : i32
        %get3A_739 = arith.index_cast %get3A_738 : i32 to index
        %get3A_740 = arith.index_cast %add3A_718 : i32 to index
        %get3A_741 = arith.constant 48 : index
        %get3A_742 = tpu.vector_load %arg6[%get3A_739, %get3A_740, %get3A_741] {strides = array<i32>} : memref<2x128x64xf32, #tpu.memory_space<vmem>>, vector<16xf32>,
        %scatter3A = arith.constant 0 : i32
        %scatter3A_743 = arith.constant 0 : i32
        %scatter3A_744 = arith.constant 0 : i32
        %scatter3A_745 = tpu.memref_slice %arg7[%scatter3A, %scatter3A_743, %scatter3A_744] : memref<2x64x129xf32, #tpu.memory_space<vmem>> -> memref<1x64x129xf32, #tpu.memory_space<vmem>>
        %scatter3A_746 = tpu.memref_squeeze %scatter3A_745 : memref<1x64x129xf32, #tpu.memory_space<vmem>> -> memref<64x129xf32, #tpu.memory_space<vmem>>
        tpu.vector_store_idx %scatter3A_746[%add3A_3, %add3A_723], %get3A_727 : memref<64x129xf32, #tpu.memory_space<vmem>>[vector<16xi32>, vector<16xi32>], vector<16xf32>,
        %scatter3A_747 = arith.constant 0 : i32
        %scatter3A_748 = arith.constant 0 : i32
        %scatter3A_749 = arith.constant 0 : i32
        %scatter3A_750 = tpu.memref_slice %arg7[%scatter3A_747, %scatter3A_748, %scatter3A_749] : memref<2x64x129xf32, #tpu.memory_space<vmem>> -> memref<1x64x129xf32, #tpu.memory_space<vmem>>
        %scatter3A_751 = tpu.memref_squeeze %scatter3A_750 : memref<1x64x129xf32, #tpu.memory_space<vmem>> -> memref<64x129xf32, #tpu.memory_space<vmem>>
        tpu.vector_store_idx %scatter3A_751[%add3A_6, %add3A_723], %get3A_732 : memref<64x129xf32, #tpu.memory_space<vmem>>[vector<16xi32>, vector<16xi32>], vector<16xf32>,
        %scatter3A_752 = arith.constant 0 : i32
        %scatter3A_753 = arith.constant 0 : i32
        %scatter3A_754 = arith.constant 0 : i32
        %scatter3A_755 = tpu.memref_slice %arg7[%scatter3A_752, %scatter3A_753, %scatter3A_754] : memref<2x64x129xf32, #tpu.memory_space<vmem>> -> memref<1x64x129xf32, #tpu.memory_space<vmem>>
        %scatter3A_756 = tpu.memref_squeeze %scatter3A_755 : memref<1x64x129xf32, #tpu.memory_space<vmem>> -> memref<64x129xf32, #tpu.memory_space<vmem>>
        tpu.vector_store_idx %scatter3A_756[%add3A_9, %add3A_723], %get3A_737 : memref<64x129xf32, #tpu.memory_space<vmem>>[vector<16xi32>, vector<16xi32>], vector<16xf32>,
        %scatter3A_757 = arith.constant 0 : i32
        %scatter3A_758 = arith.constant 0 : i32
        %scatter3A_759 = arith.constant 0 : i32
        %scatter3A_760 = tpu.memref_slice %arg7[%scatter3A_757, %scatter3A_758, %scatter3A_759] : memref<2x64x129xf32, #tpu.memory_space<vmem>> -> memref<1x64x129xf32, #tpu.memory_space<vmem>>
        %scatter3A_761 = tpu.memref_squeeze %scatter3A_760 : memref<1x64x129xf32, #tpu.memory_space<vmem>> -> memref<64x129xf32, #tpu.memory_space<vmem>>
        tpu.vector_store_idx %scatter3A_761[%add3A_12, %add3A_723], %get3A_742 : memref<64x129xf32, #tpu.memory_space<vmem>>[vector<16xi32>, vector<16xi32>], vector<16xf32>,
        %mul3A_762 = arith.constant 8 : i32
        %mul3A_763 = arith.muli %scan3A_713, %mul3A_762 : i32
        %add3A_764 = arith.constant 1 : i32
        %add3A_765 = arith.addi %mul3A_763, %add3A_764 : i32
        %mul3A_766 = arith.constant 0 : i32
        %mul3A_767 = vector.broadcast %mul3A_766 : i32 to vector<16xi32>
        %mul3A_768 = arith.muli %iota3A, %mul3A_767 : vector<16xi32>
        %add3A_769 = vector.broadcast %add3A_765 : i32 to vector<16xi32>
        %add3A_770 = arith.addi %mul3A_768, %add3A_769 : vector<16xi32>
        %get3A_771 = arith.constant 0 : i32
        %get3A_772 = arith.index_cast %get3A_771 : i32 to index
        %get3A_773 = arith.index_cast %add3A_765 : i32 to index
        %get3A_774 = arith.constant 0 : index
        %get3A_775 = tpu.vector_load %arg6[%get3A_772, %get3A_773, %get3A_774] {strides = array<i32>} : memref<2x128x64xf32, #tpu.memory_space<vmem>>, vector<16xf32>,
        %get3A_776 = arith.constant 0 : i32
        %get3A_777 = arith.index_cast %get3A_776 : i32 to index
        %get3A_778 = arith.index_cast %add3A_765 : i32 to index
        %get3A_779 = arith.constant 16 : index
        %get3A_780 = tpu.vector_load %arg6[%get3A_777, %get3A_778, %get3A_779] {strides = array<i32>} : memref<2x128x64xf32, #tpu.memory_space<vmem>>, vector<16xf32>,
        %get3A_781 = arith.constant 0 : i32
        %get3A_782 = arith.index_cast %get3A_781 : i32 to index
        %get3A_783 = arith.index_cast %add3A_765 : i32 to index
        %get3A_784 = arith.constant 32 : index
        %get3A_785 = tpu.vector_load %arg6[%get3A_782, %get3A_783, %get3A_784] {strides = array<i32>} : memref<2x128x64xf32, #tpu.memory_space<vmem>>, vector<16xf32>,
        %get3A_786 = arith.constant 0 : i32
        %get3A_787 = arith.index_cast %get3A_786 : i32 to index
        %get3A_788 = arith.index_cast %add3A_765 : i32 to index
        %get3A_789 = arith.constant 48 : index
        %get3A_790 = tpu.vector_load %arg6[%get3A_787, %get3A_788, %get3A_789] {strides = array<i32>} : memref<2x128x64xf32, #tpu.memory_space<vmem>>, vector<16xf32>,
        %scatter3A_791 = arith.constant 0 : i32
        %scatter3A_792 = arith.constant 0 : i32
        %scatter3A_793 = arith.constant 0 : i32
        %scatter3A_794 = tpu.memref_slice %arg7[%scatter3A_791, %scatter3A_792, %scatter3A_793] : memref<2x64x129xf32, #tpu.memory_space<vmem>> -> memref<1x64x129xf32, #tpu.memory_space<vmem>>
        %scatter3A_795 = tpu.memref_squeeze %scatter3A_794 : memref<1x64x129xf32, #tpu.memory_space<vmem>> -> memref<64x129xf32, #tpu.memory_space<vmem>>
        tpu.vector_store_idx %scatter3A_795[%add3A_3, %add3A_770], %get3A_775 : memref<64x129xf32, #tpu.memory_space<vmem>>[vector<16xi32>, vector<16xi32>], vector<16xf32>,
        %scatter3A_796 = arith.constant 0 : i32
        %scatter3A_797 = arith.constant 0 : i32
        %scatter3A_798 = arith.constant 0 : i32
        %scatter3A_799 = tpu.memref_slice %arg7[%scatter3A_796, %scatter3A_797, %scatter3A_798] : memref<2x64x129xf32, #tpu.memory_space<vmem>> -> memref<1x64x129xf32, #tpu.memory_space<vmem>>
        %scatter3A_800 = tpu.memref_squeeze %scatter3A_799 : memref<1x64x129xf32, #tpu.memory_space<vmem>> -> memref<64x129xf32, #tpu.memory_space<vmem>>
        tpu.vector_store_idx %scatter3A_800[%add3A_6, %add3A_770], %get3A_780 : memref<64x129xf32, #tpu.memory_space<vmem>>[vector<16xi32>, vector<16xi32>], vector<16xf32>,
        %scatter3A_801 = arith.constant 0 : i32
        %scatter3A_802 = arith.constant 0 : i32
        %scatter3A_803 = arith.constant 0 : i32
        %scatter3A_804 = tpu.memref_slice %arg7[%scatter3A_801, %scatter3A_802, %scatter3A_803] : memref<2x64x129xf32, #tpu.memory_space<vmem>> -> memref<1x64x129xf32, #tpu.memory_space<vmem>>
        %scatter3A_805 = tpu.memref_squeeze %scatter3A_804 : memref<1x64x129xf32, #tpu.memory_space<vmem>> -> memref<64x129xf32, #tpu.memory_space<vmem>>
        tpu.vector_store_idx %scatter3A_805[%add3A_9, %add3A_770], %get3A_785 : memref<64x129xf32, #tpu.memory_space<vmem>>[vector<16xi32>, vector<16xi32>], vector<16xf32>,
        %scatter3A_806 = arith.constant 0 : i32
        %scatter3A_807 = arith.constant 0 : i32
        %scatter3A_808 = arith.constant 0 : i32
        %scatter3A_809 = tpu.memref_slice %arg7[%scatter3A_806, %scatter3A_807, %scatter3A_808] : memref<2x64x129xf32, #tpu.memory_space<vmem>> -> memref<1x64x129xf32, #tpu.memory_space<vmem>>
        %scatter3A_810 = tpu.memref_squeeze %scatter3A_809 : memref<1x64x129xf32, #tpu.memory_space<vmem>> -> memref<64x129xf32, #tpu.memory_space<vmem>>
        tpu.vector_store_idx %scatter3A_810[%add3A_12, %add3A_770], %get3A_790 : memref<64x129xf32, #tpu.memory_space<vmem>>[vector<16xi32>, vector<16xi32>], vector<16xf32>,
        %mul3A_811 = arith.constant 8 : i32
        %mul3A_812 = arith.muli %scan3A_713, %mul3A_811 : i32
        %add3A_813 = arith.constant 2 : i32
        %add3A_814 = arith.addi %mul3A_812, %add3A_813 : i32
        %mul3A_815 = arith.constant 0 : i32
        %mul3A_816 = vector.broadcast %mul3A_815 : i32 to vector<16xi32>
        %mul3A_817 = arith.muli %iota3A, %mul3A_816 : vector<16xi32>
        %add3A_818 = vector.broadcast %add3A_814 : i32 to vector<16xi32>
        %add3A_819 = arith.addi %mul3A_817, %add3A_818 : vector<16xi32>
        %get3A_820 = arith.constant 0 : i32
        %get3A_821 = arith.index_cast %get3A_820 : i32 to index
        %get3A_822 = arith.index_cast %add3A_814 : i32 to index
        %get3A_823 = arith.constant 0 : index
        %get3A_824 = tpu.vector_load %arg6[%get3A_821, %get3A_822, %get3A_823] {strides = array<i32>} : memref<2x128x64xf32, #tpu.memory_space<vmem>>, vector<16xf32>,
        %get3A_825 = arith.constant 0 : i32
        %get3A_826 = arith.index_cast %get3A_825 : i32 to index
        %get3A_827 = arith.index_cast %add3A_814 : i32 to index
        %get3A_828 = arith.constant 16 : index
        %get3A_829 = tpu.vector_load %arg6[%get3A_826, %get3A_827, %get3A_828] {strides = array<i32>} : memref<2x128x64xf32, #tpu.memory_space<vmem>>, vector<16xf32>,
        %get3A_830 = arith.constant 0 : i32
        %get3A_831 = arith.index_cast %get3A_830 : i32 to index
        %get3A_832 = arith.index_cast %add3A_814 : i32 to index
        %get3A_833 = arith.constant 32 : index
        %get3A_834 = tpu.vector_load %arg6[%get3A_831, %get3A_832, %get3A_833] {strides = array<i32>} : memref<2x128x64xf32, #tpu.memory_space<vmem>>, vector<16xf32>,
        %get3A_835 = arith.constant 0 : i32
        %get3A_836 = arith.index_cast %get3A_835 : i32 to index
        %get3A_837 = arith.index_cast %add3A_814 : i32 to index
        %get3A_838 = arith.constant 48 : index
        %get3A_839 = tpu.vector_load %arg6[%get3A_836, %get3A_837, %get3A_838] {strides = array<i32>} : memref<2x128x64xf32, #tpu.memory_space<vmem>>, vector<16xf32>,
        %scatter3A_840 = arith.constant 0 : i32
        %scatter3A_841 = arith.constant 0 : i32
        %scatter3A_842 = arith.constant 0 : i32
        %scatter3A_843 = tpu.memref_slice %arg7[%scatter3A_840, %scatter3A_841, %scatter3A_842] : memref<2x64x129xf32, #tpu.memory_space<vmem>> -> memref<1x64x129xf32, #tpu.memory_space<vmem>>
        %scatter3A_844 = tpu.memref_squeeze %scatter3A_843 : memref<1x64x129xf32, #tpu.memory_space<vmem>> -> memref<64x129xf32, #tpu.memory_space<vmem>>
        tpu.vector_store_idx %scatter3A_844[%add3A_3, %add3A_819], %get3A_824 : memref<64x129xf32, #tpu.memory_space<vmem>>[vector<16xi32>, vector<16xi32>], vector<16xf32>,
        %scatter3A_845 = arith.constant 0 : i32
        %scatter3A_846 = arith.constant 0 : i32
        %scatter3A_847 = arith.constant 0 : i32
        %scatter3A_848 = tpu.memref_slice %arg7[%scatter3A_845, %scatter3A_846, %scatter3A_847] : memref<2x64x129xf32, #tpu.memory_space<vmem>> -> memref<1x64x129xf32, #tpu.memory_space<vmem>>
        %scatter3A_849 = tpu.memref_squeeze %scatter3A_848 : memref<1x64x129xf32, #tpu.memory_space<vmem>> -> memref<64x129xf32, #tpu.memory_space<vmem>>
        tpu.vector_store_idx %scatter3A_849[%add3A_6, %add3A_819], %get3A_829 : memref<64x129xf32, #tpu.memory_space<vmem>>[vector<16xi32>, vector<16xi32>], vector<16xf32>,
        %scatter3A_850 = arith.constant 0 : i32
        %scatter3A_851 = arith.constant 0 : i32
        %scatter3A_852 = arith.constant 0 : i32
        %scatter3A_853 = tpu.memref_slice %arg7[%scatter3A_850, %scatter3A_851, %scatter3A_852] : memref<2x64x129xf32, #tpu.memory_space<vmem>> -> memref<1x64x129xf32, #tpu.memory_space<vmem>>
        %scatter3A_854 = tpu.memref_squeeze %scatter3A_853 : memref<1x64x129xf32, #tpu.memory_space<vmem>> -> memref<64x129xf32, #tpu.memory_space<vmem>>
        tpu.vector_store_idx %scatter3A_854[%add3A_9, %add3A_819], %get3A_834 : memref<64x129xf32, #tpu.memory_space<vmem>>[vector<16xi32>, vector<16xi32>], vector<16xf32>,
        %scatter3A_855 = arith.constant 0 : i32
        %scatter3A_856 = arith.constant 0 : i32
        %scatter3A_857 = arith.constant 0 : i32
        %scatter3A_858 = tpu.memref_slice %arg7[%scatter3A_855, %scatter3A_856, %scatter3A_857] : memref<2x64x129xf32, #tpu.memory_space<vmem>> -> memref<1x64x129xf32, #tpu.memory_space<vmem>>
        %scatter3A_859 = tpu.memref_squeeze %scatter3A_858 : memref<1x64x129xf32, #tpu.memory_space<vmem>> -> memref<64x129xf32, #tpu.memory_space<vmem>>
        tpu.vector_store_idx %scatter3A_859[%add3A_12, %add3A_819], %get3A_839 : memref<64x129xf32, #tpu.memory_space<vmem>>[vector<16xi32>, vector<16xi32>], vector<16xf32>,
        %mul3A_860 = arith.constant 8 : i32
        %mul3A_861 = arith.muli %scan3A_713, %mul3A_860 : i32
        %add3A_862 = arith.constant 3 : i32
        %add3A_863 = arith.addi %mul3A_861, %add3A_862 : i32
        %mul3A_864 = arith.constant 0 : i32
        %mul3A_865 = vector.broadcast %mul3A_864 : i32 to vector<16xi32>
        %mul3A_866 = arith.muli %iota3A, %mul3A_865 : vector<16xi32>
        %add3A_867 = vector.broadcast %add3A_863 : i32 to vector<16xi32>
        %add3A_868 = arith.addi %mul3A_866, %add3A_867 : vector<16xi32>
        %get3A_869 = arith.constant 0 : i32
        %get3A_870 = arith.index_cast %get3A_869 : i32 to index
        %get3A_871 = arith.index_cast %add3A_863 : i32 to index
        %get3A_872 = arith.constant 0 : index
        %get3A_873 = tpu.vector_load %arg6[%get3A_870, %get3A_871, %get3A_872] {strides = array<i32>} : memref<2x128x64xf32, #tpu.memory_space<vmem>>, vector<16xf32>,
        %get3A_874 = arith.constant 0 : i32
        %get3A_875 = arith.index_cast %get3A_874 : i32 to index
        %get3A_876 = arith.index_cast %add3A_863 : i32 to index
        %get3A_877 = arith.constant 16 : index
        %get3A_878 = tpu.vector_load %arg6[%get3A_875, %get3A_876, %get3A_877] {strides = array<i32>} : memref<2x128x64xf32, #tpu.memory_space<vmem>>, vector<16xf32>,
        %get3A_879 = arith.constant 0 : i32
        %get3A_880 = arith.index_cast %get3A_879 : i32 to index
        %get3A_881 = arith.index_cast %add3A_863 : i32 to index
        %get3A_882 = arith.constant 32 : index
        %get3A_883 = tpu.vector_load %arg6[%get3A_880, %get3A_881, %get3A_882] {strides = array<i32>} : memref<2x128x64xf32, #tpu.memory_space<vmem>>, vector<16xf32>,
        %get3A_884 = arith.constant 0 : i32
        %get3A_885 = arith.index_cast %get3A_884 : i32 to index
        %get3A_886 = arith.index_cast %add3A_863 : i32 to index
        %get3A_887 = arith.constant 48 : index
        %get3A_888 = tpu.vector_load %arg6[%get3A_885, %get3A_886, %get3A_887] {strides = array<i32>} : memref<2x128x64xf32, #tpu.memory_space<vmem>>, vector<16xf32>,
        %scatter3A_889 = arith.constant 0 : i32
        %scatter3A_890 = arith.constant 0 : i32
        %scatter3A_891 = arith.constant 0 : i32
        %scatter3A_892 = tpu.memref_slice %arg7[%scatter3A_889, %scatter3A_890, %scatter3A_891] : memref<2x64x129xf32, #tpu.memory_space<vmem>> -> memref<1x64x129xf32, #tpu.memory_space<vmem>>
        %scatter3A_893 = tpu.memref_squeeze %scatter3A_892 : memref<1x64x129xf32, #tpu.memory_space<vmem>> -> memref<64x129xf32, #tpu.memory_space<vmem>>
        tpu.vector_store_idx %scatter3A_893[%add3A_3, %add3A_868], %get3A_873 : memref<64x129xf32, #tpu.memory_space<vmem>>[vector<16xi32>, vector<16xi32>], vector<16xf32>,
        %scatter3A_894 = arith.constant 0 : i32
        %scatter3A_895 = arith.constant 0 : i32
        %scatter3A_896 = arith.constant 0 : i32
        %scatter3A_897 = tpu.memref_slice %arg7[%scatter3A_894, %scatter3A_895, %scatter3A_896] : memref<2x64x129xf32, #tpu.memory_space<vmem>> -> memref<1x64x129xf32, #tpu.memory_space<vmem>>
        %scatter3A_898 = tpu.memref_squeeze %scatter3A_897 : memref<1x64x129xf32, #tpu.memory_space<vmem>> -> memref<64x129xf32, #tpu.memory_space<vmem>>
        tpu.vector_store_idx %scatter3A_898[%add3A_6, %add3A_868], %get3A_878 : memref<64x129xf32, #tpu.memory_space<vmem>>[vector<16xi32>, vector<16xi32>], vector<16xf32>,
        %scatter3A_899 = arith.constant 0 : i32
        %scatter3A_900 = arith.constant 0 : i32
        %scatter3A_901 = arith.constant 0 : i32
        %scatter3A_902 = tpu.memref_slice %arg7[%scatter3A_899, %scatter3A_900, %scatter3A_901] : memref<2x64x129xf32, #tpu.memory_space<vmem>> -> memref<1x64x129xf32, #tpu.memory_space<vmem>>
        %scatter3A_903 = tpu.memref_squeeze %scatter3A_902 : memref<1x64x129xf32, #tpu.memory_space<vmem>> -> memref<64x129xf32, #tpu.memory_space<vmem>>
        tpu.vector_store_idx %scatter3A_903[%add3A_9, %add3A_868], %get3A_883 : memref<64x129xf32, #tpu.memory_space<vmem>>[vector<16xi32>, vector<16xi32>], vector<16xf32>,
        %scatter3A_904 = arith.constant 0 : i32
        %scatter3A_905 = arith.constant 0 : i32
        %scatter3A_906 = arith.constant 0 : i32
        %scatter3A_907 = tpu.memref_slice %arg7[%scatter3A_904, %scatter3A_905, %scatter3A_906] : memref<2x64x129xf32, #tpu.memory_space<vmem>> -> memref<1x64x129xf32, #tpu.memory_space<vmem>>
        %scatter3A_908 = tpu.memref_squeeze %scatter3A_907 : memref<1x64x129xf32, #tpu.memory_space<vmem>> -> memref<64x129xf32, #tpu.memory_space<vmem>>
        tpu.vector_store_idx %scatter3A_908[%add3A_12, %add3A_868], %get3A_888 : memref<64x129xf32, #tpu.memory_space<vmem>>[vector<16xi32>, vector<16xi32>], vector<16xf32>,
        %mul3A_909 = arith.constant 8 : i32
        %mul3A_910 = arith.muli %scan3A_713, %mul3A_909 : i32
        %add3A_911 = arith.constant 4 : i32
        %add3A_912 = arith.addi %mul3A_910, %add3A_911 : i32
        %mul3A_913 = arith.constant 0 : i32
        %mul3A_914 = vector.broadcast %mul3A_913 : i32 to vector<16xi32>
        %mul3A_915 = arith.muli %iota3A, %mul3A_914 : vector<16xi32>
        %add3A_916 = vector.broadcast %add3A_912 : i32 to vector<16xi32>
        %add3A_917 = arith.addi %mul3A_915, %add3A_916 : vector<16xi32>
        %get3A_918 = arith.constant 0 : i32
        %get3A_919 = arith.index_cast %get3A_918 : i32 to index
        %get3A_920 = arith.index_cast %add3A_912 : i32 to index
        %get3A_921 = arith.constant 0 : index
        %get3A_922 = tpu.vector_load %arg6[%get3A_919, %get3A_920, %get3A_921] {strides = array<i32>} : memref<2x128x64xf32, #tpu.memory_space<vmem>>, vector<16xf32>,
        %get3A_923 = arith.constant 0 : i32
        %get3A_924 = arith.index_cast %get3A_923 : i32 to index
        %get3A_925 = arith.index_cast %add3A_912 : i32 to index
        %get3A_926 = arith.constant 16 : index
        %get3A_927 = tpu.vector_load %arg6[%get3A_924, %get3A_925, %get3A_926] {strides = array<i32>} : memref<2x128x64xf32, #tpu.memory_space<vmem>>, vector<16xf32>,
        %get3A_928 = arith.constant 0 : i32
        %get3A_929 = arith.index_cast %get3A_928 : i32 to index
        %get3A_930 = arith.index_cast %add3A_912 : i32 to index
        %get3A_931 = arith.constant 32 : index
        %get3A_932 = tpu.vector_load %arg6[%get3A_929, %get3A_930, %get3A_931] {strides = array<i32>} : memref<2x128x64xf32, #tpu.memory_space<vmem>>, vector<16xf32>,
        %get3A_933 = arith.constant 0 : i32
        %get3A_934 = arith.index_cast %get3A_933 : i32 to index
        %get3A_935 = arith.index_cast %add3A_912 : i32 to index
        %get3A_936 = arith.constant 48 : index
        %get3A_937 = tpu.vector_load %arg6[%get3A_934, %get3A_935, %get3A_936] {strides = array<i32>} : memref<2x128x64xf32, #tpu.memory_space<vmem>>, vector<16xf32>,
        %scatter3A_938 = arith.constant 0 : i32
        %scatter3A_939 = arith.constant 0 : i32
        %scatter3A_940 = arith.constant 0 : i32
        %scatter3A_941 = tpu.memref_slice %arg7[%scatter3A_938, %scatter3A_939, %scatter3A_940] : memref<2x64x129xf32, #tpu.memory_space<vmem>> -> memref<1x64x129xf32, #tpu.memory_space<vmem>>
        %scatter3A_942 = tpu.memref_squeeze %scatter3A_941 : memref<1x64x129xf32, #tpu.memory_space<vmem>> -> memref<64x129xf32, #tpu.memory_space<vmem>>
        tpu.vector_store_idx %scatter3A_942[%add3A_3, %add3A_917], %get3A_922 : memref<64x129xf32, #tpu.memory_space<vmem>>[vector<16xi32>, vector<16xi32>], vector<16xf32>,
        %scatter3A_943 = arith.constant 0 : i32
        %scatter3A_944 = arith.constant 0 : i32
        %scatter3A_945 = arith.constant 0 : i32
        %scatter3A_946 = tpu.memref_slice %arg7[%scatter3A_943, %scatter3A_944, %scatter3A_945] : memref<2x64x129xf32, #tpu.memory_space<vmem>> -> memref<1x64x129xf32, #tpu.memory_space<vmem>>
        %scatter3A_947 = tpu.memref_squeeze %scatter3A_946 : memref<1x64x129xf32, #tpu.memory_space<vmem>> -> memref<64x129xf32, #tpu.memory_space<vmem>>
        tpu.vector_store_idx %scatter3A_947[%add3A_6, %add3A_917], %get3A_927 : memref<64x129xf32, #tpu.memory_space<vmem>>[vector<16xi32>, vector<16xi32>], vector<16xf32>,
        %scatter3A_948 = arith.constant 0 : i32
        %scatter3A_949 = arith.constant 0 : i32
        %scatter3A_950 = arith.constant 0 : i32
        %scatter3A_951 = tpu.memref_slice %arg7[%scatter3A_948, %scatter3A_949, %scatter3A_950] : memref<2x64x129xf32, #tpu.memory_space<vmem>> -> memref<1x64x129xf32, #tpu.memory_space<vmem>>
        %scatter3A_952 = tpu.memref_squeeze %scatter3A_951 : memref<1x64x129xf32, #tpu.memory_space<vmem>> -> memref<64x129xf32, #tpu.memory_space<vmem>>
        tpu.vector_store_idx %scatter3A_952[%add3A_9, %add3A_917], %get3A_932 : memref<64x129xf32, #tpu.memory_space<vmem>>[vector<16xi32>, vector<16xi32>], vector<16xf32>,
        %scatter3A_953 = arith.constant 0 : i32
        %scatter3A_954 = arith.constant 0 : i32
        %scatter3A_955 = arith.constant 0 : i32
        %scatter3A_956 = tpu.memref_slice %arg7[%scatter3A_953, %scatter3A_954, %scatter3A_955] : memref<2x64x129xf32, #tpu.memory_space<vmem>> -> memref<1x64x129xf32, #tpu.memory_space<vmem>>
        %scatter3A_957 = tpu.memref_squeeze %scatter3A_956 : memref<1x64x129xf32, #tpu.memory_space<vmem>> -> memref<64x129xf32, #tpu.memory_space<vmem>>
        tpu.vector_store_idx %scatter3A_957[%add3A_12, %add3A_917], %get3A_937 : memref<64x129xf32, #tpu.memory_space<vmem>>[vector<16xi32>, vector<16xi32>], vector<16xf32>,
        %mul3A_958 = arith.constant 8 : i32
        %mul3A_959 = arith.muli %scan3A_713, %mul3A_958 : i32
        %add3A_960 = arith.constant 5 : i32
        %add3A_961 = arith.addi %mul3A_959, %add3A_960 : i32
        %mul3A_962 = arith.constant 0 : i32
        %mul3A_963 = vector.broadcast %mul3A_962 : i32 to vector<16xi32>
        %mul3A_964 = arith.muli %iota3A, %mul3A_963 : vector<16xi32>
        %add3A_965 = vector.broadcast %add3A_961 : i32 to vector<16xi32>
        %add3A_966 = arith.addi %mul3A_964, %add3A_965 : vector<16xi32>
        %get3A_967 = arith.constant 0 : i32
        %get3A_968 = arith.index_cast %get3A_967 : i32 to index
        %get3A_969 = arith.index_cast %add3A_961 : i32 to index
        %get3A_970 = arith.constant 0 : index
        %get3A_971 = tpu.vector_load %arg6[%get3A_968, %get3A_969, %get3A_970] {strides = array<i32>} : memref<2x128x64xf32, #tpu.memory_space<vmem>>, vector<16xf32>,
        %get3A_972 = arith.constant 0 : i32
        %get3A_973 = arith.index_cast %get3A_972 : i32 to index
        %get3A_974 = arith.index_cast %add3A_961 : i32 to index
        %get3A_975 = arith.constant 16 : index
        %get3A_976 = tpu.vector_load %arg6[%get3A_973, %get3A_974, %get3A_975] {strides = array<i32>} : memref<2x128x64xf32, #tpu.memory_space<vmem>>, vector<16xf32>,
        %get3A_977 = arith.constant 0 : i32
        %get3A_978 = arith.index_cast %get3A_977 : i32 to index
        %get3A_979 = arith.index_cast %add3A_961 : i32 to index
        %get3A_980 = arith.constant 32 : index
        %get3A_981 = tpu.vector_load %arg6[%get3A_978, %get3A_979, %get3A_980] {strides = array<i32>} : memref<2x128x64xf32, #tpu.memory_space<vmem>>, vector<16xf32>,
        %get3A_982 = arith.constant 0 : i32
        %get3A_983 = arith.index_cast %get3A_982 : i32 to index
        %get3A_984 = arith.index_cast %add3A_961 : i32 to index
        %get3A_985 = arith.constant 48 : index
        %get3A_986 = tpu.vector_load %arg6[%get3A_983, %get3A_984, %get3A_985] {strides = array<i32>} : memref<2x128x64xf32, #tpu.memory_space<vmem>>, vector<16xf32>,
        %scatter3A_987 = arith.constant 0 : i32
        %scatter3A_988 = arith.constant 0 : i32
        %scatter3A_989 = arith.constant 0 : i32
        %scatter3A_990 = tpu.memref_slice %arg7[%scatter3A_987, %scatter3A_988, %scatter3A_989] : memref<2x64x129xf32, #tpu.memory_space<vmem>> -> memref<1x64x129xf32, #tpu.memory_space<vmem>>
        %scatter3A_991 = tpu.memref_squeeze %scatter3A_990 : memref<1x64x129xf32, #tpu.memory_space<vmem>> -> memref<64x129xf32, #tpu.memory_space<vmem>>
        tpu.vector_store_idx %scatter3A_991[%add3A_3, %add3A_966], %get3A_971 : memref<64x129xf32, #tpu.memory_space<vmem>>[vector<16xi32>, vector<16xi32>], vector<16xf32>,
        %scatter3A_992 = arith.constant 0 : i32
        %scatter3A_993 = arith.constant 0 : i32
        %scatter3A_994 = arith.constant 0 : i32
        %scatter3A_995 = tpu.memref_slice %arg7[%scatter3A_992, %scatter3A_993, %scatter3A_994] : memref<2x64x129xf32, #tpu.memory_space<vmem>> -> memref<1x64x129xf32, #tpu.memory_space<vmem>>
        %scatter3A_996 = tpu.memref_squeeze %scatter3A_995 : memref<1x64x129xf32, #tpu.memory_space<vmem>> -> memref<64x129xf32, #tpu.memory_space<vmem>>
        tpu.vector_store_idx %scatter3A_996[%add3A_6, %add3A_966], %get3A_976 : memref<64x129xf32, #tpu.memory_space<vmem>>[vector<16xi32>, vector<16xi32>], vector<16xf32>,
        %scatter3A_997 = arith.constant 0 : i32
        %scatter3A_998 = arith.constant 0 : i32
        %scatter3A_999 = arith.constant 0 : i32
        %scatter3A_1000 = tpu.memref_slice %arg7[%scatter3A_997, %scatter3A_998, %scatter3A_999] : memref<2x64x129xf32, #tpu.memory_space<vmem>> -> memref<1x64x129xf32, #tpu.memory_space<vmem>>
        %scatter3A_1001 = tpu.memref_squeeze %scatter3A_1000 : memref<1x64x129xf32, #tpu.memory_space<vmem>> -> memref<64x129xf32, #tpu.memory_space<vmem>>
        tpu.vector_store_idx %scatter3A_1001[%add3A_9, %add3A_966], %get3A_981 : memref<64x129xf32, #tpu.memory_space<vmem>>[vector<16xi32>, vector<16xi32>], vector<16xf32>,
        %scatter3A_1002 = arith.constant 0 : i32
        %scatter3A_1003 = arith.constant 0 : i32
        %scatter3A_1004 = arith.constant 0 : i32
        %scatter3A_1005 = tpu.memref_slice %arg7[%scatter3A_1002, %scatter3A_1003, %scatter3A_1004] : memref<2x64x129xf32, #tpu.memory_space<vmem>> -> memref<1x64x129xf32, #tpu.memory_space<vmem>>
        %scatter3A_1006 = tpu.memref_squeeze %scatter3A_1005 : memref<1x64x129xf32, #tpu.memory_space<vmem>> -> memref<64x129xf32, #tpu.memory_space<vmem>>
        tpu.vector_store_idx %scatter3A_1006[%add3A_12, %add3A_966], %get3A_986 : memref<64x129xf32, #tpu.memory_space<vmem>>[vector<16xi32>, vector<16xi32>], vector<16xf32>,
        %mul3A_1007 = arith.constant 8 : i32
        %mul3A_1008 = arith.muli %scan3A_713, %mul3A_1007 : i32
        %add3A_1009 = arith.constant 6 : i32
        %add3A_1010 = arith.addi %mul3A_1008, %add3A_1009 : i32
        %mul3A_1011 = arith.constant 0 : i32
        %mul3A_1012 = vector.broadcast %mul3A_1011 : i32 to vector<16xi32>
        %mul3A_1013 = arith.muli %iota3A, %mul3A_1012 : vector<16xi32>
        %add3A_1014 = vector.broadcast %add3A_1010 : i32 to vector<16xi32>
        %add3A_1015 = arith.addi %mul3A_1013, %add3A_1014 : vector<16xi32>
        %get3A_1016 = arith.constant 0 : i32
        %get3A_1017 = arith.index_cast %get3A_1016 : i32 to index
        %get3A_1018 = arith.index_cast %add3A_1010 : i32 to index
        %get3A_1019 = arith.constant 0 : index
        %get3A_1020 = tpu.vector_load %arg6[%get3A_1017, %get3A_1018, %get3A_1019] {strides = array<i32>} : memref<2x128x64xf32, #tpu.memory_space<vmem>>, vector<16xf32>,
        %get3A_1021 = arith.constant 0 : i32
        %get3A_1022 = arith.index_cast %get3A_1021 : i32 to index
        %get3A_1023 = arith.index_cast %add3A_1010 : i32 to index
        %get3A_1024 = arith.constant 16 : index
        %get3A_1025 = tpu.vector_load %arg6[%get3A_1022, %get3A_1023, %get3A_1024] {strides = array<i32>} : memref<2x128x64xf32, #tpu.memory_space<vmem>>, vector<16xf32>,
        %get3A_1026 = arith.constant 0 : i32
        %get3A_1027 = arith.index_cast %get3A_1026 : i32 to index
        %get3A_1028 = arith.index_cast %add3A_1010 : i32 to index
        %get3A_1029 = arith.constant 32 : index
        %get3A_1030 = tpu.vector_load %arg6[%get3A_1027, %get3A_1028, %get3A_1029] {strides = array<i32>} : memref<2x128x64xf32, #tpu.memory_space<vmem>>, vector<16xf32>,
        %get3A_1031 = arith.constant 0 : i32
        %get3A_1032 = arith.index_cast %get3A_1031 : i32 to index
        %get3A_1033 = arith.index_cast %add3A_1010 : i32 to index
        %get3A_1034 = arith.constant 48 : index
        %get3A_1035 = tpu.vector_load %arg6[%get3A_1032, %get3A_1033, %get3A_1034] {strides = array<i32>} : memref<2x128x64xf32, #tpu.memory_space<vmem>>, vector<16xf32>,
        %scatter3A_1036 = arith.constant 0 : i32
        %scatter3A_1037 = arith.constant 0 : i32
        %scatter3A_1038 = arith.constant 0 : i32
        %scatter3A_1039 = tpu.memref_slice %arg7[%scatter3A_1036, %scatter3A_1037, %scatter3A_1038] : memref<2x64x129xf32, #tpu.memory_space<vmem>> -> memref<1x64x129xf32, #tpu.memory_space<vmem>>
        %scatter3A_1040 = tpu.memref_squeeze %scatter3A_1039 : memref<1x64x129xf32, #tpu.memory_space<vmem>> -> memref<64x129xf32, #tpu.memory_space<vmem>>
        tpu.vector_store_idx %scatter3A_1040[%add3A_3, %add3A_1015], %get3A_1020 : memref<64x129xf32, #tpu.memory_space<vmem>>[vector<16xi32>, vector<16xi32>], vector<16xf32>,
        %scatter3A_1041 = arith.constant 0 : i32
        %scatter3A_1042 = arith.constant 0 : i32
        %scatter3A_1043 = arith.constant 0 : i32
        %scatter3A_1044 = tpu.memref_slice %arg7[%scatter3A_1041, %scatter3A_1042, %scatter3A_1043] : memref<2x64x129xf32, #tpu.memory_space<vmem>> -> memref<1x64x129xf32, #tpu.memory_space<vmem>>
        %scatter3A_1045 = tpu.memref_squeeze %scatter3A_1044 : memref<1x64x129xf32, #tpu.memory_space<vmem>> -> memref<64x129xf32, #tpu.memory_space<vmem>>
        tpu.vector_store_idx %scatter3A_1045[%add3A_6, %add3A_1015], %get3A_1025 : memref<64x129xf32, #tpu.memory_space<vmem>>[vector<16xi32>, vector<16xi32>], vector<16xf32>,
        %scatter3A_1046 = arith.constant 0 : i32
        %scatter3A_1047 = arith.constant 0 : i32
        %scatter3A_1048 = arith.constant 0 : i32
        %scatter3A_1049 = tpu.memref_slice %arg7[%scatter3A_1046, %scatter3A_1047, %scatter3A_1048] : memref<2x64x129xf32, #tpu.memory_space<vmem>> -> memref<1x64x129xf32, #tpu.memory_space<vmem>>
        %scatter3A_1050 = tpu.memref_squeeze %scatter3A_1049 : memref<1x64x129xf32, #tpu.memory_space<vmem>> -> memref<64x129xf32, #tpu.memory_space<vmem>>
        tpu.vector_store_idx %scatter3A_1050[%add3A_9, %add3A_1015], %get3A_1030 : memref<64x129xf32, #tpu.memory_space<vmem>>[vector<16xi32>, vector<16xi32>], vector<16xf32>,
        %scatter3A_1051 = arith.constant 0 : i32
        %scatter3A_1052 = arith.constant 0 : i32
        %scatter3A_1053 = arith.constant 0 : i32
        %scatter3A_1054 = tpu.memref_slice %arg7[%scatter3A_1051, %scatter3A_1052, %scatter3A_1053] : memref<2x64x129xf32, #tpu.memory_space<vmem>> -> memref<1x64x129xf32, #tpu.memory_space<vmem>>
        %scatter3A_1055 = tpu.memref_squeeze %scatter3A_1054 : memref<1x64x129xf32, #tpu.memory_space<vmem>> -> memref<64x129xf32, #tpu.memory_space<vmem>>
        tpu.vector_store_idx %scatter3A_1055[%add3A_12, %add3A_1015], %get3A_1035 : memref<64x129xf32, #tpu.memory_space<vmem>>[vector<16xi32>, vector<16xi32>], vector<16xf32>,
        %mul3A_1056 = arith.constant 8 : i32
        %mul3A_1057 = arith.muli %scan3A_713, %mul3A_1056 : i32
        %add3A_1058 = arith.constant 7 : i32
        %add3A_1059 = arith.addi %mul3A_1057, %add3A_1058 : i32
        %mul3A_1060 = arith.constant 0 : i32
        %mul3A_1061 = vector.broadcast %mul3A_1060 : i32 to vector<16xi32>
        %mul3A_1062 = arith.muli %iota3A, %mul3A_1061 : vector<16xi32>
        %add3A_1063 = vector.broadcast %add3A_1059 : i32 to vector<16xi32>
        %add3A_1064 = arith.addi %mul3A_1062, %add3A_1063 : vector<16xi32>
        %get3A_1065 = arith.constant 0 : i32
        %get3A_1066 = arith.index_cast %get3A_1065 : i32 to index
        %get3A_1067 = arith.index_cast %add3A_1059 : i32 to index
        %get3A_1068 = arith.constant 0 : index
        %get3A_1069 = tpu.vector_load %arg6[%get3A_1066, %get3A_1067, %get3A_1068] {strides = array<i32>} : memref<2x128x64xf32, #tpu.memory_space<vmem>>, vector<16xf32>,
        %get3A_1070 = arith.constant 0 : i32
        %get3A_1071 = arith.index_cast %get3A_1070 : i32 to index
        %get3A_1072 = arith.index_cast %add3A_1059 : i32 to index
        %get3A_1073 = arith.constant 16 : index
        %get3A_1074 = tpu.vector_load %arg6[%get3A_1071, %get3A_1072, %get3A_1073] {strides = array<i32>} : memref<2x128x64xf32, #tpu.memory_space<vmem>>, vector<16xf32>,
        %get3A_1075 = arith.constant 0 : i32
        %get3A_1076 = arith.index_cast %get3A_1075 : i32 to index
        %get3A_1077 = arith.index_cast %add3A_1059 : i32 to index
        %get3A_1078 = arith.constant 32 : index
        %get3A_1079 = tpu.vector_load %arg6[%get3A_1076, %get3A_1077, %get3A_1078] {strides = array<i32>} : memref<2x128x64xf32, #tpu.memory_space<vmem>>, vector<16xf32>,
        %get3A_1080 = arith.constant 0 : i32
        %get3A_1081 = arith.index_cast %get3A_1080 : i32 to index
        %get3A_1082 = arith.index_cast %add3A_1059 : i32 to index
        %get3A_1083 = arith.constant 48 : index
        %get3A_1084 = tpu.vector_load %arg6[%get3A_1081, %get3A_1082, %get3A_1083] {strides = array<i32>} : memref<2x128x64xf32, #tpu.memory_space<vmem>>, vector<16xf32>,
        %scatter3A_1085 = arith.constant 0 : i32
        %scatter3A_1086 = arith.constant 0 : i32
        %scatter3A_1087 = arith.constant 0 : i32
        %scatter3A_1088 = tpu.memref_slice %arg7[%scatter3A_1085, %scatter3A_1086, %scatter3A_1087] : memref<2x64x129xf32, #tpu.memory_space<vmem>> -> memref<1x64x129xf32, #tpu.memory_space<vmem>>
        %scatter3A_1089 = tpu.memref_squeeze %scatter3A_1088 : memref<1x64x129xf32, #tpu.memory_space<vmem>> -> memref<64x129xf32, #tpu.memory_space<vmem>>
        tpu.vector_store_idx %scatter3A_1089[%add3A_3, %add3A_1064], %get3A_1069 : memref<64x129xf32, #tpu.memory_space<vmem>>[vector<16xi32>, vector<16xi32>], vector<16xf32>,
        %scatter3A_1090 = arith.constant 0 : i32
        %scatter3A_1091 = arith.constant 0 : i32
        %scatter3A_1092 = arith.constant 0 : i32
        %scatter3A_1093 = tpu.memref_slice %arg7[%scatter3A_1090, %scatter3A_1091, %scatter3A_1092] : memref<2x64x129xf32, #tpu.memory_space<vmem>> -> memref<1x64x129xf32, #tpu.memory_space<vmem>>
        %scatter3A_1094 = tpu.memref_squeeze %scatter3A_1093 : memref<1x64x129xf32, #tpu.memory_space<vmem>> -> memref<64x129xf32, #tpu.memory_space<vmem>>
        tpu.vector_store_idx %scatter3A_1094[%add3A_6, %add3A_1064], %get3A_1074 : memref<64x129xf32, #tpu.memory_space<vmem>>[vector<16xi32>, vector<16xi32>], vector<16xf32>,
        %scatter3A_1095 = arith.constant 0 : i32
        %scatter3A_1096 = arith.constant 0 : i32
        %scatter3A_1097 = arith.constant 0 : i32
        %scatter3A_1098 = tpu.memref_slice %arg7[%scatter3A_1095, %scatter3A_1096, %scatter3A_1097] : memref<2x64x129xf32, #tpu.memory_space<vmem>> -> memref<1x64x129xf32, #tpu.memory_space<vmem>>
        %scatter3A_1099 = tpu.memref_squeeze %scatter3A_1098 : memref<1x64x129xf32, #tpu.memory_space<vmem>> -> memref<64x129xf32, #tpu.memory_space<vmem>>
        tpu.vector_store_idx %scatter3A_1099[%add3A_9, %add3A_1064], %get3A_1079 : memref<64x129xf32, #tpu.memory_space<vmem>>[vector<16xi32>, vector<16xi32>], vector<16xf32>,
        %scatter3A_1100 = arith.constant 0 : i32
        %scatter3A_1101 = arith.constant 0 : i32
        %scatter3A_1102 = arith.constant 0 : i32
        %scatter3A_1103 = tpu.memref_slice %arg7[%scatter3A_1100, %scatter3A_1101, %scatter3A_1102] : memref<2x64x129xf32, #tpu.memory_space<vmem>> -> memref<1x64x129xf32, #tpu.memory_space<vmem>>
        %scatter3A_1104 = tpu.memref_squeeze %scatter3A_1103 : memref<1x64x129xf32, #tpu.memory_space<vmem>> -> memref<64x129xf32, #tpu.memory_space<vmem>>
        tpu.vector_store_idx %scatter3A_1104[%add3A_12, %add3A_1064], %get3A_1084 : memref<64x129xf32, #tpu.memory_space<vmem>>[vector<16xi32>, vector<16xi32>], vector<16xf32>,
        %scan3A_1105 = arith.constant 0 : i32
        scf.yield %scan3A_1105 : i32
      }
      %scan3A_385 = arith.constant 16 : i32
      %dma_start3A_386 = arith.constant 0 : i32
      %dma_start3A_387 = arith.constant 0 : i32
      %dma_start3A_388 = arith.constant 0 : i32
      %dma_start3A_389 = arith.constant 0 : i32
      %dma_start3A_390 = tpu.memref_slice %arg7[%dma_start3A_386, %dma_start3A_388, %dma_start3A_389] : memref<2x64x129xf32, #tpu.memory_space<vmem>> -> memref<1x8x128xf32, #tpu.memory_space<vmem>>
      %dma_start3A_391 = tpu.memref_squeeze %dma_start3A_390 : memref<1x8x128xf32, #tpu.memory_space<vmem>> -> memref<8x128xf32, #tpu.memory_space<vmem>>
      %dma_start3A_392 = arith.constant 0 : i32
      %dma_start3A_393 = arith.constant 0 : i32
      %dma_start3A_394 = tpu.memref_slice %arg4[%add3A_355, %dma_start3A_387, %add3A, %dma_start3A_392, %dma_start3A_393] : memref<50x8x32x8x128xf32, #tpu.memory_space<hbm>> -> memref<1x1x1x8x128xf32, #tpu.memory_space<hbm>>
      %dma_start3A_395 = tpu.memref_squeeze %dma_start3A_394 : memref<1x1x1x8x128xf32, #tpu.memory_space<hbm>> -> memref<8x128xf32, #tpu.memory_space<hbm>>
      %dma_start3A_396 = arith.constant 0 : i32
      %dma_start3A_397 = arith.constant 0 : i32
      %dma_start3A_398 = tpu.memref_slice %arg4[%add3A_355, %dma_start3A_387, %add3A, %dma_start3A_396, %dma_start3A_397] : memref<50x8x32x8x128xf32, #tpu.memory_space<hbm>> -> memref<1x1x1x8x128xf32, #tpu.memory_space<hbm>>
      %dma_start3A_399 = tpu.memref_squeeze %dma_start3A_398 : memref<1x1x1x8x128xf32, #tpu.memory_space<hbm>> -> memref<8x128xf32, #tpu.memory_space<hbm>>
      %dma_start3A_400 = arith.constant 0 : i32
      %dma_start3A_401 = arith.constant 0 : i32
      %dma_start3A_402 = tpu.memref_slice %arg7[%dma_start3A_386, %dma_start3A_400, %dma_start3A_401] : memref<2x64x129xf32, #tpu.memory_space<vmem>> -> memref<1x8x128xf32, #tpu.memory_space<vmem>>
      %dma_start3A_403 = tpu.memref_squeeze %dma_start3A_402 : memref<1x8x128xf32, #tpu.memory_space<vmem>> -> memref<8x128xf32, #tpu.memory_space<vmem>>
      tpu.enqueue_dma source(%dma_start3A_403 : memref<8x128xf32, #tpu.memory_space<vmem>>) target(%dma_start3A_399 : memref<8x128xf32, #tpu.memory_space<hbm>>) target_semaphore(%arg10 : memref<!tpu.dma_semaphore, #tpu.memory_space<semaphore_mem>>)
      %dma_start3A_404 = arith.constant 0 : i32
      %dma_start3A_405 = arith.constant 1 : i32
      %dma_start3A_406 = arith.constant 8 : i32
      %dma_start3A_407 = arith.constant 0 : i32
      %dma_start3A_408 = tpu.memref_slice %arg7[%dma_start3A_404, %dma_start3A_406, %dma_start3A_407] : memref<2x64x129xf32, #tpu.memory_space<vmem>> -> memref<1x8x128xf32, #tpu.memory_space<vmem>>
      %dma_start3A_409 = tpu.memref_squeeze %dma_start3A_408 : memref<1x8x128xf32, #tpu.memory_space<vmem>> -> memref<8x128xf32, #tpu.memory_space<vmem>>
      %dma_start3A_410 = arith.constant 0 : i32
      %dma_start3A_411 = arith.constant 0 : i32
      %dma_start3A_412 = tpu.memref_slice %arg4[%add3A_355, %dma_start3A_405, %add3A, %dma_start3A_410, %dma_start3A_411] : memref<50x8x32x8x128xf32, #tpu.memory_space<hbm>> -> memref<1x1x1x8x128xf32, #tpu.memory_space<hbm>>
      %dma_start3A_413 = tpu.memref_squeeze %dma_start3A_412 : memref<1x1x1x8x128xf32, #tpu.memory_space<hbm>> -> memref<8x128xf32, #tpu.memory_space<hbm>>
      %dma_start3A_414 = arith.constant 0 : i32
      %dma_start3A_415 = arith.constant 0 : i32
      %dma_start3A_416 = tpu.memref_slice %arg4[%add3A_355, %dma_start3A_405, %add3A, %dma_start3A_414, %dma_start3A_415] : memref<50x8x32x8x128xf32, #tpu.memory_space<hbm>> -> memref<1x1x1x8x128xf32, #tpu.memory_space<hbm>>
      %dma_start3A_417 = tpu.memref_squeeze %dma_start3A_416 : memref<1x1x1x8x128xf32, #tpu.memory_space<hbm>> -> memref<8x128xf32, #tpu.memory_space<hbm>>
      %dma_start3A_418 = arith.constant 8 : i32
      %dma_start3A_419 = arith.constant 0 : i32
      %dma_start3A_420 = tpu.memref_slice %arg7[%dma_start3A_404, %dma_start3A_418, %dma_start3A_419] : memref<2x64x129xf32, #tpu.memory_space<vmem>> -> memref<1x8x128xf32, #tpu.memory_space<vmem>>
      %dma_start3A_421 = tpu.memref_squeeze %dma_start3A_420 : memref<1x8x128xf32, #tpu.memory_space<vmem>> -> memref<8x128xf32, #tpu.memory_space<vmem>>
      tpu.enqueue_dma source(%dma_start3A_421 : memref<8x128xf32, #tpu.memory_space<vmem>>) target(%dma_start3A_417 : memref<8x128xf32, #tpu.memory_space<hbm>>) target_semaphore(%arg10 : memref<!tpu.dma_semaphore, #tpu.memory_space<semaphore_mem>>)
      %dma_start3A_422 = arith.constant 0 : i32
      %dma_start3A_423 = arith.constant 2 : i32
      %dma_start3A_424 = arith.constant 16 : i32
      %dma_start3A_425 = arith.constant 0 : i32
      %dma_start3A_426 = tpu.memref_slice %arg7[%dma_start3A_422, %dma_start3A_424, %dma_start3A_425] : memref<2x64x129xf32, #tpu.memory_space<vmem>> -> memref<1x8x128xf32, #tpu.memory_space<vmem>>
      %dma_start3A_427 = tpu.memref_squeeze %dma_start3A_426 : memref<1x8x128xf32, #tpu.memory_space<vmem>> -> memref<8x128xf32, #tpu.memory_space<vmem>>
      %dma_start3A_428 = arith.constant 0 : i32
      %dma_start3A_429 = arith.constant 0 : i32
      %dma_start3A_430 = tpu.memref_slice %arg4[%add3A_355, %dma_start3A_423, %add3A, %dma_start3A_428, %dma_start3A_429] : memref<50x8x32x8x128xf32, #tpu.memory_space<hbm>> -> memref<1x1x1x8x128xf32, #tpu.memory_space<hbm>>
      %dma_start3A_431 = tpu.memref_squeeze %dma_start3A_430 : memref<1x1x1x8x128xf32, #tpu.memory_space<hbm>> -> memref<8x128xf32, #tpu.memory_space<hbm>>
      %dma_start3A_432 = arith.constant 0 : i32
      %dma_start3A_433 = arith.constant 0 : i32
      %dma_start3A_434 = tpu.memref_slice %arg4[%add3A_355, %dma_start3A_423, %add3A, %dma_start3A_432, %dma_start3A_433] : memref<50x8x32x8x128xf32, #tpu.memory_space<hbm>> -> memref<1x1x1x8x128xf32, #tpu.memory_space<hbm>>
      %dma_start3A_435 = tpu.memref_squeeze %dma_start3A_434 : memref<1x1x1x8x128xf32, #tpu.memory_space<hbm>> -> memref<8x128xf32, #tpu.memory_space<hbm>>
      %dma_start3A_436 = arith.constant 16 : i32
      %dma_start3A_437 = arith.constant 0 : i32
      %dma_start3A_438 = tpu.memref_slice %arg7[%dma_start3A_422, %dma_start3A_436, %dma_start3A_437] : memref<2x64x129xf32, #tpu.memory_space<vmem>> -> memref<1x8x128xf32, #tpu.memory_space<vmem>>
      %dma_start3A_439 = tpu.memref_squeeze %dma_start3A_438 : memref<1x8x128xf32, #tpu.memory_space<vmem>> -> memref<8x128xf32, #tpu.memory_space<vmem>>
      tpu.enqueue_dma source(%dma_start3A_439 : memref<8x128xf32, #tpu.memory_space<vmem>>) target(%dma_start3A_435 : memref<8x128xf32, #tpu.memory_space<hbm>>) target_semaphore(%arg10 : memref<!tpu.dma_semaphore, #tpu.memory_space<semaphore_mem>>)
      %dma_start3A_440 = arith.constant 0 : i32
      %dma_start3A_441 = arith.constant 3 : i32
      %dma_start3A_442 = arith.constant 24 : i32
      %dma_start3A_443 = arith.constant 0 : i32
      %dma_start3A_444 = tpu.memref_slice %arg7[%dma_start3A_440, %dma_start3A_442, %dma_start3A_443] : memref<2x64x129xf32, #tpu.memory_space<vmem>> -> memref<1x8x128xf32, #tpu.memory_space<vmem>>
      %dma_start3A_445 = tpu.memref_squeeze %dma_start3A_444 : memref<1x8x128xf32, #tpu.memory_space<vmem>> -> memref<8x128xf32, #tpu.memory_space<vmem>>
      %dma_start3A_446 = arith.constant 0 : i32
      %dma_start3A_447 = arith.constant 0 : i32
      %dma_start3A_448 = tpu.memref_slice %arg4[%add3A_355, %dma_start3A_441, %add3A, %dma_start3A_446, %dma_start3A_447] : memref<50x8x32x8x128xf32, #tpu.memory_space<hbm>> -> memref<1x1x1x8x128xf32, #tpu.memory_space<hbm>>
      %dma_start3A_449 = tpu.memref_squeeze %dma_start3A_448 : memref<1x1x1x8x128xf32, #tpu.memory_space<hbm>> -> memref<8x128xf32, #tpu.memory_space<hbm>>
      %dma_start3A_450 = arith.constant 0 : i32
      %dma_start3A_451 = arith.constant 0 : i32
      %dma_start3A_452 = tpu.memref_slice %arg4[%add3A_355, %dma_start3A_441, %add3A, %dma_start3A_450, %dma_start3A_451] : memref<50x8x32x8x128xf32, #tpu.memory_space<hbm>> -> memref<1x1x1x8x128xf32, #tpu.memory_space<hbm>>
      %dma_start3A_453 = tpu.memref_squeeze %dma_start3A_452 : memref<1x1x1x8x128xf32, #tpu.memory_space<hbm>> -> memref<8x128xf32, #tpu.memory_space<hbm>>
      %dma_start3A_454 = arith.constant 24 : i32
      %dma_start3A_455 = arith.constant 0 : i32
      %dma_start3A_456 = tpu.memref_slice %arg7[%dma_start3A_440, %dma_start3A_454, %dma_start3A_455] : memref<2x64x129xf32, #tpu.memory_space<vmem>> -> memref<1x8x128xf32, #tpu.memory_space<vmem>>
      %dma_start3A_457 = tpu.memref_squeeze %dma_start3A_456 : memref<1x8x128xf32, #tpu.memory_space<vmem>> -> memref<8x128xf32, #tpu.memory_space<vmem>>
      tpu.enqueue_dma source(%dma_start3A_457 : memref<8x128xf32, #tpu.memory_space<vmem>>) target(%dma_start3A_453 : memref<8x128xf32, #tpu.memory_space<hbm>>) target_semaphore(%arg10 : memref<!tpu.dma_semaphore, #tpu.memory_space<semaphore_mem>>)
      %dma_start3A_458 = arith.constant 0 : i32
      %dma_start3A_459 = arith.constant 4 : i32
      %dma_start3A_460 = arith.constant 32 : i32
      %dma_start3A_461 = arith.constant 0 : i32
      %dma_start3A_462 = tpu.memref_slice %arg7[%dma_start3A_458, %dma_start3A_460, %dma_start3A_461] : memref<2x64x129xf32, #tpu.memory_space<vmem>> -> memref<1x8x128xf32, #tpu.memory_space<vmem>>
      %dma_start3A_463 = tpu.memref_squeeze %dma_start3A_462 : memref<1x8x128xf32, #tpu.memory_space<vmem>> -> memref<8x128xf32, #tpu.memory_space<vmem>>
      %dma_start3A_464 = arith.constant 0 : i32
      %dma_start3A_465 = arith.constant 0 : i32
      %dma_start3A_466 = tpu.memref_slice %arg4[%add3A_355, %dma_start3A_459, %add3A, %dma_start3A_464, %dma_start3A_465] : memref<50x8x32x8x128xf32, #tpu.memory_space<hbm>> -> memref<1x1x1x8x128xf32, #tpu.memory_space<hbm>>
      %dma_start3A_467 = tpu.memref_squeeze %dma_start3A_466 : memref<1x1x1x8x128xf32, #tpu.memory_space<hbm>> -> memref<8x128xf32, #tpu.memory_space<hbm>>
      %dma_start3A_468 = arith.constant 0 : i32
      %dma_start3A_469 = arith.constant 0 : i32
      %dma_start3A_470 = tpu.memref_slice %arg4[%add3A_355, %dma_start3A_459, %add3A, %dma_start3A_468, %dma_start3A_469] : memref<50x8x32x8x128xf32, #tpu.memory_space<hbm>> -> memref<1x1x1x8x128xf32, #tpu.memory_space<hbm>>
      %dma_start3A_471 = tpu.memref_squeeze %dma_start3A_470 : memref<1x1x1x8x128xf32, #tpu.memory_space<hbm>> -> memref<8x128xf32, #tpu.memory_space<hbm>>
      %dma_start3A_472 = arith.constant 32 : i32
      %dma_start3A_473 = arith.constant 0 : i32
      %dma_start3A_474 = tpu.memref_slice %arg7[%dma_start3A_458, %dma_start3A_472, %dma_start3A_473] : memref<2x64x129xf32, #tpu.memory_space<vmem>> -> memref<1x8x128xf32, #tpu.memory_space<vmem>>
      %dma_start3A_475 = tpu.memref_squeeze %dma_start3A_474 : memref<1x8x128xf32, #tpu.memory_space<vmem>> -> memref<8x128xf32, #tpu.memory_space<vmem>>
      tpu.enqueue_dma source(%dma_start3A_475 : memref<8x128xf32, #tpu.memory_space<vmem>>) target(%dma_start3A_471 : memref<8x128xf32, #tpu.memory_space<hbm>>) target_semaphore(%arg10 : memref<!tpu.dma_semaphore, #tpu.memory_space<semaphore_mem>>)
      %dma_start3A_476 = arith.constant 0 : i32
      %dma_start3A_477 = arith.constant 5 : i32
      %dma_start3A_478 = arith.constant 40 : i32
      %dma_start3A_479 = arith.constant 0 : i32
      %dma_start3A_480 = tpu.memref_slice %arg7[%dma_start3A_476, %dma_start3A_478, %dma_start3A_479] : memref<2x64x129xf32, #tpu.memory_space<vmem>> -> memref<1x8x128xf32, #tpu.memory_space<vmem>>
      %dma_start3A_481 = tpu.memref_squeeze %dma_start3A_480 : memref<1x8x128xf32, #tpu.memory_space<vmem>> -> memref<8x128xf32, #tpu.memory_space<vmem>>
      %dma_start3A_482 = arith.constant 0 : i32
      %dma_start3A_483 = arith.constant 0 : i32
      %dma_start3A_484 = tpu.memref_slice %arg4[%add3A_355, %dma_start3A_477, %add3A, %dma_start3A_482, %dma_start3A_483] : memref<50x8x32x8x128xf32, #tpu.memory_space<hbm>> -> memref<1x1x1x8x128xf32, #tpu.memory_space<hbm>>
      %dma_start3A_485 = tpu.memref_squeeze %dma_start3A_484 : memref<1x1x1x8x128xf32, #tpu.memory_space<hbm>> -> memref<8x128xf32, #tpu.memory_space<hbm>>
      %dma_start3A_486 = arith.constant 0 : i32
      %dma_start3A_487 = arith.constant 0 : i32
      %dma_start3A_488 = tpu.memref_slice %arg4[%add3A_355, %dma_start3A_477, %add3A, %dma_start3A_486, %dma_start3A_487] : memref<50x8x32x8x128xf32, #tpu.memory_space<hbm>> -> memref<1x1x1x8x128xf32, #tpu.memory_space<hbm>>
      %dma_start3A_489 = tpu.memref_squeeze %dma_start3A_488 : memref<1x1x1x8x128xf32, #tpu.memory_space<hbm>> -> memref<8x128xf32, #tpu.memory_space<hbm>>
      %dma_start3A_490 = arith.constant 40 : i32
      %dma_start3A_491 = arith.constant 0 : i32
      %dma_start3A_492 = tpu.memref_slice %arg7[%dma_start3A_476, %dma_start3A_490, %dma_start3A_491] : memref<2x64x129xf32, #tpu.memory_space<vmem>> -> memref<1x8x128xf32, #tpu.memory_space<vmem>>
      %dma_start3A_493 = tpu.memref_squeeze %dma_start3A_492 : memref<1x8x128xf32, #tpu.memory_space<vmem>> -> memref<8x128xf32, #tpu.memory_space<vmem>>
      tpu.enqueue_dma source(%dma_start3A_493 : memref<8x128xf32, #tpu.memory_space<vmem>>) target(%dma_start3A_489 : memref<8x128xf32, #tpu.memory_space<hbm>>) target_semaphore(%arg10 : memref<!tpu.dma_semaphore, #tpu.memory_space<semaphore_mem>>)
      %dma_start3A_494 = arith.constant 0 : i32
      %dma_start3A_495 = arith.constant 6 : i32
      %dma_start3A_496 = arith.constant 48 : i32
      %dma_start3A_497 = arith.constant 0 : i32
      %dma_start3A_498 = tpu.memref_slice %arg7[%dma_start3A_494, %dma_start3A_496, %dma_start3A_497] : memref<2x64x129xf32, #tpu.memory_space<vmem>> -> memref<1x8x128xf32, #tpu.memory_space<vmem>>
      %dma_start3A_499 = tpu.memref_squeeze %dma_start3A_498 : memref<1x8x128xf32, #tpu.memory_space<vmem>> -> memref<8x128xf32, #tpu.memory_space<vmem>>
      %dma_start3A_500 = arith.constant 0 : i32
      %dma_start3A_501 = arith.constant 0 : i32
      %dma_start3A_502 = tpu.memref_slice %arg4[%add3A_355, %dma_start3A_495, %add3A, %dma_start3A_500, %dma_start3A_501] : memref<50x8x32x8x128xf32, #tpu.memory_space<hbm>> -> memref<1x1x1x8x128xf32, #tpu.memory_space<hbm>>
      %dma_start3A_503 = tpu.memref_squeeze %dma_start3A_502 : memref<1x1x1x8x128xf32, #tpu.memory_space<hbm>> -> memref<8x128xf32, #tpu.memory_space<hbm>>
      %dma_start3A_504 = arith.constant 0 : i32
      %dma_start3A_505 = arith.constant 0 : i32
      %dma_start3A_506 = tpu.memref_slice %arg4[%add3A_355, %dma_start3A_495, %add3A, %dma_start3A_504, %dma_start3A_505] : memref<50x8x32x8x128xf32, #tpu.memory_space<hbm>> -> memref<1x1x1x8x128xf32, #tpu.memory_space<hbm>>
      %dma_start3A_507 = tpu.memref_squeeze %dma_start3A_506 : memref<1x1x1x8x128xf32, #tpu.memory_space<hbm>> -> memref<8x128xf32, #tpu.memory_space<hbm>>
      %dma_start3A_508 = arith.constant 48 : i32
      %dma_start3A_509 = arith.constant 0 : i32
      %dma_start3A_510 = tpu.memref_slice %arg7[%dma_start3A_494, %dma_start3A_508, %dma_start3A_509] : memref<2x64x129xf32, #tpu.memory_space<vmem>> -> memref<1x8x128xf32, #tpu.memory_space<vmem>>
      %dma_start3A_511 = tpu.memref_squeeze %dma_start3A_510 : memref<1x8x128xf32, #tpu.memory_space<vmem>> -> memref<8x128xf32, #tpu.memory_space<vmem>>
      tpu.enqueue_dma source(%dma_start3A_511 : memref<8x128xf32, #tpu.memory_space<vmem>>) target(%dma_start3A_507 : memref<8x128xf32, #tpu.memory_space<hbm>>) target_semaphore(%arg10 : memref<!tpu.dma_semaphore, #tpu.memory_space<semaphore_mem>>)
      %dma_start3A_512 = arith.constant 0 : i32
      %dma_start3A_513 = arith.constant 7 : i32
      %dma_start3A_514 = arith.constant 56 : i32
      %dma_start3A_515 = arith.constant 0 : i32
      %dma_start3A_516 = tpu.memref_slice %arg7[%dma_start3A_512, %dma_start3A_514, %dma_start3A_515] : memref<2x64x129xf32, #tpu.memory_space<vmem>> -> memref<1x8x128xf32, #tpu.memory_space<vmem>>
      %dma_start3A_517 = tpu.memref_squeeze %dma_start3A_516 : memref<1x8x128xf32, #tpu.memory_space<vmem>> -> memref<8x128xf32, #tpu.memory_space<vmem>>
      %dma_start3A_518 = arith.constant 0 : i32
      %dma_start3A_519 = arith.constant 0 : i32
      %dma_start3A_520 = tpu.memref_slice %arg4[%add3A_355, %dma_start3A_513, %add3A, %dma_start3A_518, %dma_start3A_519] : memref<50x8x32x8x128xf32, #tpu.memory_space<hbm>> -> memref<1x1x1x8x128xf32, #tpu.memory_space<hbm>>
      %dma_start3A_521 = tpu.memref_squeeze %dma_start3A_520 : memref<1x1x1x8x128xf32, #tpu.memory_space<hbm>> -> memref<8x128xf32, #tpu.memory_space<hbm>>
      %dma_start3A_522 = arith.constant 0 : i32
      %dma_start3A_523 = arith.constant 0 : i32
      %dma_start3A_524 = tpu.memref_slice %arg4[%add3A_355, %dma_start3A_513, %add3A, %dma_start3A_522, %dma_start3A_523] : memref<50x8x32x8x128xf32, #tpu.memory_space<hbm>> -> memref<1x1x1x8x128xf32, #tpu.memory_space<hbm>>
      %dma_start3A_525 = tpu.memref_squeeze %dma_start3A_524 : memref<1x1x1x8x128xf32, #tpu.memory_space<hbm>> -> memref<8x128xf32, #tpu.memory_space<hbm>>
      %dma_start3A_526 = arith.constant 56 : i32
      %dma_start3A_527 = arith.constant 0 : i32
      %dma_start3A_528 = tpu.memref_slice %arg7[%dma_start3A_512, %dma_start3A_526, %dma_start3A_527] : memref<2x64x129xf32, #tpu.memory_space<vmem>> -> memref<1x8x128xf32, #tpu.memory_space<vmem>>
      %dma_start3A_529 = tpu.memref_squeeze %dma_start3A_528 : memref<1x8x128xf32, #tpu.memory_space<vmem>> -> memref<8x128xf32, #tpu.memory_space<vmem>>
      tpu.enqueue_dma source(%dma_start3A_529 : memref<8x128xf32, #tpu.memory_space<vmem>>) target(%dma_start3A_525 : memref<8x128xf32, #tpu.memory_space<hbm>>) target_semaphore(%arg10 : memref<!tpu.dma_semaphore, #tpu.memory_space<semaphore_mem>>)
      %mul3A_530 = arith.constant 2 : i32
      %mul3A_531 = arith.muli %scan3A_350, %mul3A_530 : i32
      %add3A_532 = arith.constant 1 : i32
      %add3A_533 = arith.addi %mul3A_531, %add3A_532 : i32
      %add3A_534 = arith.constant 1 : i32
      %add3A_535 = arith.addi %add3A_533, %add3A_534 : i32
      %lt3A_536 = arith.constant 50 : i32
      %lt3A_537 = arith.cmpi slt, %add3A_535, %lt3A_536 : i32
      %convert_element_type3A_538 = arith.extui %lt3A_537 : i1 to i32
      %cond3A_539 = arith.constant 0 : i32
      %cond3A_540 = arith.cmpi ne, %convert_element_type3A_538, %cond3A_539 : i32
      scf.if %cond3A_540 {
        %add3A_713 = arith.constant 1 : i32
        %add3A_714 = arith.addi %add3A_533, %add3A_713 : i32
        %jit3A = arith.constant 8 : i32
        %div3A = arith.divsi %add3A_714, %jit3A : i32
        %sign3A = arith.constant 0 : i32
        %sign3A_715 = arith.cmpi sgt, %add3A_714, %sign3A : i32
        %sign3A_716 = arith.extui %sign3A_715 : i1 to i32
        %sign3A_717 = arith.constant 0 : i32
        %sign3A_718 = arith.cmpi slt, %add3A_714, %sign3A_717 : i32
        %sign3A_719 = arith.extui %sign3A_718 : i1 to i32
        %sign3A_720 = arith.subi %sign3A_716, %sign3A_719 : i32
        %sign3A_721 = arith.constant 0 : i32
        %sign3A_722 = arith.cmpi sgt, %jit3A, %sign3A_721 : i32
        %sign3A_723 = arith.extui %sign3A_722 : i1 to i32
        %sign3A_724 = arith.constant 0 : i32
        %sign3A_725 = arith.cmpi slt, %jit3A, %sign3A_724 : i32
        %sign3A_726 = arith.extui %sign3A_725 : i1 to i32
        %sign3A_727 = arith.subi %sign3A_723, %sign3A_726 : i32
        %ne3A = arith.cmpi ne, %sign3A_720, %sign3A_727 : i32
        %rem3A = arith.remsi %add3A_714, %jit3A : i32
        %ne3A_728 = arith.constant 0 : i32
        %ne3A_729 = arith.cmpi ne, %rem3A, %ne3A_728 : i32
        %and3A = arith.andi %ne3A, %ne3A_729 : i1
        %sub3A = arith.constant 1 : i32
        %sub3A_730 = arith.subi %div3A, %sub3A : i32
        %select_n3A = arith.select %and3A, %sub3A_730, %div3A : i32
        %jit3A_731 = arith.constant 8 : i32
        %eq3A = arith.constant 0 : i32
        %eq3A_732 = arith.cmpi eq, %jit3A_731, %eq3A : i32
        %jit3A_733 = arith.constant 1 : i32
        %select_n3A_734 = arith.select %eq3A_732, %jit3A_733, %jit3A_731 : i32
        %rem3A_735 = arith.remsi %add3A_714, %select_n3A_734 : i32
        %ne3A_736 = arith.constant 0 : i32
        %ne3A_737 = arith.cmpi ne, %rem3A_735, %ne3A_736 : i32
        %lt3A_738 = arith.constant 0 : i32
        %lt3A_739 = arith.cmpi slt, %rem3A_735, %lt3A_738 : i32
        %lt3A_740 = arith.constant 0 : i32
        %lt3A_741 = arith.cmpi slt, %select_n3A_734, %lt3A_740 : i32
        %ne3A_742 = arith.xori %lt3A_739, %lt3A_741 : i1
        %and3A_743 = arith.andi %ne3A_742, %ne3A_737 : i1
        %add3A_744 = arith.addi %rem3A_735, %select_n3A_734 : i32
        %select_n3A_745 = arith.select %and3A_743, %add3A_744, %rem3A_735 : i32
        %dma_start3A_746 = arith.constant 0 : i32
        %dma_start3A_747 = arith.constant 0 : i32
        %dma_start3A_748 = arith.constant 0 : i32
        %dma_start3A_749 = tpu.memref_slice %arg6[%dma_start3A_746, %dma_start3A_747, %dma_start3A_748] : memref<2x128x64xf32, #tpu.memory_space<vmem>> -> memref<1x128x64xf32, #tpu.memory_space<vmem>>
        %dma_start3A_750 = tpu.memref_squeeze %dma_start3A_749 : memref<1x128x64xf32, #tpu.memory_space<vmem>> -> memref<128x64xf32, #tpu.memory_space<vmem>>
        %dma_start3A_751 = arith.constant 0 : i32
        %dma_start3A_752 = tpu.memref_slice %arg5[%select_n3A, %select_n3A_745, %dma_start3A_751] : memref<7x8x128xi32, #tpu.memory_space<vmem>> -> memref<1x1x128xi32, #tpu.memory_space<vmem>>
        %dma_start3A_753 = tpu.memref_squeeze %dma_start3A_752 : memref<1x1x128xi32, #tpu.memory_space<vmem>> -> memref<128xi32, #tpu.memory_space<vmem>>
        %dma_start3A_754 = arith.constant 0 : i32
        %dma_start3A_755 = arith.constant 0 : i32
        %dma_start3A_756 = tpu.memref_slice %arg3[%dma_start3A_754, %dma_start3A_755] : memref<100000x64xf32, #tpu.memory_space<hbm>> -> memref<100000x64xf32, #tpu.memory_space<hbm>>
        tpu.enqueue_indirect_dma source(%dma_start3A_756 : memref<100000x64xf32, #tpu.memory_space<hbm>>) target(%dma_start3A_750 : memref<128x64xf32, #tpu.memory_space<vmem>>) offsets(%dma_start3A_753 : memref<128xi32, #tpu.memory_space<vmem>>) semaphore(%arg8 : memref<!tpu.dma_semaphore, #tpu.memory_space<semaphore_mem>>)
      } else {
      }
      %dma_wait3A_541 = arith.constant 0 : i32
      %dma_wait3A_542 = arith.constant 0 : i32
      %dma_wait3A_543 = arith.constant 0 : i32
      %dma_wait3A_544 = tpu.memref_slice %arg6[%dma_wait3A_541, %dma_wait3A_542, %dma_wait3A_543] : memref<2x128x64xf32, #tpu.memory_space<vmem>> -> memref<1x128x64xf32, #tpu.memory_space<vmem>>
      %dma_wait3A_545 = tpu.memref_squeeze %dma_wait3A_544 : memref<1x128x64xf32, #tpu.memory_space<vmem>> -> memref<128x64xf32, #tpu.memory_space<vmem>>
      %dma_wait3A_546 = arith.constant 0 : i32
      %dma_wait3A_547 = arith.constant 0 : i32
      %dma_wait3A_548 = tpu.memref_slice %arg3[%dma_wait3A_546, %dma_wait3A_547] : memref<100000x64xf32, #tpu.memory_space<hbm>> -> memref<128x64xf32, #tpu.memory_space<hbm>>
      %dma_wait3A_549 = arith.constant 0 : i32
      %dma_wait3A_550 = arith.constant 0 : i32
      %dma_wait3A_551 = tpu.memref_slice %arg6[%dma_wait3A_541, %dma_wait3A_549, %dma_wait3A_550] : memref<2x128x64xf32, #tpu.memory_space<vmem>> -> memref<1x128x64xf32, #tpu.memory_space<vmem>>
      %dma_wait3A_552 = tpu.memref_squeeze %dma_wait3A_551 : memref<1x128x64xf32, #tpu.memory_space<vmem>> -> memref<128x64xf32, #tpu.memory_space<vmem>>
      %dma_wait3A_553 = arith.constant 0 : i32
      %dma_wait3A_554 = arith.constant 0 : i32
      %dma_wait3A_555 = tpu.memref_slice %arg3[%dma_wait3A_553, %dma_wait3A_554] : memref<100000x64xf32, #tpu.memory_space<hbm>> -> memref<128x64xf32, #tpu.memory_space<hbm>>
      tpu.wait_dma2 semaphore(%arg9 : memref<!tpu.dma_semaphore, #tpu.memory_space<semaphore_mem>>) src(%dma_wait3A_555 : memref<128x64xf32, #tpu.memory_space<hbm>>) dst(%dma_wait3A_552 : memref<128x64xf32, #tpu.memory_space<vmem>>)
      %ge3A_556 = arith.constant 2 : i32
      %ge3A_557 = arith.cmpi sge, %add3A_533, %ge3A_556 : i32
      %convert_element_type3A_558 = arith.extui %ge3A_557 : i1 to i32
      %cond3A_559 = arith.constant 0 : i32
      %cond3A_560 = arith.cmpi ne, %convert_element_type3A_558, %cond3A_559 : i32
      scf.if %cond3A_560 {
        %dma_wait3A_713 = arith.constant 0 : i32
        %dma_wait3A_714 = arith.constant 0 : i32
        %dma_wait3A_715 = arith.constant 0 : i32
        %dma_wait3A_716 = arith.constant 0 : i32
        %dma_wait3A_717 = arith.constant 0 : i32
        %dma_wait3A_718 = arith.constant 0 : i32
        %dma_wait3A_719 = tpu.memref_slice %arg7[%dma_wait3A_713, %dma_wait3A_717, %dma_wait3A_718] : memref<2x64x129xf32, #tpu.memory_space<vmem>> -> memref<1x8x128xf32, #tpu.memory_space<vmem>>
        %dma_wait3A_720 = tpu.memref_squeeze %dma_wait3A_719 : memref<1x8x128xf32, #tpu.memory_space<vmem>> -> memref<8x128xf32, #tpu.memory_space<vmem>>
        %dma_wait3A_721 = arith.constant 0 : i32
        %dma_wait3A_722 = arith.constant 0 : i32
        %dma_wait3A_723 = tpu.memref_slice %arg4[%dma_wait3A_714, %dma_wait3A_715, %dma_wait3A_716, %dma_wait3A_721, %dma_wait3A_722] : memref<50x8x32x8x128xf32, #tpu.memory_space<hbm>> -> memref<1x1x1x8x128xf32, #tpu.memory_space<hbm>>
        %dma_wait3A_724 = tpu.memref_squeeze %dma_wait3A_723 : memref<1x1x1x8x128xf32, #tpu.memory_space<hbm>> -> memref<8x128xf32, #tpu.memory_space<hbm>>
        %dma_wait3A_725 = arith.constant 0 : i32
        %dma_wait3A_726 = arith.constant 0 : i32
        %dma_wait3A_727 = tpu.memref_slice %arg4[%dma_wait3A_714, %dma_wait3A_715, %dma_wait3A_716, %dma_wait3A_725, %dma_wait3A_726] : memref<50x8x32x8x128xf32, #tpu.memory_space<hbm>> -> memref<1x1x1x8x128xf32, #tpu.memory_space<hbm>>
        %dma_wait3A_728 = tpu.memref_squeeze %dma_wait3A_727 : memref<1x1x1x8x128xf32, #tpu.memory_space<hbm>> -> memref<8x128xf32, #tpu.memory_space<hbm>>
        %dma_wait3A_729 = arith.constant 0 : i32
        %dma_wait3A_730 = arith.constant 0 : i32
        %dma_wait3A_731 = tpu.memref_slice %arg7[%dma_wait3A_713, %dma_wait3A_729, %dma_wait3A_730] : memref<2x64x129xf32, #tpu.memory_space<vmem>> -> memref<1x8x128xf32, #tpu.memory_space<vmem>>
        %dma_wait3A_732 = tpu.memref_squeeze %dma_wait3A_731 : memref<1x8x128xf32, #tpu.memory_space<vmem>> -> memref<8x128xf32, #tpu.memory_space<vmem>>
        tpu.wait_dma2 semaphore(%arg10 : memref<!tpu.dma_semaphore, #tpu.memory_space<semaphore_mem>>) src(%dma_wait3A_732 : memref<8x128xf32, #tpu.memory_space<vmem>>) dst(%dma_wait3A_728 : memref<8x128xf32, #tpu.memory_space<hbm>>)
        %dma_wait3A_733 = arith.constant 0 : i32
        %dma_wait3A_734 = arith.constant 0 : i32
        %dma_wait3A_735 = arith.constant 0 : i32
        %dma_wait3A_736 = arith.constant 0 : i32
        %dma_wait3A_737 = arith.constant 0 : i32
        %dma_wait3A_738 = arith.constant 0 : i32
        %dma_wait3A_739 = tpu.memref_slice %arg7[%dma_wait3A_733, %dma_wait3A_737, %dma_wait3A_738] : memref<2x64x129xf32, #tpu.memory_space<vmem>> -> memref<1x8x128xf32, #tpu.memory_space<vmem>>
        %dma_wait3A_740 = tpu.memref_squeeze %dma_wait3A_739 : memref<1x8x128xf32, #tpu.memory_space<vmem>> -> memref<8x128xf32, #tpu.memory_space<vmem>>
        %dma_wait3A_741 = arith.constant 0 : i32
        %dma_wait3A_742 = arith.constant 0 : i32
        %dma_wait3A_743 = tpu.memref_slice %arg4[%dma_wait3A_734, %dma_wait3A_735, %dma_wait3A_736, %dma_wait3A_741, %dma_wait3A_742] : memref<50x8x32x8x128xf32, #tpu.memory_space<hbm>> -> memref<1x1x1x8x128xf32, #tpu.memory_space<hbm>>
        %dma_wait3A_744 = tpu.memref_squeeze %dma_wait3A_743 : memref<1x1x1x8x128xf32, #tpu.memory_space<hbm>> -> memref<8x128xf32, #tpu.memory_space<hbm>>
        %dma_wait3A_745 = arith.constant 0 : i32
        %dma_wait3A_746 = arith.constant 0 : i32
        %dma_wait3A_747 = tpu.memref_slice %arg4[%dma_wait3A_734, %dma_wait3A_735, %dma_wait3A_736, %dma_wait3A_745, %dma_wait3A_746] : memref<50x8x32x8x128xf32, #tpu.memory_space<hbm>> -> memref<1x1x1x8x128xf32, #tpu.memory_space<hbm>>
        %dma_wait3A_748 = tpu.memref_squeeze %dma_wait3A_747 : memref<1x1x1x8x128xf32, #tpu.memory_space<hbm>> -> memref<8x128xf32, #tpu.memory_space<hbm>>
        %dma_wait3A_749 = arith.constant 0 : i32
        %dma_wait3A_750 = arith.constant 0 : i32
        %dma_wait3A_751 = tpu.memref_slice %arg7[%dma_wait3A_733, %dma_wait3A_749, %dma_wait3A_750] : memref<2x64x129xf32, #tpu.memory_space<vmem>> -> memref<1x8x128xf32, #tpu.memory_space<vmem>>
        %dma_wait3A_752 = tpu.memref_squeeze %dma_wait3A_751 : memref<1x8x128xf32, #tpu.memory_space<vmem>> -> memref<8x128xf32, #tpu.memory_space<vmem>>
        tpu.wait_dma2 semaphore(%arg10 : memref<!tpu.dma_semaphore, #tpu.memory_space<semaphore_mem>>) src(%dma_wait3A_752 : memref<8x128xf32, #tpu.memory_space<vmem>>) dst(%dma_wait3A_748 : memref<8x128xf32, #tpu.memory_space<hbm>>)
        %dma_wait3A_753 = arith.constant 0 : i32
        %dma_wait3A_754 = arith.constant 0 : i32
        %dma_wait3A_755 = arith.constant 0 : i32
        %dma_wait3A_756 = arith.constant 0 : i32
        %dma_wait3A_757 = arith.constant 0 : i32
        %dma_wait3A_758 = arith.constant 0 : i32
        %dma_wait3A_759 = tpu.memref_slice %arg7[%dma_wait3A_753, %dma_wait3A_757, %dma_wait3A_758] : memref<2x64x129xf32, #tpu.memory_space<vmem>> -> memref<1x8x128xf32, #tpu.memory_space<vmem>>
        %dma_wait3A_760 = tpu.memref_squeeze %dma_wait3A_759 : memref<1x8x128xf32, #tpu.memory_space<vmem>> -> memref<8x128xf32, #tpu.memory_space<vmem>>
        %dma_wait3A_761 = arith.constant 0 : i32
        %dma_wait3A_762 = arith.constant 0 : i32
        %dma_wait3A_763 = tpu.memref_slice %arg4[%dma_wait3A_754, %dma_wait3A_755, %dma_wait3A_756, %dma_wait3A_761, %dma_wait3A_762] : memref<50x8x32x8x128xf32, #tpu.memory_space<hbm>> -> memref<1x1x1x8x128xf32, #tpu.memory_space<hbm>>
        %dma_wait3A_764 = tpu.memref_squeeze %dma_wait3A_763 : memref<1x1x1x8x128xf32, #tpu.memory_space<hbm>> -> memref<8x128xf32, #tpu.memory_space<hbm>>
        %dma_wait3A_765 = arith.constant 0 : i32
        %dma_wait3A_766 = arith.constant 0 : i32
        %dma_wait3A_767 = tpu.memref_slice %arg4[%dma_wait3A_754, %dma_wait3A_755, %dma_wait3A_756, %dma_wait3A_765, %dma_wait3A_766] : memref<50x8x32x8x128xf32, #tpu.memory_space<hbm>> -> memref<1x1x1x8x128xf32, #tpu.memory_space<hbm>>
        %dma_wait3A_768 = tpu.memref_squeeze %dma_wait3A_767 : memref<1x1x1x8x128xf32, #tpu.memory_space<hbm>> -> memref<8x128xf32, #tpu.memory_space<hbm>>
        %dma_wait3A_769 = arith.constant 0 : i32
        %dma_wait3A_770 = arith.constant 0 : i32
        %dma_wait3A_771 = tpu.memref_slice %arg7[%dma_wait3A_753, %dma_wait3A_769, %dma_wait3A_770] : memref<2x64x129xf32, #tpu.memory_space<vmem>> -> memref<1x8x128xf32, #tpu.memory_space<vmem>>
        %dma_wait3A_772 = tpu.memref_squeeze %dma_wait3A_771 : memref<1x8x128xf32, #tpu.memory_space<vmem>> -> memref<8x128xf32, #tpu.memory_space<vmem>>
        tpu.wait_dma2 semaphore(%arg10 : memref<!tpu.dma_semaphore, #tpu.memory_space<semaphore_mem>>) src(%dma_wait3A_772 : memref<8x128xf32, #tpu.memory_space<vmem>>) dst(%dma_wait3A_768 : memref<8x128xf32, #tpu.memory_space<hbm>>)
        %dma_wait3A_773 = arith.constant 0 : i32
        %dma_wait3A_774 = arith.constant 0 : i32
        %dma_wait3A_775 = arith.constant 0 : i32
        %dma_wait3A_776 = arith.constant 0 : i32
        %dma_wait3A_777 = arith.constant 0 : i32
        %dma_wait3A_778 = arith.constant 0 : i32
        %dma_wait3A_779 = tpu.memref_slice %arg7[%dma_wait3A_773, %dma_wait3A_777, %dma_wait3A_778] : memref<2x64x129xf32, #tpu.memory_space<vmem>> -> memref<1x8x128xf32, #tpu.memory_space<vmem>>
        %dma_wait3A_780 = tpu.memref_squeeze %dma_wait3A_779 : memref<1x8x128xf32, #tpu.memory_space<vmem>> -> memref<8x128xf32, #tpu.memory_space<vmem>>
        %dma_wait3A_781 = arith.constant 0 : i32
        %dma_wait3A_782 = arith.constant 0 : i32
        %dma_wait3A_783 = tpu.memref_slice %arg4[%dma_wait3A_774, %dma_wait3A_775, %dma_wait3A_776, %dma_wait3A_781, %dma_wait3A_782] : memref<50x8x32x8x128xf32, #tpu.memory_space<hbm>> -> memref<1x1x1x8x128xf32, #tpu.memory_space<hbm>>
        %dma_wait3A_784 = tpu.memref_squeeze %dma_wait3A_783 : memref<1x1x1x8x128xf32, #tpu.memory_space<hbm>> -> memref<8x128xf32, #tpu.memory_space<hbm>>
        %dma_wait3A_785 = arith.constant 0 : i32
        %dma_wait3A_786 = arith.constant 0 : i32
        %dma_wait3A_787 = tpu.memref_slice %arg4[%dma_wait3A_774, %dma_wait3A_775, %dma_wait3A_776, %dma_wait3A_785, %dma_wait3A_786] : memref<50x8x32x8x128xf32, #tpu.memory_space<hbm>> -> memref<1x1x1x8x128xf32, #tpu.memory_space<hbm>>
        %dma_wait3A_788 = tpu.memref_squeeze %dma_wait3A_787 : memref<1x1x1x8x128xf32, #tpu.memory_space<hbm>> -> memref<8x128xf32, #tpu.memory_space<hbm>>
        %dma_wait3A_789 = arith.constant 0 : i32
        %dma_wait3A_790 = arith.constant 0 : i32
        %dma_wait3A_791 = tpu.memref_slice %arg7[%dma_wait3A_773, %dma_wait3A_789, %dma_wait3A_790] : memref<2x64x129xf32, #tpu.memory_space<vmem>> -> memref<1x8x128xf32, #tpu.memory_space<vmem>>
        %dma_wait3A_792 = tpu.memref_squeeze %dma_wait3A_791 : memref<1x8x128xf32, #tpu.memory_space<vmem>> -> memref<8x128xf32, #tpu.memory_space<vmem>>
        tpu.wait_dma2 semaphore(%arg10 : memref<!tpu.dma_semaphore, #tpu.memory_space<semaphore_mem>>) src(%dma_wait3A_792 : memref<8x128xf32, #tpu.memory_space<vmem>>) dst(%dma_wait3A_788 : memref<8x128xf32, #tpu.memory_space<hbm>>)
        %dma_wait3A_793 = arith.constant 0 : i32
        %dma_wait3A_794 = arith.constant 0 : i32
        %dma_wait3A_795 = arith.constant 0 : i32
        %dma_wait3A_796 = arith.constant 0 : i32
        %dma_wait3A_797 = arith.constant 0 : i32
        %dma_wait3A_798 = arith.constant 0 : i32
        %dma_wait3A_799 = tpu.memref_slice %arg7[%dma_wait3A_793, %dma_wait3A_797, %dma_wait3A_798] : memref<2x64x129xf32, #tpu.memory_space<vmem>> -> memref<1x8x128xf32, #tpu.memory_space<vmem>>
        %dma_wait3A_800 = tpu.memref_squeeze %dma_wait3A_799 : memref<1x8x128xf32, #tpu.memory_space<vmem>> -> memref<8x128xf32, #tpu.memory_space<vmem>>
        %dma_wait3A_801 = arith.constant 0 : i32
        %dma_wait3A_802 = arith.constant 0 : i32
        %dma_wait3A_803 = tpu.memref_slice %arg4[%dma_wait3A_794, %dma_wait3A_795, %dma_wait3A_796, %dma_wait3A_801, %dma_wait3A_802] : memref<50x8x32x8x128xf32, #tpu.memory_space<hbm>> -> memref<1x1x1x8x128xf32, #tpu.memory_space<hbm>>
        %dma_wait3A_804 = tpu.memref_squeeze %dma_wait3A_803 : memref<1x1x1x8x128xf32, #tpu.memory_space<hbm>> -> memref<8x128xf32, #tpu.memory_space<hbm>>
        %dma_wait3A_805 = arith.constant 0 : i32
        %dma_wait3A_806 = arith.constant 0 : i32
        %dma_wait3A_807 = tpu.memref_slice %arg4[%dma_wait3A_794, %dma_wait3A_795, %dma_wait3A_796, %dma_wait3A_805, %dma_wait3A_806] : memref<50x8x32x8x128xf32, #tpu.memory_space<hbm>> -> memref<1x1x1x8x128xf32, #tpu.memory_space<hbm>>
        %dma_wait3A_808 = tpu.memref_squeeze %dma_wait3A_807 : memref<1x1x1x8x128xf32, #tpu.memory_space<hbm>> -> memref<8x128xf32, #tpu.memory_space<hbm>>
        %dma_wait3A_809 = arith.constant 0 : i32
        %dma_wait3A_810 = arith.constant 0 : i32
        %dma_wait3A_811 = tpu.memref_slice %arg7[%dma_wait3A_793, %dma_wait3A_809, %dma_wait3A_810] : memref<2x64x129xf32, #tpu.memory_space<vmem>> -> memref<1x8x128xf32, #tpu.memory_space<vmem>>
        %dma_wait3A_812 = tpu.memref_squeeze %dma_wait3A_811 : memref<1x8x128xf32, #tpu.memory_space<vmem>> -> memref<8x128xf32, #tpu.memory_space<vmem>>
        tpu.wait_dma2 semaphore(%arg10 : memref<!tpu.dma_semaphore, #tpu.memory_space<semaphore_mem>>) src(%dma_wait3A_812 : memref<8x128xf32, #tpu.memory_space<vmem>>) dst(%dma_wait3A_808 : memref<8x128xf32, #tpu.memory_space<hbm>>)
        %dma_wait3A_813 = arith.constant 0 : i32
        %dma_wait3A_814 = arith.constant 0 : i32
        %dma_wait3A_815 = arith.constant 0 : i32
        %dma_wait3A_816 = arith.constant 0 : i32
        %dma_wait3A_817 = arith.constant 0 : i32
        %dma_wait3A_818 = arith.constant 0 : i32
        %dma_wait3A_819 = tpu.memref_slice %arg7[%dma_wait3A_813, %dma_wait3A_817, %dma_wait3A_818] : memref<2x64x129xf32, #tpu.memory_space<vmem>> -> memref<1x8x128xf32, #tpu.memory_space<vmem>>
        %dma_wait3A_820 = tpu.memref_squeeze %dma_wait3A_819 : memref<1x8x128xf32, #tpu.memory_space<vmem>> -> memref<8x128xf32, #tpu.memory_space<vmem>>
        %dma_wait3A_821 = arith.constant 0 : i32
        %dma_wait3A_822 = arith.constant 0 : i32
        %dma_wait3A_823 = tpu.memref_slice %arg4[%dma_wait3A_814, %dma_wait3A_815, %dma_wait3A_816, %dma_wait3A_821, %dma_wait3A_822] : memref<50x8x32x8x128xf32, #tpu.memory_space<hbm>> -> memref<1x1x1x8x128xf32, #tpu.memory_space<hbm>>
        %dma_wait3A_824 = tpu.memref_squeeze %dma_wait3A_823 : memref<1x1x1x8x128xf32, #tpu.memory_space<hbm>> -> memref<8x128xf32, #tpu.memory_space<hbm>>
        %dma_wait3A_825 = arith.constant 0 : i32
        %dma_wait3A_826 = arith.constant 0 : i32
        %dma_wait3A_827 = tpu.memref_slice %arg4[%dma_wait3A_814, %dma_wait3A_815, %dma_wait3A_816, %dma_wait3A_825, %dma_wait3A_826] : memref<50x8x32x8x128xf32, #tpu.memory_space<hbm>> -> memref<1x1x1x8x128xf32, #tpu.memory_space<hbm>>
        %dma_wait3A_828 = tpu.memref_squeeze %dma_wait3A_827 : memref<1x1x1x8x128xf32, #tpu.memory_space<hbm>> -> memref<8x128xf32, #tpu.memory_space<hbm>>
        %dma_wait3A_829 = arith.constant 0 : i32
        %dma_wait3A_830 = arith.constant 0 : i32
        %dma_wait3A_831 = tpu.memref_slice %arg7[%dma_wait3A_813, %dma_wait3A_829, %dma_wait3A_830] : memref<2x64x129xf32, #tpu.memory_space<vmem>> -> memref<1x8x128xf32, #tpu.memory_space<vmem>>
        %dma_wait3A_832 = tpu.memref_squeeze %dma_wait3A_831 : memref<1x8x128xf32, #tpu.memory_space<vmem>> -> memref<8x128xf32, #tpu.memory_space<vmem>>
        tpu.wait_dma2 semaphore(%arg10 : memref<!tpu.dma_semaphore, #tpu.memory_space<semaphore_mem>>) src(%dma_wait3A_832 : memref<8x128xf32, #tpu.memory_space<vmem>>) dst(%dma_wait3A_828 : memref<8x128xf32, #tpu.memory_space<hbm>>)
        %dma_wait3A_833 = arith.constant 0 : i32
        %dma_wait3A_834 = arith.constant 0 : i32
        %dma_wait3A_835 = arith.constant 0 : i32
        %dma_wait3A_836 = arith.constant 0 : i32
        %dma_wait3A_837 = arith.constant 0 : i32
        %dma_wait3A_838 = arith.constant 0 : i32
        %dma_wait3A_839 = tpu.memref_slice %arg7[%dma_wait3A_833, %dma_wait3A_837, %dma_wait3A_838] : memref<2x64x129xf32, #tpu.memory_space<vmem>> -> memref<1x8x128xf32, #tpu.memory_space<vmem>>
        %dma_wait3A_840 = tpu.memref_squeeze %dma_wait3A_839 : memref<1x8x128xf32, #tpu.memory_space<vmem>> -> memref<8x128xf32, #tpu.memory_space<vmem>>
        %dma_wait3A_841 = arith.constant 0 : i32
        %dma_wait3A_842 = arith.constant 0 : i32
        %dma_wait3A_843 = tpu.memref_slice %arg4[%dma_wait3A_834, %dma_wait3A_835, %dma_wait3A_836, %dma_wait3A_841, %dma_wait3A_842] : memref<50x8x32x8x128xf32, #tpu.memory_space<hbm>> -> memref<1x1x1x8x128xf32, #tpu.memory_space<hbm>>
        %dma_wait3A_844 = tpu.memref_squeeze %dma_wait3A_843 : memref<1x1x1x8x128xf32, #tpu.memory_space<hbm>> -> memref<8x128xf32, #tpu.memory_space<hbm>>
        %dma_wait3A_845 = arith.constant 0 : i32
        %dma_wait3A_846 = arith.constant 0 : i32
        %dma_wait3A_847 = tpu.memref_slice %arg4[%dma_wait3A_834, %dma_wait3A_835, %dma_wait3A_836, %dma_wait3A_845, %dma_wait3A_846] : memref<50x8x32x8x128xf32, #tpu.memory_space<hbm>> -> memref<1x1x1x8x128xf32, #tpu.memory_space<hbm>>
        %dma_wait3A_848 = tpu.memref_squeeze %dma_wait3A_847 : memref<1x1x1x8x128xf32, #tpu.memory_space<hbm>> -> memref<8x128xf32, #tpu.memory_space<hbm>>
        %dma_wait3A_849 = arith.constant 0 : i32
        %dma_wait3A_850 = arith.constant 0 : i32
        %dma_wait3A_851 = tpu.memref_slice %arg7[%dma_wait3A_833, %dma_wait3A_849, %dma_wait3A_850] : memref<2x64x129xf32, #tpu.memory_space<vmem>> -> memref<1x8x128xf32, #tpu.memory_space<vmem>>
        %dma_wait3A_852 = tpu.memref_squeeze %dma_wait3A_851 : memref<1x8x128xf32, #tpu.memory_space<vmem>> -> memref<8x128xf32, #tpu.memory_space<vmem>>
        tpu.wait_dma2 semaphore(%arg10 : memref<!tpu.dma_semaphore, #tpu.memory_space<semaphore_mem>>) src(%dma_wait3A_852 : memref<8x128xf32, #tpu.memory_space<vmem>>) dst(%dma_wait3A_848 : memref<8x128xf32, #tpu.memory_space<hbm>>)
        %dma_wait3A_853 = arith.constant 0 : i32
        %dma_wait3A_854 = arith.constant 0 : i32
        %dma_wait3A_855 = arith.constant 0 : i32
        %dma_wait3A_856 = arith.constant 0 : i32
        %dma_wait3A_857 = arith.constant 0 : i32
        %dma_wait3A_858 = arith.constant 0 : i32
        %dma_wait3A_859 = tpu.memref_slice %arg7[%dma_wait3A_853, %dma_wait3A_857, %dma_wait3A_858] : memref<2x64x129xf32, #tpu.memory_space<vmem>> -> memref<1x8x128xf32, #tpu.memory_space<vmem>>
        %dma_wait3A_860 = tpu.memref_squeeze %dma_wait3A_859 : memref<1x8x128xf32, #tpu.memory_space<vmem>> -> memref<8x128xf32, #tpu.memory_space<vmem>>
        %dma_wait3A_861 = arith.constant 0 : i32
        %dma_wait3A_862 = arith.constant 0 : i32
        %dma_wait3A_863 = tpu.memref_slice %arg4[%dma_wait3A_854, %dma_wait3A_855, %dma_wait3A_856, %dma_wait3A_861, %dma_wait3A_862] : memref<50x8x32x8x128xf32, #tpu.memory_space<hbm>> -> memref<1x1x1x8x128xf32, #tpu.memory_space<hbm>>
        %dma_wait3A_864 = tpu.memref_squeeze %dma_wait3A_863 : memref<1x1x1x8x128xf32, #tpu.memory_space<hbm>> -> memref<8x128xf32, #tpu.memory_space<hbm>>
        %dma_wait3A_865 = arith.constant 0 : i32
        %dma_wait3A_866 = arith.constant 0 : i32
        %dma_wait3A_867 = tpu.memref_slice %arg4[%dma_wait3A_854, %dma_wait3A_855, %dma_wait3A_856, %dma_wait3A_865, %dma_wait3A_866] : memref<50x8x32x8x128xf32, #tpu.memory_space<hbm>> -> memref<1x1x1x8x128xf32, #tpu.memory_space<hbm>>
        %dma_wait3A_868 = tpu.memref_squeeze %dma_wait3A_867 : memref<1x1x1x8x128xf32, #tpu.memory_space<hbm>> -> memref<8x128xf32, #tpu.memory_space<hbm>>
        %dma_wait3A_869 = arith.constant 0 : i32
        %dma_wait3A_870 = arith.constant 0 : i32
        %dma_wait3A_871 = tpu.memref_slice %arg7[%dma_wait3A_853, %dma_wait3A_869, %dma_wait3A_870] : memref<2x64x129xf32, #tpu.memory_space<vmem>> -> memref<1x8x128xf32, #tpu.memory_space<vmem>>
        %dma_wait3A_872 = tpu.memref_squeeze %dma_wait3A_871 : memref<1x8x128xf32, #tpu.memory_space<vmem>> -> memref<8x128xf32, #tpu.memory_space<vmem>>
        tpu.wait_dma2 semaphore(%arg10 : memref<!tpu.dma_semaphore, #tpu.memory_space<semaphore_mem>>) src(%dma_wait3A_872 : memref<8x128xf32, #tpu.memory_space<vmem>>) dst(%dma_wait3A_868 : memref<8x128xf32, #tpu.memory_space<hbm>>)
      } else {
      }
      %scan3A_561 = arith.constant 0 : i32
      %scan3A_562 = arith.constant 0 : i32
      %scan3A_563 = arith.constant 16 : i32
      %scan3A_564 = arith.addi %scan3A_562, %scan3A_563 : i32
      %scan3A_565 = arith.constant 1 : i32
      %scan3A_566 = scf.for %scan3A_713 = %scan3A_562 to %scan3A_564 step %scan3A_565 iter_args(%scan3A_714 = %scan3A_561) -> (i32)  : i32 {
        %mul3A_715 = arith.constant 8 : i32
        %mul3A_716 = arith.muli %scan3A_713, %mul3A_715 : i32
        %add3A_717 = arith.constant 0 : i32
        %add3A_718 = arith.addi %mul3A_716, %add3A_717 : i32
        %mul3A_719 = arith.constant 0 : i32
        %mul3A_720 = vector.broadcast %mul3A_719 : i32 to vector<16xi32>
        %mul3A_721 = arith.muli %iota3A, %mul3A_720 : vector<16xi32>
        %add3A_722 = vector.broadcast %add3A_718 : i32 to vector<16xi32>
        %add3A_723 = arith.addi %mul3A_721, %add3A_722 : vector<16xi32>
        %get3A = arith.constant 1 : i32
        %get3A_724 = arith.index_cast %get3A : i32 to index
        %get3A_725 = arith.index_cast %add3A_718 : i32 to index
        %get3A_726 = arith.constant 0 : index
        %get3A_727 = tpu.vector_load %arg6[%get3A_724, %get3A_725, %get3A_726] {strides = array<i32>} : memref<2x128x64xf32, #tpu.memory_space<vmem>>, vector<16xf32>,
        %get3A_728 = arith.constant 1 : i32
        %get3A_729 = arith.index_cast %get3A_728 : i32 to index
        %get3A_730 = arith.index_cast %add3A_718 : i32 to index
        %get3A_731 = arith.constant 16 : index
        %get3A_732 = tpu.vector_load %arg6[%get3A_729, %get3A_730, %get3A_731] {strides = array<i32>} : memref<2x128x64xf32, #tpu.memory_space<vmem>>, vector<16xf32>,
        %get3A_733 = arith.constant 1 : i32
        %get3A_734 = arith.index_cast %get3A_733 : i32 to index
        %get3A_735 = arith.index_cast %add3A_718 : i32 to index
        %get3A_736 = arith.constant 32 : index
        %get3A_737 = tpu.vector_load %arg6[%get3A_734, %get3A_735, %get3A_736] {strides = array<i32>} : memref<2x128x64xf32, #tpu.memory_space<vmem>>, vector<16xf32>,
        %get3A_738 = arith.constant 1 : i32
        %get3A_739 = arith.index_cast %get3A_738 : i32 to index
        %get3A_740 = arith.index_cast %add3A_718 : i32 to index
        %get3A_741 = arith.constant 48 : index
        %get3A_742 = tpu.vector_load %arg6[%get3A_739, %get3A_740, %get3A_741] {strides = array<i32>} : memref<2x128x64xf32, #tpu.memory_space<vmem>>, vector<16xf32>,
        %scatter3A = arith.constant 1 : i32
        %scatter3A_743 = arith.constant 0 : i32
        %scatter3A_744 = arith.constant 0 : i32
        %scatter3A_745 = tpu.memref_slice %arg7[%scatter3A, %scatter3A_743, %scatter3A_744] : memref<2x64x129xf32, #tpu.memory_space<vmem>> -> memref<1x64x129xf32, #tpu.memory_space<vmem>>
        %scatter3A_746 = tpu.memref_squeeze %scatter3A_745 : memref<1x64x129xf32, #tpu.memory_space<vmem>> -> memref<64x129xf32, #tpu.memory_space<vmem>>
        tpu.vector_store_idx %scatter3A_746[%add3A_3, %add3A_723], %get3A_727 : memref<64x129xf32, #tpu.memory_space<vmem>>[vector<16xi32>, vector<16xi32>], vector<16xf32>,
        %scatter3A_747 = arith.constant 1 : i32
        %scatter3A_748 = arith.constant 0 : i32
        %scatter3A_749 = arith.constant 0 : i32
        %scatter3A_750 = tpu.memref_slice %arg7[%scatter3A_747, %scatter3A_748, %scatter3A_749] : memref<2x64x129xf32, #tpu.memory_space<vmem>> -> memref<1x64x129xf32, #tpu.memory_space<vmem>>
        %scatter3A_751 = tpu.memref_squeeze %scatter3A_750 : memref<1x64x129xf32, #tpu.memory_space<vmem>> -> memref<64x129xf32, #tpu.memory_space<vmem>>
        tpu.vector_store_idx %scatter3A_751[%add3A_6, %add3A_723], %get3A_732 : memref<64x129xf32, #tpu.memory_space<vmem>>[vector<16xi32>, vector<16xi32>], vector<16xf32>,
        %scatter3A_752 = arith.constant 1 : i32
        %scatter3A_753 = arith.constant 0 : i32
        %scatter3A_754 = arith.constant 0 : i32
        %scatter3A_755 = tpu.memref_slice %arg7[%scatter3A_752, %scatter3A_753, %scatter3A_754] : memref<2x64x129xf32, #tpu.memory_space<vmem>> -> memref<1x64x129xf32, #tpu.memory_space<vmem>>
        %scatter3A_756 = tpu.memref_squeeze %scatter3A_755 : memref<1x64x129xf32, #tpu.memory_space<vmem>> -> memref<64x129xf32, #tpu.memory_space<vmem>>
        tpu.vector_store_idx %scatter3A_756[%add3A_9, %add3A_723], %get3A_737 : memref<64x129xf32, #tpu.memory_space<vmem>>[vector<16xi32>, vector<16xi32>], vector<16xf32>,
        %scatter3A_757 = arith.constant 1 : i32
        %scatter3A_758 = arith.constant 0 : i32
        %scatter3A_759 = arith.constant 0 : i32
        %scatter3A_760 = tpu.memref_slice %arg7[%scatter3A_757, %scatter3A_758, %scatter3A_759] : memref<2x64x129xf32, #tpu.memory_space<vmem>> -> memref<1x64x129xf32, #tpu.memory_space<vmem>>
        %scatter3A_761 = tpu.memref_squeeze %scatter3A_760 : memref<1x64x129xf32, #tpu.memory_space<vmem>> -> memref<64x129xf32, #tpu.memory_space<vmem>>
        tpu.vector_store_idx %scatter3A_761[%add3A_12, %add3A_723], %get3A_742 : memref<64x129xf32, #tpu.memory_space<vmem>>[vector<16xi32>, vector<16xi32>], vector<16xf32>,
        %mul3A_762 = arith.constant 8 : i32
        %mul3A_763 = arith.muli %scan3A_713, %mul3A_762 : i32
        %add3A_764 = arith.constant 1 : i32
        %add3A_765 = arith.addi %mul3A_763, %add3A_764 : i32
        %mul3A_766 = arith.constant 0 : i32
        %mul3A_767 = vector.broadcast %mul3A_766 : i32 to vector<16xi32>
        %mul3A_768 = arith.muli %iota3A, %mul3A_767 : vector<16xi32>
        %add3A_769 = vector.broadcast %add3A_765 : i32 to vector<16xi32>
        %add3A_770 = arith.addi %mul3A_768, %add3A_769 : vector<16xi32>
        %get3A_771 = arith.constant 1 : i32
        %get3A_772 = arith.index_cast %get3A_771 : i32 to index
        %get3A_773 = arith.index_cast %add3A_765 : i32 to index
        %get3A_774 = arith.constant 0 : index
        %get3A_775 = tpu.vector_load %arg6[%get3A_772, %get3A_773, %get3A_774] {strides = array<i32>} : memref<2x128x64xf32, #tpu.memory_space<vmem>>, vector<16xf32>,
        %get3A_776 = arith.constant 1 : i32
        %get3A_777 = arith.index_cast %get3A_776 : i32 to index
        %get3A_778 = arith.index_cast %add3A_765 : i32 to index
        %get3A_779 = arith.constant 16 : index
        %get3A_780 = tpu.vector_load %arg6[%get3A_777, %get3A_778, %get3A_779] {strides = array<i32>} : memref<2x128x64xf32, #tpu.memory_space<vmem>>, vector<16xf32>,
        %get3A_781 = arith.constant 1 : i32
        %get3A_782 = arith.index_cast %get3A_781 : i32 to index
        %get3A_783 = arith.index_cast %add3A_765 : i32 to index
        %get3A_784 = arith.constant 32 : index
        %get3A_785 = tpu.vector_load %arg6[%get3A_782, %get3A_783, %get3A_784] {strides = array<i32>} : memref<2x128x64xf32, #tpu.memory_space<vmem>>, vector<16xf32>,
        %get3A_786 = arith.constant 1 : i32
        %get3A_787 = arith.index_cast %get3A_786 : i32 to index
        %get3A_788 = arith.index_cast %add3A_765 : i32 to index
        %get3A_789 = arith.constant 48 : index
        %get3A_790 = tpu.vector_load %arg6[%get3A_787, %get3A_788, %get3A_789] {strides = array<i32>} : memref<2x128x64xf32, #tpu.memory_space<vmem>>, vector<16xf32>,
        %scatter3A_791 = arith.constant 1 : i32
        %scatter3A_792 = arith.constant 0 : i32
        %scatter3A_793 = arith.constant 0 : i32
        %scatter3A_794 = tpu.memref_slice %arg7[%scatter3A_791, %scatter3A_792, %scatter3A_793] : memref<2x64x129xf32, #tpu.memory_space<vmem>> -> memref<1x64x129xf32, #tpu.memory_space<vmem>>
        %scatter3A_795 = tpu.memref_squeeze %scatter3A_794 : memref<1x64x129xf32, #tpu.memory_space<vmem>> -> memref<64x129xf32, #tpu.memory_space<vmem>>
        tpu.vector_store_idx %scatter3A_795[%add3A_3, %add3A_770], %get3A_775 : memref<64x129xf32, #tpu.memory_space<vmem>>[vector<16xi32>, vector<16xi32>], vector<16xf32>,
        %scatter3A_796 = arith.constant 1 : i32
        %scatter3A_797 = arith.constant 0 : i32
        %scatter3A_798 = arith.constant 0 : i32
        %scatter3A_799 = tpu.memref_slice %arg7[%scatter3A_796, %scatter3A_797, %scatter3A_798] : memref<2x64x129xf32, #tpu.memory_space<vmem>> -> memref<1x64x129xf32, #tpu.memory_space<vmem>>
        %scatter3A_800 = tpu.memref_squeeze %scatter3A_799 : memref<1x64x129xf32, #tpu.memory_space<vmem>> -> memref<64x129xf32, #tpu.memory_space<vmem>>
        tpu.vector_store_idx %scatter3A_800[%add3A_6, %add3A_770], %get3A_780 : memref<64x129xf32, #tpu.memory_space<vmem>>[vector<16xi32>, vector<16xi32>], vector<16xf32>,
        %scatter3A_801 = arith.constant 1 : i32
        %scatter3A_802 = arith.constant 0 : i32
        %scatter3A_803 = arith.constant 0 : i32
        %scatter3A_804 = tpu.memref_slice %arg7[%scatter3A_801, %scatter3A_802, %scatter3A_803] : memref<2x64x129xf32, #tpu.memory_space<vmem>> -> memref<1x64x129xf32, #tpu.memory_space<vmem>>
        %scatter3A_805 = tpu.memref_squeeze %scatter3A_804 : memref<1x64x129xf32, #tpu.memory_space<vmem>> -> memref<64x129xf32, #tpu.memory_space<vmem>>
        tpu.vector_store_idx %scatter3A_805[%add3A_9, %add3A_770], %get3A_785 : memref<64x129xf32, #tpu.memory_space<vmem>>[vector<16xi32>, vector<16xi32>], vector<16xf32>,
        %scatter3A_806 = arith.constant 1 : i32
        %scatter3A_807 = arith.constant 0 : i32
        %scatter3A_808 = arith.constant 0 : i32
        %scatter3A_809 = tpu.memref_slice %arg7[%scatter3A_806, %scatter3A_807, %scatter3A_808] : memref<2x64x129xf32, #tpu.memory_space<vmem>> -> memref<1x64x129xf32, #tpu.memory_space<vmem>>
        %scatter3A_810 = tpu.memref_squeeze %scatter3A_809 : memref<1x64x129xf32, #tpu.memory_space<vmem>> -> memref<64x129xf32, #tpu.memory_space<vmem>>
        tpu.vector_store_idx %scatter3A_810[%add3A_12, %add3A_770], %get3A_790 : memref<64x129xf32, #tpu.memory_space<vmem>>[vector<16xi32>, vector<16xi32>], vector<16xf32>,
        %mul3A_811 = arith.constant 8 : i32
        %mul3A_812 = arith.muli %scan3A_713, %mul3A_811 : i32
        %add3A_813 = arith.constant 2 : i32
        %add3A_814 = arith.addi %mul3A_812, %add3A_813 : i32
        %mul3A_815 = arith.constant 0 : i32
        %mul3A_816 = vector.broadcast %mul3A_815 : i32 to vector<16xi32>
        %mul3A_817 = arith.muli %iota3A, %mul3A_816 : vector<16xi32>
        %add3A_818 = vector.broadcast %add3A_814 : i32 to vector<16xi32>
        %add3A_819 = arith.addi %mul3A_817, %add3A_818 : vector<16xi32>
        %get3A_820 = arith.constant 1 : i32
        %get3A_821 = arith.index_cast %get3A_820 : i32 to index
        %get3A_822 = arith.index_cast %add3A_814 : i32 to index
        %get3A_823 = arith.constant 0 : index
        %get3A_824 = tpu.vector_load %arg6[%get3A_821, %get3A_822, %get3A_823] {strides = array<i32>} : memref<2x128x64xf32, #tpu.memory_space<vmem>>, vector<16xf32>,
        %get3A_825 = arith.constant 1 : i32
        %get3A_826 = arith.index_cast %get3A_825 : i32 to index
        %get3A_827 = arith.index_cast %add3A_814 : i32 to index
        %get3A_828 = arith.constant 16 : index
        %get3A_829 = tpu.vector_load %arg6[%get3A_826, %get3A_827, %get3A_828] {strides = array<i32>} : memref<2x128x64xf32, #tpu.memory_space<vmem>>, vector<16xf32>,
        %get3A_830 = arith.constant 1 : i32
        %get3A_831 = arith.index_cast %get3A_830 : i32 to index
        %get3A_832 = arith.index_cast %add3A_814 : i32 to index
        %get3A_833 = arith.constant 32 : index
        %get3A_834 = tpu.vector_load %arg6[%get3A_831, %get3A_832, %get3A_833] {strides = array<i32>} : memref<2x128x64xf32, #tpu.memory_space<vmem>>, vector<16xf32>,
        %get3A_835 = arith.constant 1 : i32
        %get3A_836 = arith.index_cast %get3A_835 : i32 to index
        %get3A_837 = arith.index_cast %add3A_814 : i32 to index
        %get3A_838 = arith.constant 48 : index
        %get3A_839 = tpu.vector_load %arg6[%get3A_836, %get3A_837, %get3A_838] {strides = array<i32>} : memref<2x128x64xf32, #tpu.memory_space<vmem>>, vector<16xf32>,
        %scatter3A_840 = arith.constant 1 : i32
        %scatter3A_841 = arith.constant 0 : i32
        %scatter3A_842 = arith.constant 0 : i32
        %scatter3A_843 = tpu.memref_slice %arg7[%scatter3A_840, %scatter3A_841, %scatter3A_842] : memref<2x64x129xf32, #tpu.memory_space<vmem>> -> memref<1x64x129xf32, #tpu.memory_space<vmem>>
        %scatter3A_844 = tpu.memref_squeeze %scatter3A_843 : memref<1x64x129xf32, #tpu.memory_space<vmem>> -> memref<64x129xf32, #tpu.memory_space<vmem>>
        tpu.vector_store_idx %scatter3A_844[%add3A_3, %add3A_819], %get3A_824 : memref<64x129xf32, #tpu.memory_space<vmem>>[vector<16xi32>, vector<16xi32>], vector<16xf32>,
        %scatter3A_845 = arith.constant 1 : i32
        %scatter3A_846 = arith.constant 0 : i32
        %scatter3A_847 = arith.constant 0 : i32
        %scatter3A_848 = tpu.memref_slice %arg7[%scatter3A_845, %scatter3A_846, %scatter3A_847] : memref<2x64x129xf32, #tpu.memory_space<vmem>> -> memref<1x64x129xf32, #tpu.memory_space<vmem>>
        %scatter3A_849 = tpu.memref_squeeze %scatter3A_848 : memref<1x64x129xf32, #tpu.memory_space<vmem>> -> memref<64x129xf32, #tpu.memory_space<vmem>>
        tpu.vector_store_idx %scatter3A_849[%add3A_6, %add3A_819], %get3A_829 : memref<64x129xf32, #tpu.memory_space<vmem>>[vector<16xi32>, vector<16xi32>], vector<16xf32>,
        %scatter3A_850 = arith.constant 1 : i32
        %scatter3A_851 = arith.constant 0 : i32
        %scatter3A_852 = arith.constant 0 : i32
        %scatter3A_853 = tpu.memref_slice %arg7[%scatter3A_850, %scatter3A_851, %scatter3A_852] : memref<2x64x129xf32, #tpu.memory_space<vmem>> -> memref<1x64x129xf32, #tpu.memory_space<vmem>>
        %scatter3A_854 = tpu.memref_squeeze %scatter3A_853 : memref<1x64x129xf32, #tpu.memory_space<vmem>> -> memref<64x129xf32, #tpu.memory_space<vmem>>
        tpu.vector_store_idx %scatter3A_854[%add3A_9, %add3A_819], %get3A_834 : memref<64x129xf32, #tpu.memory_space<vmem>>[vector<16xi32>, vector<16xi32>], vector<16xf32>,
        %scatter3A_855 = arith.constant 1 : i32
        %scatter3A_856 = arith.constant 0 : i32
        %scatter3A_857 = arith.constant 0 : i32
        %scatter3A_858 = tpu.memref_slice %arg7[%scatter3A_855, %scatter3A_856, %scatter3A_857] : memref<2x64x129xf32, #tpu.memory_space<vmem>> -> memref<1x64x129xf32, #tpu.memory_space<vmem>>
        %scatter3A_859 = tpu.memref_squeeze %scatter3A_858 : memref<1x64x129xf32, #tpu.memory_space<vmem>> -> memref<64x129xf32, #tpu.memory_space<vmem>>
        tpu.vector_store_idx %scatter3A_859[%add3A_12, %add3A_819], %get3A_839 : memref<64x129xf32, #tpu.memory_space<vmem>>[vector<16xi32>, vector<16xi32>], vector<16xf32>,
        %mul3A_860 = arith.constant 8 : i32
        %mul3A_861 = arith.muli %scan3A_713, %mul3A_860 : i32
        %add3A_862 = arith.constant 3 : i32
        %add3A_863 = arith.addi %mul3A_861, %add3A_862 : i32
        %mul3A_864 = arith.constant 0 : i32
        %mul3A_865 = vector.broadcast %mul3A_864 : i32 to vector<16xi32>
        %mul3A_866 = arith.muli %iota3A, %mul3A_865 : vector<16xi32>
        %add3A_867 = vector.broadcast %add3A_863 : i32 to vector<16xi32>
        %add3A_868 = arith.addi %mul3A_866, %add3A_867 : vector<16xi32>
        %get3A_869 = arith.constant 1 : i32
        %get3A_870 = arith.index_cast %get3A_869 : i32 to index
        %get3A_871 = arith.index_cast %add3A_863 : i32 to index
        %get3A_872 = arith.constant 0 : index
        %get3A_873 = tpu.vector_load %arg6[%get3A_870, %get3A_871, %get3A_872] {strides = array<i32>} : memref<2x128x64xf32, #tpu.memory_space<vmem>>, vector<16xf32>,
        %get3A_874 = arith.constant 1 : i32
        %get3A_875 = arith.index_cast %get3A_874 : i32 to index
        %get3A_876 = arith.index_cast %add3A_863 : i32 to index
        %get3A_877 = arith.constant 16 : index
        %get3A_878 = tpu.vector_load %arg6[%get3A_875, %get3A_876, %get3A_877] {strides = array<i32>} : memref<2x128x64xf32, #tpu.memory_space<vmem>>, vector<16xf32>,
        %get3A_879 = arith.constant 1 : i32
        %get3A_880 = arith.index_cast %get3A_879 : i32 to index
        %get3A_881 = arith.index_cast %add3A_863 : i32 to index
        %get3A_882 = arith.constant 32 : index
        %get3A_883 = tpu.vector_load %arg6[%get3A_880, %get3A_881, %get3A_882] {strides = array<i32>} : memref<2x128x64xf32, #tpu.memory_space<vmem>>, vector<16xf32>,
        %get3A_884 = arith.constant 1 : i32
        %get3A_885 = arith.index_cast %get3A_884 : i32 to index
        %get3A_886 = arith.index_cast %add3A_863 : i32 to index
        %get3A_887 = arith.constant 48 : index
        %get3A_888 = tpu.vector_load %arg6[%get3A_885, %get3A_886, %get3A_887] {strides = array<i32>} : memref<2x128x64xf32, #tpu.memory_space<vmem>>, vector<16xf32>,
        %scatter3A_889 = arith.constant 1 : i32
        %scatter3A_890 = arith.constant 0 : i32
        %scatter3A_891 = arith.constant 0 : i32
        %scatter3A_892 = tpu.memref_slice %arg7[%scatter3A_889, %scatter3A_890, %scatter3A_891] : memref<2x64x129xf32, #tpu.memory_space<vmem>> -> memref<1x64x129xf32, #tpu.memory_space<vmem>>
        %scatter3A_893 = tpu.memref_squeeze %scatter3A_892 : memref<1x64x129xf32, #tpu.memory_space<vmem>> -> memref<64x129xf32, #tpu.memory_space<vmem>>
        tpu.vector_store_idx %scatter3A_893[%add3A_3, %add3A_868], %get3A_873 : memref<64x129xf32, #tpu.memory_space<vmem>>[vector<16xi32>, vector<16xi32>], vector<16xf32>,
        %scatter3A_894 = arith.constant 1 : i32
        %scatter3A_895 = arith.constant 0 : i32
        %scatter3A_896 = arith.constant 0 : i32
        %scatter3A_897 = tpu.memref_slice %arg7[%scatter3A_894, %scatter3A_895, %scatter3A_896] : memref<2x64x129xf32, #tpu.memory_space<vmem>> -> memref<1x64x129xf32, #tpu.memory_space<vmem>>
        %scatter3A_898 = tpu.memref_squeeze %scatter3A_897 : memref<1x64x129xf32, #tpu.memory_space<vmem>> -> memref<64x129xf32, #tpu.memory_space<vmem>>
        tpu.vector_store_idx %scatter3A_898[%add3A_6, %add3A_868], %get3A_878 : memref<64x129xf32, #tpu.memory_space<vmem>>[vector<16xi32>, vector<16xi32>], vector<16xf32>,
        %scatter3A_899 = arith.constant 1 : i32
        %scatter3A_900 = arith.constant 0 : i32
        %scatter3A_901 = arith.constant 0 : i32
        %scatter3A_902 = tpu.memref_slice %arg7[%scatter3A_899, %scatter3A_900, %scatter3A_901] : memref<2x64x129xf32, #tpu.memory_space<vmem>> -> memref<1x64x129xf32, #tpu.memory_space<vmem>>
        %scatter3A_903 = tpu.memref_squeeze %scatter3A_902 : memref<1x64x129xf32, #tpu.memory_space<vmem>> -> memref<64x129xf32, #tpu.memory_space<vmem>>
        tpu.vector_store_idx %scatter3A_903[%add3A_9, %add3A_868], %get3A_883 : memref<64x129xf32, #tpu.memory_space<vmem>>[vector<16xi32>, vector<16xi32>], vector<16xf32>,
        %scatter3A_904 = arith.constant 1 : i32
        %scatter3A_905 = arith.constant 0 : i32
        %scatter3A_906 = arith.constant 0 : i32
        %scatter3A_907 = tpu.memref_slice %arg7[%scatter3A_904, %scatter3A_905, %scatter3A_906] : memref<2x64x129xf32, #tpu.memory_space<vmem>> -> memref<1x64x129xf32, #tpu.memory_space<vmem>>
        %scatter3A_908 = tpu.memref_squeeze %scatter3A_907 : memref<1x64x129xf32, #tpu.memory_space<vmem>> -> memref<64x129xf32, #tpu.memory_space<vmem>>
        tpu.vector_store_idx %scatter3A_908[%add3A_12, %add3A_868], %get3A_888 : memref<64x129xf32, #tpu.memory_space<vmem>>[vector<16xi32>, vector<16xi32>], vector<16xf32>,
        %mul3A_909 = arith.constant 8 : i32
        %mul3A_910 = arith.muli %scan3A_713, %mul3A_909 : i32
        %add3A_911 = arith.constant 4 : i32
        %add3A_912 = arith.addi %mul3A_910, %add3A_911 : i32
        %mul3A_913 = arith.constant 0 : i32
        %mul3A_914 = vector.broadcast %mul3A_913 : i32 to vector<16xi32>
        %mul3A_915 = arith.muli %iota3A, %mul3A_914 : vector<16xi32>
        %add3A_916 = vector.broadcast %add3A_912 : i32 to vector<16xi32>
        %add3A_917 = arith.addi %mul3A_915, %add3A_916 : vector<16xi32>
        %get3A_918 = arith.constant 1 : i32
        %get3A_919 = arith.index_cast %get3A_918 : i32 to index
        %get3A_920 = arith.index_cast %add3A_912 : i32 to index
        %get3A_921 = arith.constant 0 : index
        %get3A_922 = tpu.vector_load %arg6[%get3A_919, %get3A_920, %get3A_921] {strides = array<i32>} : memref<2x128x64xf32, #tpu.memory_space<vmem>>, vector<16xf32>,
        %get3A_923 = arith.constant 1 : i32
        %get3A_924 = arith.index_cast %get3A_923 : i32 to index
        %get3A_925 = arith.index_cast %add3A_912 : i32 to index
        %get3A_926 = arith.constant 16 : index
        %get3A_927 = tpu.vector_load %arg6[%get3A_924, %get3A_925, %get3A_926] {strides = array<i32>} : memref<2x128x64xf32, #tpu.memory_space<vmem>>, vector<16xf32>,
        %get3A_928 = arith.constant 1 : i32
        %get3A_929 = arith.index_cast %get3A_928 : i32 to index
        %get3A_930 = arith.index_cast %add3A_912 : i32 to index
        %get3A_931 = arith.constant 32 : index
        %get3A_932 = tpu.vector_load %arg6[%get3A_929, %get3A_930, %get3A_931] {strides = array<i32>} : memref<2x128x64xf32, #tpu.memory_space<vmem>>, vector<16xf32>,
        %get3A_933 = arith.constant 1 : i32
        %get3A_934 = arith.index_cast %get3A_933 : i32 to index
        %get3A_935 = arith.index_cast %add3A_912 : i32 to index
        %get3A_936 = arith.constant 48 : index
        %get3A_937 = tpu.vector_load %arg6[%get3A_934, %get3A_935, %get3A_936] {strides = array<i32>} : memref<2x128x64xf32, #tpu.memory_space<vmem>>, vector<16xf32>,
        %scatter3A_938 = arith.constant 1 : i32
        %scatter3A_939 = arith.constant 0 : i32
        %scatter3A_940 = arith.constant 0 : i32
        %scatter3A_941 = tpu.memref_slice %arg7[%scatter3A_938, %scatter3A_939, %scatter3A_940] : memref<2x64x129xf32, #tpu.memory_space<vmem>> -> memref<1x64x129xf32, #tpu.memory_space<vmem>>
        %scatter3A_942 = tpu.memref_squeeze %scatter3A_941 : memref<1x64x129xf32, #tpu.memory_space<vmem>> -> memref<64x129xf32, #tpu.memory_space<vmem>>
        tpu.vector_store_idx %scatter3A_942[%add3A_3, %add3A_917], %get3A_922 : memref<64x129xf32, #tpu.memory_space<vmem>>[vector<16xi32>, vector<16xi32>], vector<16xf32>,
        %scatter3A_943 = arith.constant 1 : i32
        %scatter3A_944 = arith.constant 0 : i32
        %scatter3A_945 = arith.constant 0 : i32
        %scatter3A_946 = tpu.memref_slice %arg7[%scatter3A_943, %scatter3A_944, %scatter3A_945] : memref<2x64x129xf32, #tpu.memory_space<vmem>> -> memref<1x64x129xf32, #tpu.memory_space<vmem>>
        %scatter3A_947 = tpu.memref_squeeze %scatter3A_946 : memref<1x64x129xf32, #tpu.memory_space<vmem>> -> memref<64x129xf32, #tpu.memory_space<vmem>>
        tpu.vector_store_idx %scatter3A_947[%add3A_6, %add3A_917], %get3A_927 : memref<64x129xf32, #tpu.memory_space<vmem>>[vector<16xi32>, vector<16xi32>], vector<16xf32>,
        %scatter3A_948 = arith.constant 1 : i32
        %scatter3A_949 = arith.constant 0 : i32
        %scatter3A_950 = arith.constant 0 : i32
        %scatter3A_951 = tpu.memref_slice %arg7[%scatter3A_948, %scatter3A_949, %scatter3A_950] : memref<2x64x129xf32, #tpu.memory_space<vmem>> -> memref<1x64x129xf32, #tpu.memory_space<vmem>>
        %scatter3A_952 = tpu.memref_squeeze %scatter3A_951 : memref<1x64x129xf32, #tpu.memory_space<vmem>> -> memref<64x129xf32, #tpu.memory_space<vmem>>
        tpu.vector_store_idx %scatter3A_952[%add3A_9, %add3A_917], %get3A_932 : memref<64x129xf32, #tpu.memory_space<vmem>>[vector<16xi32>, vector<16xi32>], vector<16xf32>,
        %scatter3A_953 = arith.constant 1 : i32
        %scatter3A_954 = arith.constant 0 : i32
        %scatter3A_955 = arith.constant 0 : i32
        %scatter3A_956 = tpu.memref_slice %arg7[%scatter3A_953, %scatter3A_954, %scatter3A_955] : memref<2x64x129xf32, #tpu.memory_space<vmem>> -> memref<1x64x129xf32, #tpu.memory_space<vmem>>
        %scatter3A_957 = tpu.memref_squeeze %scatter3A_956 : memref<1x64x129xf32, #tpu.memory_space<vmem>> -> memref<64x129xf32, #tpu.memory_space<vmem>>
        tpu.vector_store_idx %scatter3A_957[%add3A_12, %add3A_917], %get3A_937 : memref<64x129xf32, #tpu.memory_space<vmem>>[vector<16xi32>, vector<16xi32>], vector<16xf32>,
        %mul3A_958 = arith.constant 8 : i32
        %mul3A_959 = arith.muli %scan3A_713, %mul3A_958 : i32
        %add3A_960 = arith.constant 5 : i32
        %add3A_961 = arith.addi %mul3A_959, %add3A_960 : i32
        %mul3A_962 = arith.constant 0 : i32
        %mul3A_963 = vector.broadcast %mul3A_962 : i32 to vector<16xi32>
        %mul3A_964 = arith.muli %iota3A, %mul3A_963 : vector<16xi32>
        %add3A_965 = vector.broadcast %add3A_961 : i32 to vector<16xi32>
        %add3A_966 = arith.addi %mul3A_964, %add3A_965 : vector<16xi32>
        %get3A_967 = arith.constant 1 : i32
        %get3A_968 = arith.index_cast %get3A_967 : i32 to index
        %get3A_969 = arith.index_cast %add3A_961 : i32 to index
        %get3A_970 = arith.constant 0 : index
        %get3A_971 = tpu.vector_load %arg6[%get3A_968, %get3A_969, %get3A_970] {strides = array<i32>} : memref<2x128x64xf32, #tpu.memory_space<vmem>>, vector<16xf32>,
        %get3A_972 = arith.constant 1 : i32
        %get3A_973 = arith.index_cast %get3A_972 : i32 to index
        %get3A_974 = arith.index_cast %add3A_961 : i32 to index
        %get3A_975 = arith.constant 16 : index
        %get3A_976 = tpu.vector_load %arg6[%get3A_973, %get3A_974, %get3A_975] {strides = array<i32>} : memref<2x128x64xf32, #tpu.memory_space<vmem>>, vector<16xf32>,
        %get3A_977 = arith.constant 1 : i32
        %get3A_978 = arith.index_cast %get3A_977 : i32 to index
        %get3A_979 = arith.index_cast %add3A_961 : i32 to index
        %get3A_980 = arith.constant 32 : index
        %get3A_981 = tpu.vector_load %arg6[%get3A_978, %get3A_979, %get3A_980] {strides = array<i32>} : memref<2x128x64xf32, #tpu.memory_space<vmem>>, vector<16xf32>,
        %get3A_982 = arith.constant 1 : i32
        %get3A_983 = arith.index_cast %get3A_982 : i32 to index
        %get3A_984 = arith.index_cast %add3A_961 : i32 to index
        %get3A_985 = arith.constant 48 : index
        %get3A_986 = tpu.vector_load %arg6[%get3A_983, %get3A_984, %get3A_985] {strides = array<i32>} : memref<2x128x64xf32, #tpu.memory_space<vmem>>, vector<16xf32>,
        %scatter3A_987 = arith.constant 1 : i32
        %scatter3A_988 = arith.constant 0 : i32
        %scatter3A_989 = arith.constant 0 : i32
        %scatter3A_990 = tpu.memref_slice %arg7[%scatter3A_987, %scatter3A_988, %scatter3A_989] : memref<2x64x129xf32, #tpu.memory_space<vmem>> -> memref<1x64x129xf32, #tpu.memory_space<vmem>>
        %scatter3A_991 = tpu.memref_squeeze %scatter3A_990 : memref<1x64x129xf32, #tpu.memory_space<vmem>> -> memref<64x129xf32, #tpu.memory_space<vmem>>
        tpu.vector_store_idx %scatter3A_991[%add3A_3, %add3A_966], %get3A_971 : memref<64x129xf32, #tpu.memory_space<vmem>>[vector<16xi32>, vector<16xi32>], vector<16xf32>,
        %scatter3A_992 = arith.constant 1 : i32
        %scatter3A_993 = arith.constant 0 : i32
        %scatter3A_994 = arith.constant 0 : i32
        %scatter3A_995 = tpu.memref_slice %arg7[%scatter3A_992, %scatter3A_993, %scatter3A_994] : memref<2x64x129xf32, #tpu.memory_space<vmem>> -> memref<1x64x129xf32, #tpu.memory_space<vmem>>
        %scatter3A_996 = tpu.memref_squeeze %scatter3A_995 : memref<1x64x129xf32, #tpu.memory_space<vmem>> -> memref<64x129xf32, #tpu.memory_space<vmem>>
        tpu.vector_store_idx %scatter3A_996[%add3A_6, %add3A_966], %get3A_976 : memref<64x129xf32, #tpu.memory_space<vmem>>[vector<16xi32>, vector<16xi32>], vector<16xf32>,
        %scatter3A_997 = arith.constant 1 : i32
        %scatter3A_998 = arith.constant 0 : i32
        %scatter3A_999 = arith.constant 0 : i32
        %scatter3A_1000 = tpu.memref_slice %arg7[%scatter3A_997, %scatter3A_998, %scatter3A_999] : memref<2x64x129xf32, #tpu.memory_space<vmem>> -> memref<1x64x129xf32, #tpu.memory_space<vmem>>
        %scatter3A_1001 = tpu.memref_squeeze %scatter3A_1000 : memref<1x64x129xf32, #tpu.memory_space<vmem>> -> memref<64x129xf32, #tpu.memory_space<vmem>>
        tpu.vector_store_idx %scatter3A_1001[%add3A_9, %add3A_966], %get3A_981 : memref<64x129xf32, #tpu.memory_space<vmem>>[vector<16xi32>, vector<16xi32>], vector<16xf32>,
        %scatter3A_1002 = arith.constant 1 : i32
        %scatter3A_1003 = arith.constant 0 : i32
        %scatter3A_1004 = arith.constant 0 : i32
        %scatter3A_1005 = tpu.memref_slice %arg7[%scatter3A_1002, %scatter3A_1003, %scatter3A_1004] : memref<2x64x129xf32, #tpu.memory_space<vmem>> -> memref<1x64x129xf32, #tpu.memory_space<vmem>>
        %scatter3A_1006 = tpu.memref_squeeze %scatter3A_1005 : memref<1x64x129xf32, #tpu.memory_space<vmem>> -> memref<64x129xf32, #tpu.memory_space<vmem>>
        tpu.vector_store_idx %scatter3A_1006[%add3A_12, %add3A_966], %get3A_986 : memref<64x129xf32, #tpu.memory_space<vmem>>[vector<16xi32>, vector<16xi32>], vector<16xf32>,
        %mul3A_1007 = arith.constant 8 : i32
        %mul3A_1008 = arith.muli %scan3A_713, %mul3A_1007 : i32
        %add3A_1009 = arith.constant 6 : i32
        %add3A_1010 = arith.addi %mul3A_1008, %add3A_1009 : i32
        %mul3A_1011 = arith.constant 0 : i32
        %mul3A_1012 = vector.broadcast %mul3A_1011 : i32 to vector<16xi32>
        %mul3A_1013 = arith.muli %iota3A, %mul3A_1012 : vector<16xi32>
        %add3A_1014 = vector.broadcast %add3A_1010 : i32 to vector<16xi32>
        %add3A_1015 = arith.addi %mul3A_1013, %add3A_1014 : vector<16xi32>
        %get3A_1016 = arith.constant 1 : i32
        %get3A_1017 = arith.index_cast %get3A_1016 : i32 to index
        %get3A_1018 = arith.index_cast %add3A_1010 : i32 to index
        %get3A_1019 = arith.constant 0 : index
        %get3A_1020 = tpu.vector_load %arg6[%get3A_1017, %get3A_1018, %get3A_1019] {strides = array<i32>} : memref<2x128x64xf32, #tpu.memory_space<vmem>>, vector<16xf32>,
        %get3A_1021 = arith.constant 1 : i32
        %get3A_1022 = arith.index_cast %get3A_1021 : i32 to index
        %get3A_1023 = arith.index_cast %add3A_1010 : i32 to index
        %get3A_1024 = arith.constant 16 : index
        %get3A_1025 = tpu.vector_load %arg6[%get3A_1022, %get3A_1023, %get3A_1024] {strides = array<i32>} : memref<2x128x64xf32, #tpu.memory_space<vmem>>, vector<16xf32>,
        %get3A_1026 = arith.constant 1 : i32
        %get3A_1027 = arith.index_cast %get3A_1026 : i32 to index
        %get3A_1028 = arith.index_cast %add3A_1010 : i32 to index
        %get3A_1029 = arith.constant 32 : index
        %get3A_1030 = tpu.vector_load %arg6[%get3A_1027, %get3A_1028, %get3A_1029] {strides = array<i32>} : memref<2x128x64xf32, #tpu.memory_space<vmem>>, vector<16xf32>,
        %get3A_1031 = arith.constant 1 : i32
        %get3A_1032 = arith.index_cast %get3A_1031 : i32 to index
        %get3A_1033 = arith.index_cast %add3A_1010 : i32 to index
        %get3A_1034 = arith.constant 48 : index
        %get3A_1035 = tpu.vector_load %arg6[%get3A_1032, %get3A_1033, %get3A_1034] {strides = array<i32>} : memref<2x128x64xf32, #tpu.memory_space<vmem>>, vector<16xf32>,
        %scatter3A_1036 = arith.constant 1 : i32
        %scatter3A_1037 = arith.constant 0 : i32
        %scatter3A_1038 = arith.constant 0 : i32
        %scatter3A_1039 = tpu.memref_slice %arg7[%scatter3A_1036, %scatter3A_1037, %scatter3A_1038] : memref<2x64x129xf32, #tpu.memory_space<vmem>> -> memref<1x64x129xf32, #tpu.memory_space<vmem>>
        %scatter3A_1040 = tpu.memref_squeeze %scatter3A_1039 : memref<1x64x129xf32, #tpu.memory_space<vmem>> -> memref<64x129xf32, #tpu.memory_space<vmem>>
        tpu.vector_store_idx %scatter3A_1040[%add3A_3, %add3A_1015], %get3A_1020 : memref<64x129xf32, #tpu.memory_space<vmem>>[vector<16xi32>, vector<16xi32>], vector<16xf32>,
        %scatter3A_1041 = arith.constant 1 : i32
        %scatter3A_1042 = arith.constant 0 : i32
        %scatter3A_1043 = arith.constant 0 : i32
        %scatter3A_1044 = tpu.memref_slice %arg7[%scatter3A_1041, %scatter3A_1042, %scatter3A_1043] : memref<2x64x129xf32, #tpu.memory_space<vmem>> -> memref<1x64x129xf32, #tpu.memory_space<vmem>>
        %scatter3A_1045 = tpu.memref_squeeze %scatter3A_1044 : memref<1x64x129xf32, #tpu.memory_space<vmem>> -> memref<64x129xf32, #tpu.memory_space<vmem>>
        tpu.vector_store_idx %scatter3A_1045[%add3A_6, %add3A_1015], %get3A_1025 : memref<64x129xf32, #tpu.memory_space<vmem>>[vector<16xi32>, vector<16xi32>], vector<16xf32>,
        %scatter3A_1046 = arith.constant 1 : i32
        %scatter3A_1047 = arith.constant 0 : i32
        %scatter3A_1048 = arith.constant 0 : i32
        %scatter3A_1049 = tpu.memref_slice %arg7[%scatter3A_1046, %scatter3A_1047, %scatter3A_1048] : memref<2x64x129xf32, #tpu.memory_space<vmem>> -> memref<1x64x129xf32, #tpu.memory_space<vmem>>
        %scatter3A_1050 = tpu.memref_squeeze %scatter3A_1049 : memref<1x64x129xf32, #tpu.memory_space<vmem>> -> memref<64x129xf32, #tpu.memory_space<vmem>>
        tpu.vector_store_idx %scatter3A_1050[%add3A_9, %add3A_1015], %get3A_1030 : memref<64x129xf32, #tpu.memory_space<vmem>>[vector<16xi32>, vector<16xi32>], vector<16xf32>,
        %scatter3A_1051 = arith.constant 1 : i32
        %scatter3A_1052 = arith.constant 0 : i32
        %scatter3A_1053 = arith.constant 0 : i32
        %scatter3A_1054 = tpu.memref_slice %arg7[%scatter3A_1051, %scatter3A_1052, %scatter3A_1053] : memref<2x64x129xf32, #tpu.memory_space<vmem>> -> memref<1x64x129xf32, #tpu.memory_space<vmem>>
        %scatter3A_1055 = tpu.memref_squeeze %scatter3A_1054 : memref<1x64x129xf32, #tpu.memory_space<vmem>> -> memref<64x129xf32, #tpu.memory_space<vmem>>
        tpu.vector_store_idx %scatter3A_1055[%add3A_12, %add3A_1015], %get3A_1035 : memref<64x129xf32, #tpu.memory_space<vmem>>[vector<16xi32>, vector<16xi32>], vector<16xf32>,
        %mul3A_1056 = arith.constant 8 : i32
        %mul3A_1057 = arith.muli %scan3A_713, %mul3A_1056 : i32
        %add3A_1058 = arith.constant 7 : i32
        %add3A_1059 = arith.addi %mul3A_1057, %add3A_1058 : i32
        %mul3A_1060 = arith.constant 0 : i32
        %mul3A_1061 = vector.broadcast %mul3A_1060 : i32 to vector<16xi32>
        %mul3A_1062 = arith.muli %iota3A, %mul3A_1061 : vector<16xi32>
        %add3A_1063 = vector.broadcast %add3A_1059 : i32 to vector<16xi32>
        %add3A_1064 = arith.addi %mul3A_1062, %add3A_1063 : vector<16xi32>
        %get3A_1065 = arith.constant 1 : i32
        %get3A_1066 = arith.index_cast %get3A_1065 : i32 to index
        %get3A_1067 = arith.index_cast %add3A_1059 : i32 to index
        %get3A_1068 = arith.constant 0 : index
        %get3A_1069 = tpu.vector_load %arg6[%get3A_1066, %get3A_1067, %get3A_1068] {strides = array<i32>} : memref<2x128x64xf32, #tpu.memory_space<vmem>>, vector<16xf32>,
        %get3A_1070 = arith.constant 1 : i32
        %get3A_1071 = arith.index_cast %get3A_1070 : i32 to index
        %get3A_1072 = arith.index_cast %add3A_1059 : i32 to index
        %get3A_1073 = arith.constant 16 : index
        %get3A_1074 = tpu.vector_load %arg6[%get3A_1071, %get3A_1072, %get3A_1073] {strides = array<i32>} : memref<2x128x64xf32, #tpu.memory_space<vmem>>, vector<16xf32>,
        %get3A_1075 = arith.constant 1 : i32
        %get3A_1076 = arith.index_cast %get3A_1075 : i32 to index
        %get3A_1077 = arith.index_cast %add3A_1059 : i32 to index
        %get3A_1078 = arith.constant 32 : index
        %get3A_1079 = tpu.vector_load %arg6[%get3A_1076, %get3A_1077, %get3A_1078] {strides = array<i32>} : memref<2x128x64xf32, #tpu.memory_space<vmem>>, vector<16xf32>,
        %get3A_1080 = arith.constant 1 : i32
        %get3A_1081 = arith.index_cast %get3A_1080 : i32 to index
        %get3A_1082 = arith.index_cast %add3A_1059 : i32 to index
        %get3A_1083 = arith.constant 48 : index
        %get3A_1084 = tpu.vector_load %arg6[%get3A_1081, %get3A_1082, %get3A_1083] {strides = array<i32>} : memref<2x128x64xf32, #tpu.memory_space<vmem>>, vector<16xf32>,
        %scatter3A_1085 = arith.constant 1 : i32
        %scatter3A_1086 = arith.constant 0 : i32
        %scatter3A_1087 = arith.constant 0 : i32
        %scatter3A_1088 = tpu.memref_slice %arg7[%scatter3A_1085, %scatter3A_1086, %scatter3A_1087] : memref<2x64x129xf32, #tpu.memory_space<vmem>> -> memref<1x64x129xf32, #tpu.memory_space<vmem>>
        %scatter3A_1089 = tpu.memref_squeeze %scatter3A_1088 : memref<1x64x129xf32, #tpu.memory_space<vmem>> -> memref<64x129xf32, #tpu.memory_space<vmem>>
        tpu.vector_store_idx %scatter3A_1089[%add3A_3, %add3A_1064], %get3A_1069 : memref<64x129xf32, #tpu.memory_space<vmem>>[vector<16xi32>, vector<16xi32>], vector<16xf32>,
        %scatter3A_1090 = arith.constant 1 : i32
        %scatter3A_1091 = arith.constant 0 : i32
        %scatter3A_1092 = arith.constant 0 : i32
        %scatter3A_1093 = tpu.memref_slice %arg7[%scatter3A_1090, %scatter3A_1091, %scatter3A_1092] : memref<2x64x129xf32, #tpu.memory_space<vmem>> -> memref<1x64x129xf32, #tpu.memory_space<vmem>>
        %scatter3A_1094 = tpu.memref_squeeze %scatter3A_1093 : memref<1x64x129xf32, #tpu.memory_space<vmem>> -> memref<64x129xf32, #tpu.memory_space<vmem>>
        tpu.vector_store_idx %scatter3A_1094[%add3A_6, %add3A_1064], %get3A_1074 : memref<64x129xf32, #tpu.memory_space<vmem>>[vector<16xi32>, vector<16xi32>], vector<16xf32>,
        %scatter3A_1095 = arith.constant 1 : i32
        %scatter3A_1096 = arith.constant 0 : i32
        %scatter3A_1097 = arith.constant 0 : i32
        %scatter3A_1098 = tpu.memref_slice %arg7[%scatter3A_1095, %scatter3A_1096, %scatter3A_1097] : memref<2x64x129xf32, #tpu.memory_space<vmem>> -> memref<1x64x129xf32, #tpu.memory_space<vmem>>
        %scatter3A_1099 = tpu.memref_squeeze %scatter3A_1098 : memref<1x64x129xf32, #tpu.memory_space<vmem>> -> memref<64x129xf32, #tpu.memory_space<vmem>>
        tpu.vector_store_idx %scatter3A_1099[%add3A_9, %add3A_1064], %get3A_1079 : memref<64x129xf32, #tpu.memory_space<vmem>>[vector<16xi32>, vector<16xi32>], vector<16xf32>,
        %scatter3A_1100 = arith.constant 1 : i32
        %scatter3A_1101 = arith.constant 0 : i32
        %scatter3A_1102 = arith.constant 0 : i32
        %scatter3A_1103 = tpu.memref_slice %arg7[%scatter3A_1100, %scatter3A_1101, %scatter3A_1102] : memref<2x64x129xf32, #tpu.memory_space<vmem>> -> memref<1x64x129xf32, #tpu.memory_space<vmem>>
        %scatter3A_1104 = tpu.memref_squeeze %scatter3A_1103 : memref<1x64x129xf32, #tpu.memory_space<vmem>> -> memref<64x129xf32, #tpu.memory_space<vmem>>
        tpu.vector_store_idx %scatter3A_1104[%add3A_12, %add3A_1064], %get3A_1084 : memref<64x129xf32, #tpu.memory_space<vmem>>[vector<16xi32>, vector<16xi32>], vector<16xf32>,
        %scan3A_1105 = arith.constant 0 : i32
        scf.yield %scan3A_1105 : i32
      }
      %scan3A_567 = arith.constant 16 : i32
      %dma_start3A_568 = arith.constant 1 : i32
      %dma_start3A_569 = arith.constant 0 : i32
      %dma_start3A_570 = arith.constant 0 : i32
      %dma_start3A_571 = arith.constant 0 : i32
      %dma_start3A_572 = tpu.memref_slice %arg7[%dma_start3A_568, %dma_start3A_570, %dma_start3A_571] : memref<2x64x129xf32, #tpu.memory_space<vmem>> -> memref<1x8x128xf32, #tpu.memory_space<vmem>>
      %dma_start3A_573 = tpu.memref_squeeze %dma_start3A_572 : memref<1x8x128xf32, #tpu.memory_space<vmem>> -> memref<8x128xf32, #tpu.memory_space<vmem>>
      %dma_start3A_574 = arith.constant 0 : i32
      %dma_start3A_575 = arith.constant 0 : i32
      %dma_start3A_576 = tpu.memref_slice %arg4[%add3A_533, %dma_start3A_569, %add3A, %dma_start3A_574, %dma_start3A_575] : memref<50x8x32x8x128xf32, #tpu.memory_space<hbm>> -> memref<1x1x1x8x128xf32, #tpu.memory_space<hbm>>
      %dma_start3A_577 = tpu.memref_squeeze %dma_start3A_576 : memref<1x1x1x8x128xf32, #tpu.memory_space<hbm>> -> memref<8x128xf32, #tpu.memory_space<hbm>>
      %dma_start3A_578 = arith.constant 0 : i32
      %dma_start3A_579 = arith.constant 0 : i32
      %dma_start3A_580 = tpu.memref_slice %arg4[%add3A_533, %dma_start3A_569, %add3A, %dma_start3A_578, %dma_start3A_579] : memref<50x8x32x8x128xf32, #tpu.memory_space<hbm>> -> memref<1x1x1x8x128xf32, #tpu.memory_space<hbm>>
      %dma_start3A_581 = tpu.memref_squeeze %dma_start3A_580 : memref<1x1x1x8x128xf32, #tpu.memory_space<hbm>> -> memref<8x128xf32, #tpu.memory_space<hbm>>
      %dma_start3A_582 = arith.constant 0 : i32
      %dma_start3A_583 = arith.constant 0 : i32
      %dma_start3A_584 = tpu.memref_slice %arg7[%dma_start3A_568, %dma_start3A_582, %dma_start3A_583] : memref<2x64x129xf32, #tpu.memory_space<vmem>> -> memref<1x8x128xf32, #tpu.memory_space<vmem>>
      %dma_start3A_585 = tpu.memref_squeeze %dma_start3A_584 : memref<1x8x128xf32, #tpu.memory_space<vmem>> -> memref<8x128xf32, #tpu.memory_space<vmem>>
      tpu.enqueue_dma source(%dma_start3A_585 : memref<8x128xf32, #tpu.memory_space<vmem>>) target(%dma_start3A_581 : memref<8x128xf32, #tpu.memory_space<hbm>>) target_semaphore(%arg10 : memref<!tpu.dma_semaphore, #tpu.memory_space<semaphore_mem>>)
      %dma_start3A_586 = arith.constant 1 : i32
      %dma_start3A_587 = arith.constant 1 : i32
      %dma_start3A_588 = arith.constant 8 : i32
      %dma_start3A_589 = arith.constant 0 : i32
      %dma_start3A_590 = tpu.memref_slice %arg7[%dma_start3A_586, %dma_start3A_588, %dma_start3A_589] : memref<2x64x129xf32, #tpu.memory_space<vmem>> -> memref<1x8x128xf32, #tpu.memory_space<vmem>>
      %dma_start3A_591 = tpu.memref_squeeze %dma_start3A_590 : memref<1x8x128xf32, #tpu.memory_space<vmem>> -> memref<8x128xf32, #tpu.memory_space<vmem>>
      %dma_start3A_592 = arith.constant 0 : i32
      %dma_start3A_593 = arith.constant 0 : i32
      %dma_start3A_594 = tpu.memref_slice %arg4[%add3A_533, %dma_start3A_587, %add3A, %dma_start3A_592, %dma_start3A_593] : memref<50x8x32x8x128xf32, #tpu.memory_space<hbm>> -> memref<1x1x1x8x128xf32, #tpu.memory_space<hbm>>
      %dma_start3A_595 = tpu.memref_squeeze %dma_start3A_594 : memref<1x1x1x8x128xf32, #tpu.memory_space<hbm>> -> memref<8x128xf32, #tpu.memory_space<hbm>>
      %dma_start3A_596 = arith.constant 0 : i32
      %dma_start3A_597 = arith.constant 0 : i32
      %dma_start3A_598 = tpu.memref_slice %arg4[%add3A_533, %dma_start3A_587, %add3A, %dma_start3A_596, %dma_start3A_597] : memref<50x8x32x8x128xf32, #tpu.memory_space<hbm>> -> memref<1x1x1x8x128xf32, #tpu.memory_space<hbm>>
      %dma_start3A_599 = tpu.memref_squeeze %dma_start3A_598 : memref<1x1x1x8x128xf32, #tpu.memory_space<hbm>> -> memref<8x128xf32, #tpu.memory_space<hbm>>
      %dma_start3A_600 = arith.constant 8 : i32
      %dma_start3A_601 = arith.constant 0 : i32
      %dma_start3A_602 = tpu.memref_slice %arg7[%dma_start3A_586, %dma_start3A_600, %dma_start3A_601] : memref<2x64x129xf32, #tpu.memory_space<vmem>> -> memref<1x8x128xf32, #tpu.memory_space<vmem>>
      %dma_start3A_603 = tpu.memref_squeeze %dma_start3A_602 : memref<1x8x128xf32, #tpu.memory_space<vmem>> -> memref<8x128xf32, #tpu.memory_space<vmem>>
      tpu.enqueue_dma source(%dma_start3A_603 : memref<8x128xf32, #tpu.memory_space<vmem>>) target(%dma_start3A_599 : memref<8x128xf32, #tpu.memory_space<hbm>>) target_semaphore(%arg10 : memref<!tpu.dma_semaphore, #tpu.memory_space<semaphore_mem>>)
      %dma_start3A_604 = arith.constant 1 : i32
      %dma_start3A_605 = arith.constant 2 : i32
      %dma_start3A_606 = arith.constant 16 : i32
      %dma_start3A_607 = arith.constant 0 : i32
      %dma_start3A_608 = tpu.memref_slice %arg7[%dma_start3A_604, %dma_start3A_606, %dma_start3A_607] : memref<2x64x129xf32, #tpu.memory_space<vmem>> -> memref<1x8x128xf32, #tpu.memory_space<vmem>>
      %dma_start3A_609 = tpu.memref_squeeze %dma_start3A_608 : memref<1x8x128xf32, #tpu.memory_space<vmem>> -> memref<8x128xf32, #tpu.memory_space<vmem>>
      %dma_start3A_610 = arith.constant 0 : i32
      %dma_start3A_611 = arith.constant 0 : i32
      %dma_start3A_612 = tpu.memref_slice %arg4[%add3A_533, %dma_start3A_605, %add3A, %dma_start3A_610, %dma_start3A_611] : memref<50x8x32x8x128xf32, #tpu.memory_space<hbm>> -> memref<1x1x1x8x128xf32, #tpu.memory_space<hbm>>
      %dma_start3A_613 = tpu.memref_squeeze %dma_start3A_612 : memref<1x1x1x8x128xf32, #tpu.memory_space<hbm>> -> memref<8x128xf32, #tpu.memory_space<hbm>>
      %dma_start3A_614 = arith.constant 0 : i32
      %dma_start3A_615 = arith.constant 0 : i32
      %dma_start3A_616 = tpu.memref_slice %arg4[%add3A_533, %dma_start3A_605, %add3A, %dma_start3A_614, %dma_start3A_615] : memref<50x8x32x8x128xf32, #tpu.memory_space<hbm>> -> memref<1x1x1x8x128xf32, #tpu.memory_space<hbm>>
      %dma_start3A_617 = tpu.memref_squeeze %dma_start3A_616 : memref<1x1x1x8x128xf32, #tpu.memory_space<hbm>> -> memref<8x128xf32, #tpu.memory_space<hbm>>
      %dma_start3A_618 = arith.constant 16 : i32
      %dma_start3A_619 = arith.constant 0 : i32
      %dma_start3A_620 = tpu.memref_slice %arg7[%dma_start3A_604, %dma_start3A_618, %dma_start3A_619] : memref<2x64x129xf32, #tpu.memory_space<vmem>> -> memref<1x8x128xf32, #tpu.memory_space<vmem>>
      %dma_start3A_621 = tpu.memref_squeeze %dma_start3A_620 : memref<1x8x128xf32, #tpu.memory_space<vmem>> -> memref<8x128xf32, #tpu.memory_space<vmem>>
      tpu.enqueue_dma source(%dma_start3A_621 : memref<8x128xf32, #tpu.memory_space<vmem>>) target(%dma_start3A_617 : memref<8x128xf32, #tpu.memory_space<hbm>>) target_semaphore(%arg10 : memref<!tpu.dma_semaphore, #tpu.memory_space<semaphore_mem>>)
      %dma_start3A_622 = arith.constant 1 : i32
      %dma_start3A_623 = arith.constant 3 : i32
      %dma_start3A_624 = arith.constant 24 : i32
      %dma_start3A_625 = arith.constant 0 : i32
      %dma_start3A_626 = tpu.memref_slice %arg7[%dma_start3A_622, %dma_start3A_624, %dma_start3A_625] : memref<2x64x129xf32, #tpu.memory_space<vmem>> -> memref<1x8x128xf32, #tpu.memory_space<vmem>>
      %dma_start3A_627 = tpu.memref_squeeze %dma_start3A_626 : memref<1x8x128xf32, #tpu.memory_space<vmem>> -> memref<8x128xf32, #tpu.memory_space<vmem>>
      %dma_start3A_628 = arith.constant 0 : i32
      %dma_start3A_629 = arith.constant 0 : i32
      %dma_start3A_630 = tpu.memref_slice %arg4[%add3A_533, %dma_start3A_623, %add3A, %dma_start3A_628, %dma_start3A_629] : memref<50x8x32x8x128xf32, #tpu.memory_space<hbm>> -> memref<1x1x1x8x128xf32, #tpu.memory_space<hbm>>
      %dma_start3A_631 = tpu.memref_squeeze %dma_start3A_630 : memref<1x1x1x8x128xf32, #tpu.memory_space<hbm>> -> memref<8x128xf32, #tpu.memory_space<hbm>>
      %dma_start3A_632 = arith.constant 0 : i32
      %dma_start3A_633 = arith.constant 0 : i32
      %dma_start3A_634 = tpu.memref_slice %arg4[%add3A_533, %dma_start3A_623, %add3A, %dma_start3A_632, %dma_start3A_633] : memref<50x8x32x8x128xf32, #tpu.memory_space<hbm>> -> memref<1x1x1x8x128xf32, #tpu.memory_space<hbm>>
      %dma_start3A_635 = tpu.memref_squeeze %dma_start3A_634 : memref<1x1x1x8x128xf32, #tpu.memory_space<hbm>> -> memref<8x128xf32, #tpu.memory_space<hbm>>
      %dma_start3A_636 = arith.constant 24 : i32
      %dma_start3A_637 = arith.constant 0 : i32
      %dma_start3A_638 = tpu.memref_slice %arg7[%dma_start3A_622, %dma_start3A_636, %dma_start3A_637] : memref<2x64x129xf32, #tpu.memory_space<vmem>> -> memref<1x8x128xf32, #tpu.memory_space<vmem>>
      %dma_start3A_639 = tpu.memref_squeeze %dma_start3A_638 : memref<1x8x128xf32, #tpu.memory_space<vmem>> -> memref<8x128xf32, #tpu.memory_space<vmem>>
      tpu.enqueue_dma source(%dma_start3A_639 : memref<8x128xf32, #tpu.memory_space<vmem>>) target(%dma_start3A_635 : memref<8x128xf32, #tpu.memory_space<hbm>>) target_semaphore(%arg10 : memref<!tpu.dma_semaphore, #tpu.memory_space<semaphore_mem>>)
      %dma_start3A_640 = arith.constant 1 : i32
      %dma_start3A_641 = arith.constant 4 : i32
      %dma_start3A_642 = arith.constant 32 : i32
      %dma_start3A_643 = arith.constant 0 : i32
      %dma_start3A_644 = tpu.memref_slice %arg7[%dma_start3A_640, %dma_start3A_642, %dma_start3A_643] : memref<2x64x129xf32, #tpu.memory_space<vmem>> -> memref<1x8x128xf32, #tpu.memory_space<vmem>>
      %dma_start3A_645 = tpu.memref_squeeze %dma_start3A_644 : memref<1x8x128xf32, #tpu.memory_space<vmem>> -> memref<8x128xf32, #tpu.memory_space<vmem>>
      %dma_start3A_646 = arith.constant 0 : i32
      %dma_start3A_647 = arith.constant 0 : i32
      %dma_start3A_648 = tpu.memref_slice %arg4[%add3A_533, %dma_start3A_641, %add3A, %dma_start3A_646, %dma_start3A_647] : memref<50x8x32x8x128xf32, #tpu.memory_space<hbm>> -> memref<1x1x1x8x128xf32, #tpu.memory_space<hbm>>
      %dma_start3A_649 = tpu.memref_squeeze %dma_start3A_648 : memref<1x1x1x8x128xf32, #tpu.memory_space<hbm>> -> memref<8x128xf32, #tpu.memory_space<hbm>>
      %dma_start3A_650 = arith.constant 0 : i32
      %dma_start3A_651 = arith.constant 0 : i32
      %dma_start3A_652 = tpu.memref_slice %arg4[%add3A_533, %dma_start3A_641, %add3A, %dma_start3A_650, %dma_start3A_651] : memref<50x8x32x8x128xf32, #tpu.memory_space<hbm>> -> memref<1x1x1x8x128xf32, #tpu.memory_space<hbm>>
      %dma_start3A_653 = tpu.memref_squeeze %dma_start3A_652 : memref<1x1x1x8x128xf32, #tpu.memory_space<hbm>> -> memref<8x128xf32, #tpu.memory_space<hbm>>
      %dma_start3A_654 = arith.constant 32 : i32
      %dma_start3A_655 = arith.constant 0 : i32
      %dma_start3A_656 = tpu.memref_slice %arg7[%dma_start3A_640, %dma_start3A_654, %dma_start3A_655] : memref<2x64x129xf32, #tpu.memory_space<vmem>> -> memref<1x8x128xf32, #tpu.memory_space<vmem>>
      %dma_start3A_657 = tpu.memref_squeeze %dma_start3A_656 : memref<1x8x128xf32, #tpu.memory_space<vmem>> -> memref<8x128xf32, #tpu.memory_space<vmem>>
      tpu.enqueue_dma source(%dma_start3A_657 : memref<8x128xf32, #tpu.memory_space<vmem>>) target(%dma_start3A_653 : memref<8x128xf32, #tpu.memory_space<hbm>>) target_semaphore(%arg10 : memref<!tpu.dma_semaphore, #tpu.memory_space<semaphore_mem>>)
      %dma_start3A_658 = arith.constant 1 : i32
      %dma_start3A_659 = arith.constant 5 : i32
      %dma_start3A_660 = arith.constant 40 : i32
      %dma_start3A_661 = arith.constant 0 : i32
      %dma_start3A_662 = tpu.memref_slice %arg7[%dma_start3A_658, %dma_start3A_660, %dma_start3A_661] : memref<2x64x129xf32, #tpu.memory_space<vmem>> -> memref<1x8x128xf32, #tpu.memory_space<vmem>>
      %dma_start3A_663 = tpu.memref_squeeze %dma_start3A_662 : memref<1x8x128xf32, #tpu.memory_space<vmem>> -> memref<8x128xf32, #tpu.memory_space<vmem>>
      %dma_start3A_664 = arith.constant 0 : i32
      %dma_start3A_665 = arith.constant 0 : i32
      %dma_start3A_666 = tpu.memref_slice %arg4[%add3A_533, %dma_start3A_659, %add3A, %dma_start3A_664, %dma_start3A_665] : memref<50x8x32x8x128xf32, #tpu.memory_space<hbm>> -> memref<1x1x1x8x128xf32, #tpu.memory_space<hbm>>
      %dma_start3A_667 = tpu.memref_squeeze %dma_start3A_666 : memref<1x1x1x8x128xf32, #tpu.memory_space<hbm>> -> memref<8x128xf32, #tpu.memory_space<hbm>>
      %dma_start3A_668 = arith.constant 0 : i32
      %dma_start3A_669 = arith.constant 0 : i32
      %dma_start3A_670 = tpu.memref_slice %arg4[%add3A_533, %dma_start3A_659, %add3A, %dma_start3A_668, %dma_start3A_669] : memref<50x8x32x8x128xf32, #tpu.memory_space<hbm>> -> memref<1x1x1x8x128xf32, #tpu.memory_space<hbm>>
      %dma_start3A_671 = tpu.memref_squeeze %dma_start3A_670 : memref<1x1x1x8x128xf32, #tpu.memory_space<hbm>> -> memref<8x128xf32, #tpu.memory_space<hbm>>
      %dma_start3A_672 = arith.constant 40 : i32
      %dma_start3A_673 = arith.constant 0 : i32
      %dma_start3A_674 = tpu.memref_slice %arg7[%dma_start3A_658, %dma_start3A_672, %dma_start3A_673] : memref<2x64x129xf32, #tpu.memory_space<vmem>> -> memref<1x8x128xf32, #tpu.memory_space<vmem>>
      %dma_start3A_675 = tpu.memref_squeeze %dma_start3A_674 : memref<1x8x128xf32, #tpu.memory_space<vmem>> -> memref<8x128xf32, #tpu.memory_space<vmem>>
      tpu.enqueue_dma source(%dma_start3A_675 : memref<8x128xf32, #tpu.memory_space<vmem>>) target(%dma_start3A_671 : memref<8x128xf32, #tpu.memory_space<hbm>>) target_semaphore(%arg10 : memref<!tpu.dma_semaphore, #tpu.memory_space<semaphore_mem>>)
      %dma_start3A_676 = arith.constant 1 : i32
      %dma_start3A_677 = arith.constant 6 : i32
      %dma_start3A_678 = arith.constant 48 : i32
      %dma_start3A_679 = arith.constant 0 : i32
      %dma_start3A_680 = tpu.memref_slice %arg7[%dma_start3A_676, %dma_start3A_678, %dma_start3A_679] : memref<2x64x129xf32, #tpu.memory_space<vmem>> -> memref<1x8x128xf32, #tpu.memory_space<vmem>>
      %dma_start3A_681 = tpu.memref_squeeze %dma_start3A_680 : memref<1x8x128xf32, #tpu.memory_space<vmem>> -> memref<8x128xf32, #tpu.memory_space<vmem>>
      %dma_start3A_682 = arith.constant 0 : i32
      %dma_start3A_683 = arith.constant 0 : i32
      %dma_start3A_684 = tpu.memref_slice %arg4[%add3A_533, %dma_start3A_677, %add3A, %dma_start3A_682, %dma_start3A_683] : memref<50x8x32x8x128xf32, #tpu.memory_space<hbm>> -> memref<1x1x1x8x128xf32, #tpu.memory_space<hbm>>
      %dma_start3A_685 = tpu.memref_squeeze %dma_start3A_684 : memref<1x1x1x8x128xf32, #tpu.memory_space<hbm>> -> memref<8x128xf32, #tpu.memory_space<hbm>>
      %dma_start3A_686 = arith.constant 0 : i32
      %dma_start3A_687 = arith.constant 0 : i32
      %dma_start3A_688 = tpu.memref_slice %arg4[%add3A_533, %dma_start3A_677, %add3A, %dma_start3A_686, %dma_start3A_687] : memref<50x8x32x8x128xf32, #tpu.memory_space<hbm>> -> memref<1x1x1x8x128xf32, #tpu.memory_space<hbm>>
      %dma_start3A_689 = tpu.memref_squeeze %dma_start3A_688 : memref<1x1x1x8x128xf32, #tpu.memory_space<hbm>> -> memref<8x128xf32, #tpu.memory_space<hbm>>
      %dma_start3A_690 = arith.constant 48 : i32
      %dma_start3A_691 = arith.constant 0 : i32
      %dma_start3A_692 = tpu.memref_slice %arg7[%dma_start3A_676, %dma_start3A_690, %dma_start3A_691] : memref<2x64x129xf32, #tpu.memory_space<vmem>> -> memref<1x8x128xf32, #tpu.memory_space<vmem>>
      %dma_start3A_693 = tpu.memref_squeeze %dma_start3A_692 : memref<1x8x128xf32, #tpu.memory_space<vmem>> -> memref<8x128xf32, #tpu.memory_space<vmem>>
      tpu.enqueue_dma source(%dma_start3A_693 : memref<8x128xf32, #tpu.memory_space<vmem>>) target(%dma_start3A_689 : memref<8x128xf32, #tpu.memory_space<hbm>>) target_semaphore(%arg10 : memref<!tpu.dma_semaphore, #tpu.memory_space<semaphore_mem>>)
      %dma_start3A_694 = arith.constant 1 : i32
      %dma_start3A_695 = arith.constant 7 : i32
      %dma_start3A_696 = arith.constant 56 : i32
      %dma_start3A_697 = arith.constant 0 : i32
      %dma_start3A_698 = tpu.memref_slice %arg7[%dma_start3A_694, %dma_start3A_696, %dma_start3A_697] : memref<2x64x129xf32, #tpu.memory_space<vmem>> -> memref<1x8x128xf32, #tpu.memory_space<vmem>>
      %dma_start3A_699 = tpu.memref_squeeze %dma_start3A_698 : memref<1x8x128xf32, #tpu.memory_space<vmem>> -> memref<8x128xf32, #tpu.memory_space<vmem>>
      %dma_start3A_700 = arith.constant 0 : i32
      %dma_start3A_701 = arith.constant 0 : i32
      %dma_start3A_702 = tpu.memref_slice %arg4[%add3A_533, %dma_start3A_695, %add3A, %dma_start3A_700, %dma_start3A_701] : memref<50x8x32x8x128xf32, #tpu.memory_space<hbm>> -> memref<1x1x1x8x128xf32, #tpu.memory_space<hbm>>
      %dma_start3A_703 = tpu.memref_squeeze %dma_start3A_702 : memref<1x1x1x8x128xf32, #tpu.memory_space<hbm>> -> memref<8x128xf32, #tpu.memory_space<hbm>>
      %dma_start3A_704 = arith.constant 0 : i32
      %dma_start3A_705 = arith.constant 0 : i32
      %dma_start3A_706 = tpu.memref_slice %arg4[%add3A_533, %dma_start3A_695, %add3A, %dma_start3A_704, %dma_start3A_705] : memref<50x8x32x8x128xf32, #tpu.memory_space<hbm>> -> memref<1x1x1x8x128xf32, #tpu.memory_space<hbm>>
      %dma_start3A_707 = tpu.memref_squeeze %dma_start3A_706 : memref<1x1x1x8x128xf32, #tpu.memory_space<hbm>> -> memref<8x128xf32, #tpu.memory_space<hbm>>
      %dma_start3A_708 = arith.constant 56 : i32
      %dma_start3A_709 = arith.constant 0 : i32
      %dma_start3A_710 = tpu.memref_slice %arg7[%dma_start3A_694, %dma_start3A_708, %dma_start3A_709] : memref<2x64x129xf32, #tpu.memory_space<vmem>> -> memref<1x8x128xf32, #tpu.memory_space<vmem>>
      %dma_start3A_711 = tpu.memref_squeeze %dma_start3A_710 : memref<1x8x128xf32, #tpu.memory_space<vmem>> -> memref<8x128xf32, #tpu.memory_space<vmem>>
      tpu.enqueue_dma source(%dma_start3A_711 : memref<8x128xf32, #tpu.memory_space<vmem>>) target(%dma_start3A_707 : memref<8x128xf32, #tpu.memory_space<hbm>>) target_semaphore(%arg10 : memref<!tpu.dma_semaphore, #tpu.memory_space<semaphore_mem>>)
      %scan3A_712 = arith.constant 0 : i32
      scf.yield %scan3A_712 : i32
    }
    %scan3A_30 = arith.constant 25 : i32
    %dma_wait3A = arith.constant 0 : i32
    %dma_wait3A_31 = arith.constant 0 : i32
    %dma_wait3A_32 = arith.constant 0 : i32
    %dma_wait3A_33 = arith.constant 0 : i32
    %dma_wait3A_34 = arith.constant 0 : i32
    %dma_wait3A_35 = arith.constant 0 : i32
    %dma_wait3A_36 = tpu.memref_slice %arg7[%dma_wait3A, %dma_wait3A_34, %dma_wait3A_35] : memref<2x64x129xf32, #tpu.memory_space<vmem>> -> memref<1x8x128xf32, #tpu.memory_space<vmem>>
    %dma_wait3A_37 = tpu.memref_squeeze %dma_wait3A_36 : memref<1x8x128xf32, #tpu.memory_space<vmem>> -> memref<8x128xf32, #tpu.memory_space<vmem>>
    %dma_wait3A_38 = arith.constant 0 : i32
    %dma_wait3A_39 = arith.constant 0 : i32
    %dma_wait3A_40 = tpu.memref_slice %arg4[%dma_wait3A_31, %dma_wait3A_32, %dma_wait3A_33, %dma_wait3A_38, %dma_wait3A_39] : memref<50x8x32x8x128xf32, #tpu.memory_space<hbm>> -> memref<1x1x1x8x128xf32, #tpu.memory_space<hbm>>
    %dma_wait3A_41 = tpu.memref_squeeze %dma_wait3A_40 : memref<1x1x1x8x128xf32, #tpu.memory_space<hbm>> -> memref<8x128xf32, #tpu.memory_space<hbm>>
    %dma_wait3A_42 = arith.constant 0 : i32
    %dma_wait3A_43 = arith.constant 0 : i32
    %dma_wait3A_44 = tpu.memref_slice %arg4[%dma_wait3A_31, %dma_wait3A_32, %dma_wait3A_33, %dma_wait3A_42, %dma_wait3A_43] : memref<50x8x32x8x128xf32, #tpu.memory_space<hbm>> -> memref<1x1x1x8x128xf32, #tpu.memory_space<hbm>>
    %dma_wait3A_45 = tpu.memref_squeeze %dma_wait3A_44 : memref<1x1x1x8x128xf32, #tpu.memory_space<hbm>> -> memref<8x128xf32, #tpu.memory_space<hbm>>
    %dma_wait3A_46 = arith.constant 0 : i32
    %dma_wait3A_47 = arith.constant 0 : i32
    %dma_wait3A_48 = tpu.memref_slice %arg7[%dma_wait3A, %dma_wait3A_46, %dma_wait3A_47] : memref<2x64x129xf32, #tpu.memory_space<vmem>> -> memref<1x8x128xf32, #tpu.memory_space<vmem>>
    %dma_wait3A_49 = tpu.memref_squeeze %dma_wait3A_48 : memref<1x8x128xf32, #tpu.memory_space<vmem>> -> memref<8x128xf32, #tpu.memory_space<vmem>>
    tpu.wait_dma2 semaphore(%arg10 : memref<!tpu.dma_semaphore, #tpu.memory_space<semaphore_mem>>) src(%dma_wait3A_49 : memref<8x128xf32, #tpu.memory_space<vmem>>) dst(%dma_wait3A_45 : memref<8x128xf32, #tpu.memory_space<hbm>>)
    %dma_wait3A_50 = arith.constant 0 : i32
    %dma_wait3A_51 = arith.constant 0 : i32
    %dma_wait3A_52 = arith.constant 0 : i32
    %dma_wait3A_53 = arith.constant 0 : i32
    %dma_wait3A_54 = arith.constant 0 : i32
    %dma_wait3A_55 = arith.constant 0 : i32
    %dma_wait3A_56 = tpu.memref_slice %arg7[%dma_wait3A_50, %dma_wait3A_54, %dma_wait3A_55] : memref<2x64x129xf32, #tpu.memory_space<vmem>> -> memref<1x8x128xf32, #tpu.memory_space<vmem>>
    %dma_wait3A_57 = tpu.memref_squeeze %dma_wait3A_56 : memref<1x8x128xf32, #tpu.memory_space<vmem>> -> memref<8x128xf32, #tpu.memory_space<vmem>>
    %dma_wait3A_58 = arith.constant 0 : i32
    %dma_wait3A_59 = arith.constant 0 : i32
    %dma_wait3A_60 = tpu.memref_slice %arg4[%dma_wait3A_51, %dma_wait3A_52, %dma_wait3A_53, %dma_wait3A_58, %dma_wait3A_59] : memref<50x8x32x8x128xf32, #tpu.memory_space<hbm>> -> memref<1x1x1x8x128xf32, #tpu.memory_space<hbm>>
    %dma_wait3A_61 = tpu.memref_squeeze %dma_wait3A_60 : memref<1x1x1x8x128xf32, #tpu.memory_space<hbm>> -> memref<8x128xf32, #tpu.memory_space<hbm>>
    %dma_wait3A_62 = arith.constant 0 : i32
    %dma_wait3A_63 = arith.constant 0 : i32
    %dma_wait3A_64 = tpu.memref_slice %arg4[%dma_wait3A_51, %dma_wait3A_52, %dma_wait3A_53, %dma_wait3A_62, %dma_wait3A_63] : memref<50x8x32x8x128xf32, #tpu.memory_space<hbm>> -> memref<1x1x1x8x128xf32, #tpu.memory_space<hbm>>
    %dma_wait3A_65 = tpu.memref_squeeze %dma_wait3A_64 : memref<1x1x1x8x128xf32, #tpu.memory_space<hbm>> -> memref<8x128xf32, #tpu.memory_space<hbm>>
    %dma_wait3A_66 = arith.constant 0 : i32
    %dma_wait3A_67 = arith.constant 0 : i32
    %dma_wait3A_68 = tpu.memref_slice %arg7[%dma_wait3A_50, %dma_wait3A_66, %dma_wait3A_67] : memref<2x64x129xf32, #tpu.memory_space<vmem>> -> memref<1x8x128xf32, #tpu.memory_space<vmem>>
    %dma_wait3A_69 = tpu.memref_squeeze %dma_wait3A_68 : memref<1x8x128xf32, #tpu.memory_space<vmem>> -> memref<8x128xf32, #tpu.memory_space<vmem>>
    tpu.wait_dma2 semaphore(%arg10 : memref<!tpu.dma_semaphore, #tpu.memory_space<semaphore_mem>>) src(%dma_wait3A_69 : memref<8x128xf32, #tpu.memory_space<vmem>>) dst(%dma_wait3A_65 : memref<8x128xf32, #tpu.memory_space<hbm>>)
    %dma_wait3A_70 = arith.constant 0 : i32
    %dma_wait3A_71 = arith.constant 0 : i32
    %dma_wait3A_72 = arith.constant 0 : i32
    %dma_wait3A_73 = arith.constant 0 : i32
    %dma_wait3A_74 = arith.constant 0 : i32
    %dma_wait3A_75 = arith.constant 0 : i32
    %dma_wait3A_76 = tpu.memref_slice %arg7[%dma_wait3A_70, %dma_wait3A_74, %dma_wait3A_75] : memref<2x64x129xf32, #tpu.memory_space<vmem>> -> memref<1x8x128xf32, #tpu.memory_space<vmem>>
    %dma_wait3A_77 = tpu.memref_squeeze %dma_wait3A_76 : memref<1x8x128xf32, #tpu.memory_space<vmem>> -> memref<8x128xf32, #tpu.memory_space<vmem>>
    %dma_wait3A_78 = arith.constant 0 : i32
    %dma_wait3A_79 = arith.constant 0 : i32
    %dma_wait3A_80 = tpu.memref_slice %arg4[%dma_wait3A_71, %dma_wait3A_72, %dma_wait3A_73, %dma_wait3A_78, %dma_wait3A_79] : memref<50x8x32x8x128xf32, #tpu.memory_space<hbm>> -> memref<1x1x1x8x128xf32, #tpu.memory_space<hbm>>
    %dma_wait3A_81 = tpu.memref_squeeze %dma_wait3A_80 : memref<1x1x1x8x128xf32, #tpu.memory_space<hbm>> -> memref<8x128xf32, #tpu.memory_space<hbm>>
    %dma_wait3A_82 = arith.constant 0 : i32
    %dma_wait3A_83 = arith.constant 0 : i32
    %dma_wait3A_84 = tpu.memref_slice %arg4[%dma_wait3A_71, %dma_wait3A_72, %dma_wait3A_73, %dma_wait3A_82, %dma_wait3A_83] : memref<50x8x32x8x128xf32, #tpu.memory_space<hbm>> -> memref<1x1x1x8x128xf32, #tpu.memory_space<hbm>>
    %dma_wait3A_85 = tpu.memref_squeeze %dma_wait3A_84 : memref<1x1x1x8x128xf32, #tpu.memory_space<hbm>> -> memref<8x128xf32, #tpu.memory_space<hbm>>
    %dma_wait3A_86 = arith.constant 0 : i32
    %dma_wait3A_87 = arith.constant 0 : i32
    %dma_wait3A_88 = tpu.memref_slice %arg7[%dma_wait3A_70, %dma_wait3A_86, %dma_wait3A_87] : memref<2x64x129xf32, #tpu.memory_space<vmem>> -> memref<1x8x128xf32, #tpu.memory_space<vmem>>
    %dma_wait3A_89 = tpu.memref_squeeze %dma_wait3A_88 : memref<1x8x128xf32, #tpu.memory_space<vmem>> -> memref<8x128xf32, #tpu.memory_space<vmem>>
    tpu.wait_dma2 semaphore(%arg10 : memref<!tpu.dma_semaphore, #tpu.memory_space<semaphore_mem>>) src(%dma_wait3A_89 : memref<8x128xf32, #tpu.memory_space<vmem>>) dst(%dma_wait3A_85 : memref<8x128xf32, #tpu.memory_space<hbm>>)
    %dma_wait3A_90 = arith.constant 0 : i32
    %dma_wait3A_91 = arith.constant 0 : i32
    %dma_wait3A_92 = arith.constant 0 : i32
    %dma_wait3A_93 = arith.constant 0 : i32
    %dma_wait3A_94 = arith.constant 0 : i32
    %dma_wait3A_95 = arith.constant 0 : i32
    %dma_wait3A_96 = tpu.memref_slice %arg7[%dma_wait3A_90, %dma_wait3A_94, %dma_wait3A_95] : memref<2x64x129xf32, #tpu.memory_space<vmem>> -> memref<1x8x128xf32, #tpu.memory_space<vmem>>
    %dma_wait3A_97 = tpu.memref_squeeze %dma_wait3A_96 : memref<1x8x128xf32, #tpu.memory_space<vmem>> -> memref<8x128xf32, #tpu.memory_space<vmem>>
    %dma_wait3A_98 = arith.constant 0 : i32
    %dma_wait3A_99 = arith.constant 0 : i32
    %dma_wait3A_100 = tpu.memref_slice %arg4[%dma_wait3A_91, %dma_wait3A_92, %dma_wait3A_93, %dma_wait3A_98, %dma_wait3A_99] : memref<50x8x32x8x128xf32, #tpu.memory_space<hbm>> -> memref<1x1x1x8x128xf32, #tpu.memory_space<hbm>>
    %dma_wait3A_101 = tpu.memref_squeeze %dma_wait3A_100 : memref<1x1x1x8x128xf32, #tpu.memory_space<hbm>> -> memref<8x128xf32, #tpu.memory_space<hbm>>
    %dma_wait3A_102 = arith.constant 0 : i32
    %dma_wait3A_103 = arith.constant 0 : i32
    %dma_wait3A_104 = tpu.memref_slice %arg4[%dma_wait3A_91, %dma_wait3A_92, %dma_wait3A_93, %dma_wait3A_102, %dma_wait3A_103] : memref<50x8x32x8x128xf32, #tpu.memory_space<hbm>> -> memref<1x1x1x8x128xf32, #tpu.memory_space<hbm>>
    %dma_wait3A_105 = tpu.memref_squeeze %dma_wait3A_104 : memref<1x1x1x8x128xf32, #tpu.memory_space<hbm>> -> memref<8x128xf32, #tpu.memory_space<hbm>>
    %dma_wait3A_106 = arith.constant 0 : i32
    %dma_wait3A_107 = arith.constant 0 : i32
    %dma_wait3A_108 = tpu.memref_slice %arg7[%dma_wait3A_90, %dma_wait3A_106, %dma_wait3A_107] : memref<2x64x129xf32, #tpu.memory_space<vmem>> -> memref<1x8x128xf32, #tpu.memory_space<vmem>>
    %dma_wait3A_109 = tpu.memref_squeeze %dma_wait3A_108 : memref<1x8x128xf32, #tpu.memory_space<vmem>> -> memref<8x128xf32, #tpu.memory_space<vmem>>
    tpu.wait_dma2 semaphore(%arg10 : memref<!tpu.dma_semaphore, #tpu.memory_space<semaphore_mem>>) src(%dma_wait3A_109 : memref<8x128xf32, #tpu.memory_space<vmem>>) dst(%dma_wait3A_105 : memref<8x128xf32, #tpu.memory_space<hbm>>)
    %dma_wait3A_110 = arith.constant 0 : i32
    %dma_wait3A_111 = arith.constant 0 : i32
    %dma_wait3A_112 = arith.constant 0 : i32
    %dma_wait3A_113 = arith.constant 0 : i32
    %dma_wait3A_114 = arith.constant 0 : i32
    %dma_wait3A_115 = arith.constant 0 : i32
    %dma_wait3A_116 = tpu.memref_slice %arg7[%dma_wait3A_110, %dma_wait3A_114, %dma_wait3A_115] : memref<2x64x129xf32, #tpu.memory_space<vmem>> -> memref<1x8x128xf32, #tpu.memory_space<vmem>>
    %dma_wait3A_117 = tpu.memref_squeeze %dma_wait3A_116 : memref<1x8x128xf32, #tpu.memory_space<vmem>> -> memref<8x128xf32, #tpu.memory_space<vmem>>
    %dma_wait3A_118 = arith.constant 0 : i32
    %dma_wait3A_119 = arith.constant 0 : i32
    %dma_wait3A_120 = tpu.memref_slice %arg4[%dma_wait3A_111, %dma_wait3A_112, %dma_wait3A_113, %dma_wait3A_118, %dma_wait3A_119] : memref<50x8x32x8x128xf32, #tpu.memory_space<hbm>> -> memref<1x1x1x8x128xf32, #tpu.memory_space<hbm>>
    %dma_wait3A_121 = tpu.memref_squeeze %dma_wait3A_120 : memref<1x1x1x8x128xf32, #tpu.memory_space<hbm>> -> memref<8x128xf32, #tpu.memory_space<hbm>>
    %dma_wait3A_122 = arith.constant 0 : i32
    %dma_wait3A_123 = arith.constant 0 : i32
    %dma_wait3A_124 = tpu.memref_slice %arg4[%dma_wait3A_111, %dma_wait3A_112, %dma_wait3A_113, %dma_wait3A_122, %dma_wait3A_123] : memref<50x8x32x8x128xf32, #tpu.memory_space<hbm>> -> memref<1x1x1x8x128xf32, #tpu.memory_space<hbm>>
    %dma_wait3A_125 = tpu.memref_squeeze %dma_wait3A_124 : memref<1x1x1x8x128xf32, #tpu.memory_space<hbm>> -> memref<8x128xf32, #tpu.memory_space<hbm>>
    %dma_wait3A_126 = arith.constant 0 : i32
    %dma_wait3A_127 = arith.constant 0 : i32
    %dma_wait3A_128 = tpu.memref_slice %arg7[%dma_wait3A_110, %dma_wait3A_126, %dma_wait3A_127] : memref<2x64x129xf32, #tpu.memory_space<vmem>> -> memref<1x8x128xf32, #tpu.memory_space<vmem>>
    %dma_wait3A_129 = tpu.memref_squeeze %dma_wait3A_128 : memref<1x8x128xf32, #tpu.memory_space<vmem>> -> memref<8x128xf32, #tpu.memory_space<vmem>>
    tpu.wait_dma2 semaphore(%arg10 : memref<!tpu.dma_semaphore, #tpu.memory_space<semaphore_mem>>) src(%dma_wait3A_129 : memref<8x128xf32, #tpu.memory_space<vmem>>) dst(%dma_wait3A_125 : memref<8x128xf32, #tpu.memory_space<hbm>>)
    %dma_wait3A_130 = arith.constant 0 : i32
    %dma_wait3A_131 = arith.constant 0 : i32
    %dma_wait3A_132 = arith.constant 0 : i32
    %dma_wait3A_133 = arith.constant 0 : i32
    %dma_wait3A_134 = arith.constant 0 : i32
    %dma_wait3A_135 = arith.constant 0 : i32
    %dma_wait3A_136 = tpu.memref_slice %arg7[%dma_wait3A_130, %dma_wait3A_134, %dma_wait3A_135] : memref<2x64x129xf32, #tpu.memory_space<vmem>> -> memref<1x8x128xf32, #tpu.memory_space<vmem>>
    %dma_wait3A_137 = tpu.memref_squeeze %dma_wait3A_136 : memref<1x8x128xf32, #tpu.memory_space<vmem>> -> memref<8x128xf32, #tpu.memory_space<vmem>>
    %dma_wait3A_138 = arith.constant 0 : i32
    %dma_wait3A_139 = arith.constant 0 : i32
    %dma_wait3A_140 = tpu.memref_slice %arg4[%dma_wait3A_131, %dma_wait3A_132, %dma_wait3A_133, %dma_wait3A_138, %dma_wait3A_139] : memref<50x8x32x8x128xf32, #tpu.memory_space<hbm>> -> memref<1x1x1x8x128xf32, #tpu.memory_space<hbm>>
    %dma_wait3A_141 = tpu.memref_squeeze %dma_wait3A_140 : memref<1x1x1x8x128xf32, #tpu.memory_space<hbm>> -> memref<8x128xf32, #tpu.memory_space<hbm>>
    %dma_wait3A_142 = arith.constant 0 : i32
    %dma_wait3A_143 = arith.constant 0 : i32
    %dma_wait3A_144 = tpu.memref_slice %arg4[%dma_wait3A_131, %dma_wait3A_132, %dma_wait3A_133, %dma_wait3A_142, %dma_wait3A_143] : memref<50x8x32x8x128xf32, #tpu.memory_space<hbm>> -> memref<1x1x1x8x128xf32, #tpu.memory_space<hbm>>
    %dma_wait3A_145 = tpu.memref_squeeze %dma_wait3A_144 : memref<1x1x1x8x128xf32, #tpu.memory_space<hbm>> -> memref<8x128xf32, #tpu.memory_space<hbm>>
    %dma_wait3A_146 = arith.constant 0 : i32
    %dma_wait3A_147 = arith.constant 0 : i32
    %dma_wait3A_148 = tpu.memref_slice %arg7[%dma_wait3A_130, %dma_wait3A_146, %dma_wait3A_147] : memref<2x64x129xf32, #tpu.memory_space<vmem>> -> memref<1x8x128xf32, #tpu.memory_space<vmem>>
    %dma_wait3A_149 = tpu.memref_squeeze %dma_wait3A_148 : memref<1x8x128xf32, #tpu.memory_space<vmem>> -> memref<8x128xf32, #tpu.memory_space<vmem>>
    tpu.wait_dma2 semaphore(%arg10 : memref<!tpu.dma_semaphore, #tpu.memory_space<semaphore_mem>>) src(%dma_wait3A_149 : memref<8x128xf32, #tpu.memory_space<vmem>>) dst(%dma_wait3A_145 : memref<8x128xf32, #tpu.memory_space<hbm>>)
    %dma_wait3A_150 = arith.constant 0 : i32
    %dma_wait3A_151 = arith.constant 0 : i32
    %dma_wait3A_152 = arith.constant 0 : i32
    %dma_wait3A_153 = arith.constant 0 : i32
    %dma_wait3A_154 = arith.constant 0 : i32
    %dma_wait3A_155 = arith.constant 0 : i32
    %dma_wait3A_156 = tpu.memref_slice %arg7[%dma_wait3A_150, %dma_wait3A_154, %dma_wait3A_155] : memref<2x64x129xf32, #tpu.memory_space<vmem>> -> memref<1x8x128xf32, #tpu.memory_space<vmem>>
    %dma_wait3A_157 = tpu.memref_squeeze %dma_wait3A_156 : memref<1x8x128xf32, #tpu.memory_space<vmem>> -> memref<8x128xf32, #tpu.memory_space<vmem>>
    %dma_wait3A_158 = arith.constant 0 : i32
    %dma_wait3A_159 = arith.constant 0 : i32
    %dma_wait3A_160 = tpu.memref_slice %arg4[%dma_wait3A_151, %dma_wait3A_152, %dma_wait3A_153, %dma_wait3A_158, %dma_wait3A_159] : memref<50x8x32x8x128xf32, #tpu.memory_space<hbm>> -> memref<1x1x1x8x128xf32, #tpu.memory_space<hbm>>
    %dma_wait3A_161 = tpu.memref_squeeze %dma_wait3A_160 : memref<1x1x1x8x128xf32, #tpu.memory_space<hbm>> -> memref<8x128xf32, #tpu.memory_space<hbm>>
    %dma_wait3A_162 = arith.constant 0 : i32
    %dma_wait3A_163 = arith.constant 0 : i32
    %dma_wait3A_164 = tpu.memref_slice %arg4[%dma_wait3A_151, %dma_wait3A_152, %dma_wait3A_153, %dma_wait3A_162, %dma_wait3A_163] : memref<50x8x32x8x128xf32, #tpu.memory_space<hbm>> -> memref<1x1x1x8x128xf32, #tpu.memory_space<hbm>>
    %dma_wait3A_165 = tpu.memref_squeeze %dma_wait3A_164 : memref<1x1x1x8x128xf32, #tpu.memory_space<hbm>> -> memref<8x128xf32, #tpu.memory_space<hbm>>
    %dma_wait3A_166 = arith.constant 0 : i32
    %dma_wait3A_167 = arith.constant 0 : i32
    %dma_wait3A_168 = tpu.memref_slice %arg7[%dma_wait3A_150, %dma_wait3A_166, %dma_wait3A_167] : memref<2x64x129xf32, #tpu.memory_space<vmem>> -> memref<1x8x128xf32, #tpu.memory_space<vmem>>
    %dma_wait3A_169 = tpu.memref_squeeze %dma_wait3A_168 : memref<1x8x128xf32, #tpu.memory_space<vmem>> -> memref<8x128xf32, #tpu.memory_space<vmem>>
    tpu.wait_dma2 semaphore(%arg10 : memref<!tpu.dma_semaphore, #tpu.memory_space<semaphore_mem>>) src(%dma_wait3A_169 : memref<8x128xf32, #tpu.memory_space<vmem>>) dst(%dma_wait3A_165 : memref<8x128xf32, #tpu.memory_space<hbm>>)
    %dma_wait3A_170 = arith.constant 0 : i32
    %dma_wait3A_171 = arith.constant 0 : i32
    %dma_wait3A_172 = arith.constant 0 : i32
    %dma_wait3A_173 = arith.constant 0 : i32
    %dma_wait3A_174 = arith.constant 0 : i32
    %dma_wait3A_175 = arith.constant 0 : i32
    %dma_wait3A_176 = tpu.memref_slice %arg7[%dma_wait3A_170, %dma_wait3A_174, %dma_wait3A_175] : memref<2x64x129xf32, #tpu.memory_space<vmem>> -> memref<1x8x128xf32, #tpu.memory_space<vmem>>
    %dma_wait3A_177 = tpu.memref_squeeze %dma_wait3A_176 : memref<1x8x128xf32, #tpu.memory_space<vmem>> -> memref<8x128xf32, #tpu.memory_space<vmem>>
    %dma_wait3A_178 = arith.constant 0 : i32
    %dma_wait3A_179 = arith.constant 0 : i32
    %dma_wait3A_180 = tpu.memref_slice %arg4[%dma_wait3A_171, %dma_wait3A_172, %dma_wait3A_173, %dma_wait3A_178, %dma_wait3A_179] : memref<50x8x32x8x128xf32, #tpu.memory_space<hbm>> -> memref<1x1x1x8x128xf32, #tpu.memory_space<hbm>>
    %dma_wait3A_181 = tpu.memref_squeeze %dma_wait3A_180 : memref<1x1x1x8x128xf32, #tpu.memory_space<hbm>> -> memref<8x128xf32, #tpu.memory_space<hbm>>
    %dma_wait3A_182 = arith.constant 0 : i32
    %dma_wait3A_183 = arith.constant 0 : i32
    %dma_wait3A_184 = tpu.memref_slice %arg4[%dma_wait3A_171, %dma_wait3A_172, %dma_wait3A_173, %dma_wait3A_182, %dma_wait3A_183] : memref<50x8x32x8x128xf32, #tpu.memory_space<hbm>> -> memref<1x1x1x8x128xf32, #tpu.memory_space<hbm>>
    %dma_wait3A_185 = tpu.memref_squeeze %dma_wait3A_184 : memref<1x1x1x8x128xf32, #tpu.memory_space<hbm>> -> memref<8x128xf32, #tpu.memory_space<hbm>>
    %dma_wait3A_186 = arith.constant 0 : i32
    %dma_wait3A_187 = arith.constant 0 : i32
    %dma_wait3A_188 = tpu.memref_slice %arg7[%dma_wait3A_170, %dma_wait3A_186, %dma_wait3A_187] : memref<2x64x129xf32, #tpu.memory_space<vmem>> -> memref<1x8x128xf32, #tpu.memory_space<vmem>>
    %dma_wait3A_189 = tpu.memref_squeeze %dma_wait3A_188 : memref<1x8x128xf32, #tpu.memory_space<vmem>> -> memref<8x128xf32, #tpu.memory_space<vmem>>
    tpu.wait_dma2 semaphore(%arg10 : memref<!tpu.dma_semaphore, #tpu.memory_space<semaphore_mem>>) src(%dma_wait3A_189 : memref<8x128xf32, #tpu.memory_space<vmem>>) dst(%dma_wait3A_185 : memref<8x128xf32, #tpu.memory_space<hbm>>)
    %dma_wait3A_190 = arith.constant 0 : i32
    %dma_wait3A_191 = arith.constant 0 : i32
    %dma_wait3A_192 = arith.constant 0 : i32
    %dma_wait3A_193 = arith.constant 0 : i32
    %dma_wait3A_194 = arith.constant 0 : i32
    %dma_wait3A_195 = arith.constant 0 : i32
    %dma_wait3A_196 = tpu.memref_slice %arg7[%dma_wait3A_190, %dma_wait3A_194, %dma_wait3A_195] : memref<2x64x129xf32, #tpu.memory_space<vmem>> -> memref<1x8x128xf32, #tpu.memory_space<vmem>>
    %dma_wait3A_197 = tpu.memref_squeeze %dma_wait3A_196 : memref<1x8x128xf32, #tpu.memory_space<vmem>> -> memref<8x128xf32, #tpu.memory_space<vmem>>
    %dma_wait3A_198 = arith.constant 0 : i32
    %dma_wait3A_199 = arith.constant 0 : i32
    %dma_wait3A_200 = tpu.memref_slice %arg4[%dma_wait3A_191, %dma_wait3A_192, %dma_wait3A_193, %dma_wait3A_198, %dma_wait3A_199] : memref<50x8x32x8x128xf32, #tpu.memory_space<hbm>> -> memref<1x1x1x8x128xf32, #tpu.memory_space<hbm>>
    %dma_wait3A_201 = tpu.memref_squeeze %dma_wait3A_200 : memref<1x1x1x8x128xf32, #tpu.memory_space<hbm>> -> memref<8x128xf32, #tpu.memory_space<hbm>>
    %dma_wait3A_202 = arith.constant 0 : i32
    %dma_wait3A_203 = arith.constant 0 : i32
    %dma_wait3A_204 = tpu.memref_slice %arg4[%dma_wait3A_191, %dma_wait3A_192, %dma_wait3A_193, %dma_wait3A_202, %dma_wait3A_203] : memref<50x8x32x8x128xf32, #tpu.memory_space<hbm>> -> memref<1x1x1x8x128xf32, #tpu.memory_space<hbm>>
    %dma_wait3A_205 = tpu.memref_squeeze %dma_wait3A_204 : memref<1x1x1x8x128xf32, #tpu.memory_space<hbm>> -> memref<8x128xf32, #tpu.memory_space<hbm>>
    %dma_wait3A_206 = arith.constant 0 : i32
    %dma_wait3A_207 = arith.constant 0 : i32
    %dma_wait3A_208 = tpu.memref_slice %arg7[%dma_wait3A_190, %dma_wait3A_206, %dma_wait3A_207] : memref<2x64x129xf32, #tpu.memory_space<vmem>> -> memref<1x8x128xf32, #tpu.memory_space<vmem>>
    %dma_wait3A_209 = tpu.memref_squeeze %dma_wait3A_208 : memref<1x8x128xf32, #tpu.memory_space<vmem>> -> memref<8x128xf32, #tpu.memory_space<vmem>>
    tpu.wait_dma2 semaphore(%arg10 : memref<!tpu.dma_semaphore, #tpu.memory_space<semaphore_mem>>) src(%dma_wait3A_209 : memref<8x128xf32, #tpu.memory_space<vmem>>) dst(%dma_wait3A_205 : memref<8x128xf32, #tpu.memory_space<hbm>>)
    %dma_wait3A_210 = arith.constant 0 : i32
    %dma_wait3A_211 = arith.constant 0 : i32
    %dma_wait3A_212 = arith.constant 0 : i32
    %dma_wait3A_213 = arith.constant 0 : i32
    %dma_wait3A_214 = arith.constant 0 : i32
    %dma_wait3A_215 = arith.constant 0 : i32
    %dma_wait3A_216 = tpu.memref_slice %arg7[%dma_wait3A_210, %dma_wait3A_214, %dma_wait3A_215] : memref<2x64x129xf32, #tpu.memory_space<vmem>> -> memref<1x8x128xf32, #tpu.memory_space<vmem>>
    %dma_wait3A_217 = tpu.memref_squeeze %dma_wait3A_216 : memref<1x8x128xf32, #tpu.memory_space<vmem>> -> memref<8x128xf32, #tpu.memory_space<vmem>>
    %dma_wait3A_218 = arith.constant 0 : i32
    %dma_wait3A_219 = arith.constant 0 : i32
    %dma_wait3A_220 = tpu.memref_slice %arg4[%dma_wait3A_211, %dma_wait3A_212, %dma_wait3A_213, %dma_wait3A_218, %dma_wait3A_219] : memref<50x8x32x8x128xf32, #tpu.memory_space<hbm>> -> memref<1x1x1x8x128xf32, #tpu.memory_space<hbm>>
    %dma_wait3A_221 = tpu.memref_squeeze %dma_wait3A_220 : memref<1x1x1x8x128xf32, #tpu.memory_space<hbm>> -> memref<8x128xf32, #tpu.memory_space<hbm>>
    %dma_wait3A_222 = arith.constant 0 : i32
    %dma_wait3A_223 = arith.constant 0 : i32
    %dma_wait3A_224 = tpu.memref_slice %arg4[%dma_wait3A_211, %dma_wait3A_212, %dma_wait3A_213, %dma_wait3A_222, %dma_wait3A_223] : memref<50x8x32x8x128xf32, #tpu.memory_space<hbm>> -> memref<1x1x1x8x128xf32, #tpu.memory_space<hbm>>
    %dma_wait3A_225 = tpu.memref_squeeze %dma_wait3A_224 : memref<1x1x1x8x128xf32, #tpu.memory_space<hbm>> -> memref<8x128xf32, #tpu.memory_space<hbm>>
    %dma_wait3A_226 = arith.constant 0 : i32
    %dma_wait3A_227 = arith.constant 0 : i32
    %dma_wait3A_228 = tpu.memref_slice %arg7[%dma_wait3A_210, %dma_wait3A_226, %dma_wait3A_227] : memref<2x64x129xf32, #tpu.memory_space<vmem>> -> memref<1x8x128xf32, #tpu.memory_space<vmem>>
    %dma_wait3A_229 = tpu.memref_squeeze %dma_wait3A_228 : memref<1x8x128xf32, #tpu.memory_space<vmem>> -> memref<8x128xf32, #tpu.memory_space<vmem>>
    tpu.wait_dma2 semaphore(%arg10 : memref<!tpu.dma_semaphore, #tpu.memory_space<semaphore_mem>>) src(%dma_wait3A_229 : memref<8x128xf32, #tpu.memory_space<vmem>>) dst(%dma_wait3A_225 : memref<8x128xf32, #tpu.memory_space<hbm>>)
    %dma_wait3A_230 = arith.constant 0 : i32
    %dma_wait3A_231 = arith.constant 0 : i32
    %dma_wait3A_232 = arith.constant 0 : i32
    %dma_wait3A_233 = arith.constant 0 : i32
    %dma_wait3A_234 = arith.constant 0 : i32
    %dma_wait3A_235 = arith.constant 0 : i32
    %dma_wait3A_236 = tpu.memref_slice %arg7[%dma_wait3A_230, %dma_wait3A_234, %dma_wait3A_235] : memref<2x64x129xf32, #tpu.memory_space<vmem>> -> memref<1x8x128xf32, #tpu.memory_space<vmem>>
    %dma_wait3A_237 = tpu.memref_squeeze %dma_wait3A_236 : memref<1x8x128xf32, #tpu.memory_space<vmem>> -> memref<8x128xf32, #tpu.memory_space<vmem>>
    %dma_wait3A_238 = arith.constant 0 : i32
    %dma_wait3A_239 = arith.constant 0 : i32
    %dma_wait3A_240 = tpu.memref_slice %arg4[%dma_wait3A_231, %dma_wait3A_232, %dma_wait3A_233, %dma_wait3A_238, %dma_wait3A_239] : memref<50x8x32x8x128xf32, #tpu.memory_space<hbm>> -> memref<1x1x1x8x128xf32, #tpu.memory_space<hbm>>
    %dma_wait3A_241 = tpu.memref_squeeze %dma_wait3A_240 : memref<1x1x1x8x128xf32, #tpu.memory_space<hbm>> -> memref<8x128xf32, #tpu.memory_space<hbm>>
    %dma_wait3A_242 = arith.constant 0 : i32
    %dma_wait3A_243 = arith.constant 0 : i32
    %dma_wait3A_244 = tpu.memref_slice %arg4[%dma_wait3A_231, %dma_wait3A_232, %dma_wait3A_233, %dma_wait3A_242, %dma_wait3A_243] : memref<50x8x32x8x128xf32, #tpu.memory_space<hbm>> -> memref<1x1x1x8x128xf32, #tpu.memory_space<hbm>>
    %dma_wait3A_245 = tpu.memref_squeeze %dma_wait3A_244 : memref<1x1x1x8x128xf32, #tpu.memory_space<hbm>> -> memref<8x128xf32, #tpu.memory_space<hbm>>
    %dma_wait3A_246 = arith.constant 0 : i32
    %dma_wait3A_247 = arith.constant 0 : i32
    %dma_wait3A_248 = tpu.memref_slice %arg7[%dma_wait3A_230, %dma_wait3A_246, %dma_wait3A_247] : memref<2x64x129xf32, #tpu.memory_space<vmem>> -> memref<1x8x128xf32, #tpu.memory_space<vmem>>
    %dma_wait3A_249 = tpu.memref_squeeze %dma_wait3A_248 : memref<1x8x128xf32, #tpu.memory_space<vmem>> -> memref<8x128xf32, #tpu.memory_space<vmem>>
    tpu.wait_dma2 semaphore(%arg10 : memref<!tpu.dma_semaphore, #tpu.memory_space<semaphore_mem>>) src(%dma_wait3A_249 : memref<8x128xf32, #tpu.memory_space<vmem>>) dst(%dma_wait3A_245 : memref<8x128xf32, #tpu.memory_space<hbm>>)
    %dma_wait3A_250 = arith.constant 0 : i32
    %dma_wait3A_251 = arith.constant 0 : i32
    %dma_wait3A_252 = arith.constant 0 : i32
    %dma_wait3A_253 = arith.constant 0 : i32
    %dma_wait3A_254 = arith.constant 0 : i32
    %dma_wait3A_255 = arith.constant 0 : i32
    %dma_wait3A_256 = tpu.memref_slice %arg7[%dma_wait3A_250, %dma_wait3A_254, %dma_wait3A_255] : memref<2x64x129xf32, #tpu.memory_space<vmem>> -> memref<1x8x128xf32, #tpu.memory_space<vmem>>
    %dma_wait3A_257 = tpu.memref_squeeze %dma_wait3A_256 : memref<1x8x128xf32, #tpu.memory_space<vmem>> -> memref<8x128xf32, #tpu.memory_space<vmem>>
    %dma_wait3A_258 = arith.constant 0 : i32
    %dma_wait3A_259 = arith.constant 0 : i32
    %dma_wait3A_260 = tpu.memref_slice %arg4[%dma_wait3A_251, %dma_wait3A_252, %dma_wait3A_253, %dma_wait3A_258, %dma_wait3A_259] : memref<50x8x32x8x128xf32, #tpu.memory_space<hbm>> -> memref<1x1x1x8x128xf32, #tpu.memory_space<hbm>>
    %dma_wait3A_261 = tpu.memref_squeeze %dma_wait3A_260 : memref<1x1x1x8x128xf32, #tpu.memory_space<hbm>> -> memref<8x128xf32, #tpu.memory_space<hbm>>
    %dma_wait3A_262 = arith.constant 0 : i32
    %dma_wait3A_263 = arith.constant 0 : i32
    %dma_wait3A_264 = tpu.memref_slice %arg4[%dma_wait3A_251, %dma_wait3A_252, %dma_wait3A_253, %dma_wait3A_262, %dma_wait3A_263] : memref<50x8x32x8x128xf32, #tpu.memory_space<hbm>> -> memref<1x1x1x8x128xf32, #tpu.memory_space<hbm>>
    %dma_wait3A_265 = tpu.memref_squeeze %dma_wait3A_264 : memref<1x1x1x8x128xf32, #tpu.memory_space<hbm>> -> memref<8x128xf32, #tpu.memory_space<hbm>>
    %dma_wait3A_266 = arith.constant 0 : i32
    %dma_wait3A_267 = arith.constant 0 : i32
    %dma_wait3A_268 = tpu.memref_slice %arg7[%dma_wait3A_250, %dma_wait3A_266, %dma_wait3A_267] : memref<2x64x129xf32, #tpu.memory_space<vmem>> -> memref<1x8x128xf32, #tpu.memory_space<vmem>>
    %dma_wait3A_269 = tpu.memref_squeeze %dma_wait3A_268 : memref<1x8x128xf32, #tpu.memory_space<vmem>> -> memref<8x128xf32, #tpu.memory_space<vmem>>
    tpu.wait_dma2 semaphore(%arg10 : memref<!tpu.dma_semaphore, #tpu.memory_space<semaphore_mem>>) src(%dma_wait3A_269 : memref<8x128xf32, #tpu.memory_space<vmem>>) dst(%dma_wait3A_265 : memref<8x128xf32, #tpu.memory_space<hbm>>)
    %dma_wait3A_270 = arith.constant 0 : i32
    %dma_wait3A_271 = arith.constant 0 : i32
    %dma_wait3A_272 = arith.constant 0 : i32
    %dma_wait3A_273 = arith.constant 0 : i32
    %dma_wait3A_274 = arith.constant 0 : i32
    %dma_wait3A_275 = arith.constant 0 : i32
    %dma_wait3A_276 = tpu.memref_slice %arg7[%dma_wait3A_270, %dma_wait3A_274, %dma_wait3A_275] : memref<2x64x129xf32, #tpu.memory_space<vmem>> -> memref<1x8x128xf32, #tpu.memory_space<vmem>>
    %dma_wait3A_277 = tpu.memref_squeeze %dma_wait3A_276 : memref<1x8x128xf32, #tpu.memory_space<vmem>> -> memref<8x128xf32, #tpu.memory_space<vmem>>
    %dma_wait3A_278 = arith.constant 0 : i32
    %dma_wait3A_279 = arith.constant 0 : i32
    %dma_wait3A_280 = tpu.memref_slice %arg4[%dma_wait3A_271, %dma_wait3A_272, %dma_wait3A_273, %dma_wait3A_278, %dma_wait3A_279] : memref<50x8x32x8x128xf32, #tpu.memory_space<hbm>> -> memref<1x1x1x8x128xf32, #tpu.memory_space<hbm>>
    %dma_wait3A_281 = tpu.memref_squeeze %dma_wait3A_280 : memref<1x1x1x8x128xf32, #tpu.memory_space<hbm>> -> memref<8x128xf32, #tpu.memory_space<hbm>>
    %dma_wait3A_282 = arith.constant 0 : i32
    %dma_wait3A_283 = arith.constant 0 : i32
    %dma_wait3A_284 = tpu.memref_slice %arg4[%dma_wait3A_271, %dma_wait3A_272, %dma_wait3A_273, %dma_wait3A_282, %dma_wait3A_283] : memref<50x8x32x8x128xf32, #tpu.memory_space<hbm>> -> memref<1x1x1x8x128xf32, #tpu.memory_space<hbm>>
    %dma_wait3A_285 = tpu.memref_squeeze %dma_wait3A_284 : memref<1x1x1x8x128xf32, #tpu.memory_space<hbm>> -> memref<8x128xf32, #tpu.memory_space<hbm>>
    %dma_wait3A_286 = arith.constant 0 : i32
    %dma_wait3A_287 = arith.constant 0 : i32
    %dma_wait3A_288 = tpu.memref_slice %arg7[%dma_wait3A_270, %dma_wait3A_286, %dma_wait3A_287] : memref<2x64x129xf32, #tpu.memory_space<vmem>> -> memref<1x8x128xf32, #tpu.memory_space<vmem>>
    %dma_wait3A_289 = tpu.memref_squeeze %dma_wait3A_288 : memref<1x8x128xf32, #tpu.memory_space<vmem>> -> memref<8x128xf32, #tpu.memory_space<vmem>>
    tpu.wait_dma2 semaphore(%arg10 : memref<!tpu.dma_semaphore, #tpu.memory_space<semaphore_mem>>) src(%dma_wait3A_289 : memref<8x128xf32, #tpu.memory_space<vmem>>) dst(%dma_wait3A_285 : memref<8x128xf32, #tpu.memory_space<hbm>>)
    %dma_wait3A_290 = arith.constant 0 : i32
    %dma_wait3A_291 = arith.constant 0 : i32
    %dma_wait3A_292 = arith.constant 0 : i32
    %dma_wait3A_293 = arith.constant 0 : i32
    %dma_wait3A_294 = arith.constant 0 : i32
    %dma_wait3A_295 = arith.constant 0 : i32
    %dma_wait3A_296 = tpu.memref_slice %arg7[%dma_wait3A_290, %dma_wait3A_294, %dma_wait3A_295] : memref<2x64x129xf32, #tpu.memory_space<vmem>> -> memref<1x8x128xf32, #tpu.memory_space<vmem>>
    %dma_wait3A_297 = tpu.memref_squeeze %dma_wait3A_296 : memref<1x8x128xf32, #tpu.memory_space<vmem>> -> memref<8x128xf32, #tpu.memory_space<vmem>>
    %dma_wait3A_298 = arith.constant 0 : i32
    %dma_wait3A_299 = arith.constant 0 : i32
    %dma_wait3A_300 = tpu.memref_slice %arg4[%dma_wait3A_291, %dma_wait3A_292, %dma_wait3A_293, %dma_wait3A_298, %dma_wait3A_299] : memref<50x8x32x8x128xf32, #tpu.memory_space<hbm>> -> memref<1x1x1x8x128xf32, #tpu.memory_space<hbm>>
    %dma_wait3A_301 = tpu.memref_squeeze %dma_wait3A_300 : memref<1x1x1x8x128xf32, #tpu.memory_space<hbm>> -> memref<8x128xf32, #tpu.memory_space<hbm>>
    %dma_wait3A_302 = arith.constant 0 : i32
    %dma_wait3A_303 = arith.constant 0 : i32
    %dma_wait3A_304 = tpu.memref_slice %arg4[%dma_wait3A_291, %dma_wait3A_292, %dma_wait3A_293, %dma_wait3A_302, %dma_wait3A_303] : memref<50x8x32x8x128xf32, #tpu.memory_space<hbm>> -> memref<1x1x1x8x128xf32, #tpu.memory_space<hbm>>
    %dma_wait3A_305 = tpu.memref_squeeze %dma_wait3A_304 : memref<1x1x1x8x128xf32, #tpu.memory_space<hbm>> -> memref<8x128xf32, #tpu.memory_space<hbm>>
    %dma_wait3A_306 = arith.constant 0 : i32
    %dma_wait3A_307 = arith.constant 0 : i32
    %dma_wait3A_308 = tpu.memref_slice %arg7[%dma_wait3A_290, %dma_wait3A_306, %dma_wait3A_307] : memref<2x64x129xf32, #tpu.memory_space<vmem>> -> memref<1x8x128xf32, #tpu.memory_space<vmem>>
    %dma_wait3A_309 = tpu.memref_squeeze %dma_wait3A_308 : memref<1x8x128xf32, #tpu.memory_space<vmem>> -> memref<8x128xf32, #tpu.memory_space<vmem>>
    tpu.wait_dma2 semaphore(%arg10 : memref<!tpu.dma_semaphore, #tpu.memory_space<semaphore_mem>>) src(%dma_wait3A_309 : memref<8x128xf32, #tpu.memory_space<vmem>>) dst(%dma_wait3A_305 : memref<8x128xf32, #tpu.memory_space<hbm>>)
    %dma_wait3A_310 = arith.constant 0 : i32
    %dma_wait3A_311 = arith.constant 0 : i32
    %dma_wait3A_312 = arith.constant 0 : i32
    %dma_wait3A_313 = arith.constant 0 : i32
    %dma_wait3A_314 = arith.constant 0 : i32
    %dma_wait3A_315 = arith.constant 0 : i32
    %dma_wait3A_316 = tpu.memref_slice %arg7[%dma_wait3A_310, %dma_wait3A_314, %dma_wait3A_315] : memref<2x64x129xf32, #tpu.memory_space<vmem>> -> memref<1x8x128xf32, #tpu.memory_space<vmem>>
    %dma_wait3A_317 = tpu.memref_squeeze %dma_wait3A_316 : memref<1x8x128xf32, #tpu.memory_space<vmem>> -> memref<8x128xf32, #tpu.memory_space<vmem>>
    %dma_wait3A_318 = arith.constant 0 : i32
    %dma_wait3A_319 = arith.constant 0 : i32
    %dma_wait3A_320 = tpu.memref_slice %arg4[%dma_wait3A_311, %dma_wait3A_312, %dma_wait3A_313, %dma_wait3A_318, %dma_wait3A_319] : memref<50x8x32x8x128xf32, #tpu.memory_space<hbm>> -> memref<1x1x1x8x128xf32, #tpu.memory_space<hbm>>
    %dma_wait3A_321 = tpu.memref_squeeze %dma_wait3A_320 : memref<1x1x1x8x128xf32, #tpu.memory_space<hbm>> -> memref<8x128xf32, #tpu.memory_space<hbm>>
    %dma_wait3A_322 = arith.constant 0 : i32
    %dma_wait3A_323 = arith.constant 0 : i32
    %dma_wait3A_324 = tpu.memref_slice %arg4[%dma_wait3A_311, %dma_wait3A_312, %dma_wait3A_313, %dma_wait3A_322, %dma_wait3A_323] : memref<50x8x32x8x128xf32, #tpu.memory_space<hbm>> -> memref<1x1x1x8x128xf32, #tpu.memory_space<hbm>>
    %dma_wait3A_325 = tpu.memref_squeeze %dma_wait3A_324 : memref<1x1x1x8x128xf32, #tpu.memory_space<hbm>> -> memref<8x128xf32, #tpu.memory_space<hbm>>
    %dma_wait3A_326 = arith.constant 0 : i32
    %dma_wait3A_327 = arith.constant 0 : i32
    %dma_wait3A_328 = tpu.memref_slice %arg7[%dma_wait3A_310, %dma_wait3A_326, %dma_wait3A_327] : memref<2x64x129xf32, #tpu.memory_space<vmem>> -> memref<1x8x128xf32, #tpu.memory_space<vmem>>
    %dma_wait3A_329 = tpu.memref_squeeze %dma_wait3A_328 : memref<1x8x128xf32, #tpu.memory_space<vmem>> -> memref<8x128xf32, #tpu.memory_space<vmem>>
    tpu.wait_dma2 semaphore(%arg10 : memref<!tpu.dma_semaphore, #tpu.memory_space<semaphore_mem>>) src(%dma_wait3A_329 : memref<8x128xf32, #tpu.memory_space<vmem>>) dst(%dma_wait3A_325 : memref<8x128xf32, #tpu.memory_space<hbm>>)
    %dma_wait3A_330 = arith.constant 0 : i32
    %dma_wait3A_331 = arith.constant 0 : i32
    %dma_wait3A_332 = arith.constant 0 : i32
    %dma_wait3A_333 = arith.constant 0 : i32
    %dma_wait3A_334 = arith.constant 0 : i32
    %dma_wait3A_335 = arith.constant 0 : i32
    %dma_wait3A_336 = tpu.memref_slice %arg7[%dma_wait3A_330, %dma_wait3A_334, %dma_wait3A_335] : memref<2x64x129xf32, #tpu.memory_space<vmem>> -> memref<1x8x128xf32, #tpu.memory_space<vmem>>
    %dma_wait3A_337 = tpu.memref_squeeze %dma_wait3A_336 : memref<1x8x128xf32, #tpu.memory_space<vmem>> -> memref<8x128xf32, #tpu.memory_space<vmem>>
    %dma_wait3A_338 = arith.constant 0 : i32
    %dma_wait3A_339 = arith.constant 0 : i32
    %dma_wait3A_340 = tpu.memref_slice %arg4[%dma_wait3A_331, %dma_wait3A_332, %dma_wait3A_333, %dma_wait3A_338, %dma_wait3A_339] : memref<50x8x32x8x128xf32, #tpu.memory_space<hbm>> -> memref<1x1x1x8x128xf32, #tpu.memory_space<hbm>>
    %dma_wait3A_341 = tpu.memref_squeeze %dma_wait3A_340 : memref<1x1x1x8x128xf32, #tpu.memory_space<hbm>> -> memref<8x128xf32, #tpu.memory_space<hbm>>
    %dma_wait3A_342 = arith.constant 0 : i32
    %dma_wait3A_343 = arith.constant 0 : i32
    %dma_wait3A_344 = tpu.memref_slice %arg4[%dma_wait3A_331, %dma_wait3A_332, %dma_wait3A_333, %dma_wait3A_342, %dma_wait3A_343] : memref<50x8x32x8x128xf32, #tpu.memory_space<hbm>> -> memref<1x1x1x8x128xf32, #tpu.memory_space<hbm>>
    %dma_wait3A_345 = tpu.memref_squeeze %dma_wait3A_344 : memref<1x1x1x8x128xf32, #tpu.memory_space<hbm>> -> memref<8x128xf32, #tpu.memory_space<hbm>>
    %dma_wait3A_346 = arith.constant 0 : i32
    %dma_wait3A_347 = arith.constant 0 : i32
    %dma_wait3A_348 = tpu.memref_slice %arg7[%dma_wait3A_330, %dma_wait3A_346, %dma_wait3A_347] : memref<2x64x129xf32, #tpu.memory_space<vmem>> -> memref<1x8x128xf32, #tpu.memory_space<vmem>>
    %dma_wait3A_349 = tpu.memref_squeeze %dma_wait3A_348 : memref<1x8x128xf32, #tpu.memory_space<vmem>> -> memref<8x128xf32, #tpu.memory_space<vmem>>
    tpu.wait_dma2 semaphore(%arg10 : memref<!tpu.dma_semaphore, #tpu.memory_space<semaphore_mem>>) src(%dma_wait3A_349 : memref<8x128xf32, #tpu.memory_space<vmem>>) dst(%dma_wait3A_345 : memref<8x128xf32, #tpu.memory_space<hbm>>)
    return
  }
}

</mosaic_0001>

<sc_bundles>
// kernel: kernel.3.cloned.1.call-start
scs
__scs_entry_jumppad:
0x0: {  	(pc) =	sbr.rel $0x88, $3  }
0x1: {  	(tag) =	ssettag $0x0;
	lr =	simm.s32 $0x1  }
0x2: {  	[smem:$0x3F9F] =	sst lr;
	_ =	strace $0xD0000000  }
0x3: {  	_ = 	snop  }
0x4: {  	_ = 	snop  }
0x5: {  	_ = 	snop  }
0x6: {  	_ = 	snop  }
0x7: {  	_ = 	snop  }
__scs_overlays_trampoline_lowered:
0x8: {  	[smem:$0x3FAE] =	sst s0  }
0x9: {  	[smem:$0x3FAF] =	sst s1  }
0xa: {  	[smem:$0x3FB0] =	sst s2  }
0xb: {  	[smem:$0x3FB1] =	sst s3  }
0xc: {  	[smem:$0x3FB2] =	sst s4  }
0xd: {  	[smem:$0x3FB3] =	sst s5  }
0xe: {  	[smem:$0x3FB4] =	sst s6  }
0xf: {  	[smem:$0x3FB5] =	sst s7  }
0x10: {  	[smem:$0x3FB6] =	sst s8  }
0x11: {  	[smem:$0x3FB7] =	sst s9;
	s0 =	simm.s32 @!p0 $0x0  }
0x12: {  	s1 =	sld [smem:$0x3F9D];
	s0 =	simm.s32 @p0 $0x1  }
0x13: {  	[smem:$0x3FB8] =	sst s0;
	s0 =	simm.s32 @!p1 $0x0  }
0x14: {  	s2 =	sld [smem:$0x3F9C];
	s0 =	simm.s32 @p1 $0x1  }
0x15: {  	[smem:$0x3FB9] =	sst s0;
	s0 =	simm.s32 @!p2 $0x0  }
0x16: {  	s3 =	sld [smem:$0x3FDB];
	s0 =	simm.s32 @p2 $0x1  }
0x17: {  	s4 =	simm.s32 $0x1BF5;
	[smem:$0x3FBB] =	sst s0  }
0x18: {  	s0 =	sld [smem:$0x3F9E];
	_ =	swait.ge [sflag:s4], $0x0  }
0x19: {  	s7 =	sld [smem:$0x3F9F]  }
0x1a: {  	s8 =	sadd.s32 $0xFFFFE003, lr  }
0x1b: {  	s9 =	sadd.s32 $0xFFFFFEF7, lr;
	s5 =	simm.s32 $0xFFFFFFFF;
	p2 =	slt.u32 s8, $0xFFFFF086  }
0x1c: {  	p1 =	slt.u32 s9, $0xF7A;
	s5 =	simm.s32 @!p2 $0x0  }
0x1d: {  	s5 =	simm.s32 @p1 $0x1;
	p0 =	seq.s32 s7, s2  }
0x1e: {  	s7 =	smul.u32 @!p0 $0xF7A, s2;
	p2 =	seq.s32 @!p0 s5, $0x0  }
0x1f: {  	s9 =	smul.u32 $0xF7A, s1;
	s8 =	simm.s32 @!p0 $0x1BF5;
	p2 =	por !p2, p0  }
0x20: {  	[sflag:s8] =	ssyncset.s32 @!p0 $0xFFFFF086;
	s6 =	sadd.s32 @!p0 s3, s7;
	s7 =	simm.s32 @!p0 $0x108  }
0x21: {  	s3 =	sadd.s32 s3, s9;
	s6 =	sadd.s32 @!p0 $0x88, s6;
	s7 =	simm.s32 @p2 $0x1082  }
0x22: {  	[simem:s7], [sflag:s8] =	dma.local @!p0 [hbm:s6], $0xF7A  }
0x23: {  	s9 =	sor.u32 $0xD0000000, s2;
	s6 =	simm.s32 $0x108;
	_ =	swait.ge @!p0 [sflag:s8], $0x0  }
0x24: {  	s3 =	sadd.s32 $0x88, s3;
	s6 =	simm.s32 @!p1 $0x1082;
	[sflag:s4] =	ssyncset.s32 $0xFFFFF086  }
0x25: {  	[simem:s6], [sflag:s4] =	dma.local [hbm:s3], $0xF7A  }
0x26: {  	[smem:$0x3F9F] =	sst s1;
	(tag) =	ssettag s2;
	_ =	strace s9  }
0x27: {  	s1 =	sld [smem:$0x3FAF]  }
0x28: {  	s2 =	sld [smem:$0x3FB0]  }
0x29: {  	s4 =	sld [smem:$0x3FB2]  }
0x2a: {  	p0 =	seq.s32 s5, $0x0;
	s5 =	sld [smem:$0x3FB3]  }
0x2b: {  	s6 =	sld [smem:$0x3FB4]  }
0x2c: {  	s7 =	sld [smem:$0x3FB5]  }
0x2d: {  	s3 =	simm.s32 $0x108;
	s8 =	sld [smem:$0x3FB6]  }
0x2e: {  	s3 =	simm.s32 @!p0 $0x1082;
	s9 =	sld [smem:$0x3FB7]  }
0x2f: {  	lr =	sadd.s32 s0, s3;
	s0 =	sld [smem:$0x3FAE]  }
0x30: {  	s3 =	sld [smem:$0x3FB1]  }
0x31: {  	[smem:$0x3FBA] =	sst s10  }
0x32: {  	s10 =	sld [smem:$0x3FB8];
	_ =	sdelay $0x3  }
0x33: {  	p0 =	seq.s32 s10, $0x1;
	s10 =	sld [smem:$0x3FBA];
	_ =	sdelay $0x3  }
0x34: {  	[smem:$0x3FBA] =	sst s10  }
0x35: {  	s10 =	sld [smem:$0x3FB9];
	_ =	sdelay $0x3  }
0x36: {  	p1 =	seq.s32 s10, $0x1;
	s10 =	sld [smem:$0x3FBA];
	_ =	sdelay $0x3  }
0x37: {  	[smem:$0x3FBA] =	sst s10  }
0x38: {  	s10 =	sld [smem:$0x3FBB]  }
0x39: {  	_ = 	snop;
	(pc) =	sbr.ind lr, $3  }
0x3a: {  	_ = 	snop  }
0x3b: {  	_ = 	snop  }
0x3c: {  	p2 =	seq.s32 s10, $0x1;
	s10 =	sld [smem:$0x3FBA]  }
0x3d: {  	_ =	shalt  }
0x3e: {  	_ =	shalt  }
0x3f: {  	_ =	shalt  }
0x40: {  	_ =	shalt  }
0x41: {  	_ =	shalt  }
0x42: {  	_ =	shalt  }
0x43: {  	_ =	shalt  }
0x44: {  	_ =	shalt  }
0x45: {  	_ =	shalt  }
0x46: {  	_ =	shalt  }
0x47: {  	_ =	shalt  }
0x48: {  	_ =	shalt  }
0x49: {  	_ =	shalt  }
0x4a: {  	_ =	shalt  }
0x4b: {  	_ =	shalt  }
0x4c: {  	_ =	shalt  }
0x4d: {  	_ =	shalt  }
0x4e: {  	_ =	shalt  }
0x4f: {  	_ =	shalt  }
0x50: {  	_ =	shalt  }
0x51: {  	_ =	shalt  }
0x52: {  	_ =	shalt  }
0x53: {  	_ =	shalt  }
0x54: {  	_ =	shalt  }
0x55: {  	_ =	shalt  }
0x56: {  	_ =	shalt  }
0x57: {  	_ =	shalt  }
0x58: {  	_ =	shalt  }
0x59: {  	_ =	shalt  }
0x5a: {  	_ =	shalt  }
0x5b: {  	_ =	shalt  }
0x5c: {  	_ =	shalt  }
0x5d: {  	_ =	shalt  }
0x5e: {  	_ =	shalt  }
0x5f: {  	_ =	shalt  }
0x60: {  	_ =	shalt  }
0x61: {  	_ =	shalt  }
0x62: {  	_ =	shalt  }
0x63: {  	_ =	shalt  }
0x64: {  	_ =	shalt  }
0x65: {  	_ =	shalt  }
0x66: {  	_ =	shalt  }
0x67: {  	_ =	shalt  }
0x68: {  	_ =	shalt  }
0x69: {  	_ =	shalt  }
0x6a: {  	_ =	shalt  }
0x6b: {  	_ =	shalt  }
0x6c: {  	_ =	shalt  }
0x6d: {  	_ =	shalt  }
0x6e: {  	_ =	shalt  }
0x6f: {  	_ =	shalt  }
0x70: {  	_ =	shalt  }
0x71: {  	_ =	shalt  }
0x72: {  	_ =	shalt  }
0x73: {  	_ =	shalt  }
0x74: {  	_ =	shalt  }
0x75: {  	_ =	shalt  }
0x76: {  	_ =	shalt  }
0x77: {  	_ =	shalt  }
0x78: {  	_ =	shalt  }
0x79: {  	_ =	shalt  }
0x7a: {  	_ =	shalt  }
0x7b: {  	_ =	shalt  }
0x7c: {  	_ =	shalt  }
0x7d: {  	_ =	shalt  }
0x7e: {  	_ =	shalt  }
0x7f: {  	_ =	shalt  }
0x80: {  	_ =	shalt  }
0x81: {  	_ =	shalt  }
0x82: {  	_ =	shalt  }
0x83: {  	_ =	shalt  }
0x84: {  	_ =	shalt  }
0x85: {  	_ =	shalt  }
0x86: {  	_ =	shalt  }
0x87: {  	_ =	shalt  }
.Lfunc_end0:
.L_simem_size_0:
called_computation_lowered:
.L_overlay_start_0:
0x88: {  	s2 =	sld [smem:$0x3FD9]  }
0x89: {  	s3 =	sld [smem:$0x3FFE];
	_ =	sdelay $0x1  }
0x8a: {  	s1 =	srdreg.scid  }
0x8b: {  	s0 =	sand.u32 $0x1, s1  }
0x8c: {  	s17 =	sshll.u32 s0, $0xA;
	s2 =	sadd.s32 s3, s2  }
0x8d: {  	s2 =	sadd.s32 s2, s17  }
0x8e: {  	[smem:$0x3FC6] =	sst s2  }
0x8f: {  	_ = 	snop  }
0x90: {  	s2 =	sld [smem:$0x3FD0];
	(tm) =	ssettm $0x1  }
0x91: {  	s18 =	sld [smem:$0x3FFB];
	_ =	sdelay $0x3  }
0x92: {  	_ =	strace s18  }
0x93: {  	s3 =	sld [smem:$0x3FFC];
	_ =	sdelay $0x3  }
0x94: {  	_ =	strace s3  }
0x95: {  	s3 =	sld [smem:$0x3FFD];
	_ =	sdelay $0x3  }
0x96: {  	_ =	strace s3  }
0x97: {  	_ =	strace $0x8FFFFFFF  }
0x98: {  	s19 =	sld [smem:$0x3FDB];
	_ =	sdelay $0x1  }
0x99: {  	s4 =	simm.s32 $_scs_section_size  }
0x9a: {  	s5 =	simm.s32 $_size__tile_overlayer_lowered;
	s6 =	simm.s32 $_tile_overlayer_lowered  }
0x9b: {  	s22 =	simm.s32 $0x1BFF;
	s21 =	sshll.u32 s6, $0x1;
	s3 =	sadd.s32 s4, s19  }
0x9c: {  	s7 =	simm.s32 $0x0;
	s20 =	sshll.u32 s5, $0x1;
	s5 =	sadd.s32 s21, s3  }
0x9d: {  	[timem:s7], [sflag:s22] =	dma.local [hbm:s5], s20  }
0x9e: {  	_ =	swait.ge [sflag:s22], s20  }
0x9f: {  	s4 =	ssub.s32 $0x0, s20;
	[sflag:s22] =	ssyncset.done $0x0  }
0xa0: {  	[sflag:s22] =	ssyncadd.s32 s4;
	_ =	sdelay $0x1  }
0xa1: {  	s23 =	simm.s32 $0x1B8B  }
0xa2: {  	_ =	swait.ge [sflag:s23], $0x1  }
0xa3: {  	[sflag:s23] =	ssyncset.done $0x0  }
0xa4: {  	s25 =	simm.s32 $0x1B8E;
	s24 =	sld [smem:$0x3FFE];
	[sflag:s23] =	ssyncadd.s32 $0xFFFFFFFF  }
0xa5: {  	s26 =	simm.s32 $execute0_lowered;
	[smem:$0x3FD2] =	sst s25  }
0xa6: {  	s5 =	sshll.u32 s26, $0x1;
	_ =	strace $0x80000046;
	[dreg:$0x1] =	wrdreg $0xFFFFFFFF  }
0xa7: {  	s28 =	simm.s32 $_size_execute0_lowered;
	s3 =	sadd.s32 s3, s5;
	[dreg:$0x0] =	wrdreg $0x0  }
0xa8: {  	s5 =	sshll.u32 s28, $0x1;
	[dreg:$0x2] =	wrdreg s3  }
0xa9: {  	[dreg:$0x3] =	wrdreg s5  }
0xaa: {  	[dreg:$0x4] =	wrdreg $0xC0  }
0xab: {  	_ =	task [dreg:s7], $0x5FFFF  }
0xac: {  	[dreg:$0x1] =	wrdreg $0xFFFFFFFF  }
0xad: {  	[dreg:$0x0] =	wrdreg $0x60  }
0xae: {  	[dreg:$0x2] =	wrdreg s24  }
0xaf: {  	[dreg:$0x3] =	wrdreg s2  }
0xb0: {  	[dreg:$0x4] =	wrdreg $0x9  }
0xb1: {  	_ =	task.clear_ibuf [dreg:s7], $0x5FFFF;
	_ =	strace $0x90000046  }
0xb2: {  	s29 =	simm.s32 $0x9;
	_ =	strace $0x80000048  }
0xb3: {  	_ =	swait.ge [sflag:s29], $0x1  }
0xb4: {  	[sflag:s29] =	ssyncadd.s32 $0xFFFFFFFF  }
0xb5: {  	_ =	strace $0x90000048  }
0xb6: {  	_ =	sfence  }
0xb7: {  	s30 =	sld [smem:$0x0];
	_ =	sdelay $0x2  }
0xb8: {  	s31 =	sshll.u32 s1, $0xD;
	s1 =	sshrl.u32 s1, $0x2  }
0xb9: {  	s3 =	sand.u32 $0x4000, s31;
	s1 =	sadd.s32 s1, s30  }
0xba: {  	s0 =	sor.u32 s3, s0;
	s1 =	sshll.u32 s1, $0x11  }
0xbb: {  	s0 =	sor.u32 s1, s0  }
0xbc: {  	s0 =	sadd.s32 $0x8F2B, s0  }
0xbd: {  	[sflag:s0] =	ssyncadd.remote.s32 $0x1  }
0xbe: {  	_ =	sfence.sel $0xFFFF  }
0xbf: {  	[dreg:$0x0] =	wrdreg $0xFFFFFFFF;
	(pc) =	sbr.abs _section_cstart, $3  }
0xc0: {  	[dreg:$0x1] =	wrdreg $0xFFFFFFFF  }
0xc1: {  	_ =	task.clear_ibuf [dreg:s7], $0x2FFFF;
	_ =	strace $0x9FFFFFFF  }
0xc2: {  	(tm) =	ssettm $0x7FFFFFFF  }
0xc3: {  	_ =	shalt  }
tec
execute0_lowered:
.L_overlay_start_1:
0x0: {  	(tag) =	ssettag $0x1  }
0x1: {  	s0 =	rddreg [dreg:$0x0]  }
0x2: {  	s2 =	rddreg [dreg:$0x1];
	v0 =	vlaneseq.u32  }
0x3: {  	s1 =	srdreg.scid;
	s4 =	stileid.u32;
	s3 =	simm.s32 $0x0;
	v0 =	vmul.u32 $0x88, v0  }
0x4: {  	s18 =	simm.s32 $0x80;
	s21 =	simm.s32 $0x1;
	s22 =	simm.s32 $0x5C00;
	v1 =	vimm.s32 $0x0;
	vm0 =	vcmask $0x300  }
0x5: {  	s14 =	simm.s32 $0x3;
	s17 =	simm.s32 $0x7E00;
	s20 =	simm.s32 $0x9CD0;
	v1 =	vsel vm0, $0x3, v1;
	v2 =	vadd.s32 $0x880, v0  }
0x6: {  	s23 =	simm.s32 $0x9D58;
	s24 =	simm.s32 $0x9DE0;
	s25 =	simm.s32 $0x9E68;
	v3 =	vadd.s32 $0x1100, v0;
	v4 =	vadd.s32 $0x1980, v0;
	v5 =	vor.u32 $0x1, v0  }
0x7: {  	s26 =	simm.s32 $0x9EF0;
	s28 =	simm.s32 $0x9F78;
	s1 =	sand.u32 $0x1, s1;
	v6 =	vadd.s32 $0x881, v0;
	v7 =	vadd.s32 $0x1101, v0;
	v8 =	vadd.s32 $0x1981, v0  }
0x8: {  	s4 =	sshll.u32 s4, $0xB;
	[smem:$0x7FF] =	sst s3;
	s8 =	sadd.s32 $0x2000, s2;
	v9 =	vor.u32 $0x2, v0;
	v10 =	vadd.s32 $0x882, v0;
	v11 =	vadd.s32 $0x1102, v0  }
0x9: {  	s9 =	sadd.s32 $0x3000, s2;
	s10 =	sadd.s32 $0x4000, s2;
	s11 =	sadd.s32 $0x5000, s2;
	v12 =	vadd.s32 $0x1982, v0;
	v13 =	vor.u32 $0x3, v0;
	v14 =	vadd.s32 $0x883, v0  }
0xa: {  	s12 =	sadd.s32 $0x6000, s2;
	s5 =	sshll.u32 s1, $0xA;
	s1 =	ssub.s32 $0x2, s1;
	v15 =	vadd.s32 $0x1103, v0;
	v16 =	vadd.s32 $0x1983, v0;
	v17 =	vor.u32 $0x4, v0  }
0xb: {  	s13 =	sadd.s32 $0x7000, s2;
	s4 =	sor.u32 s5, s4;
	s6 =	sshrl.u32 s1, $0x1;
	v18 =	vadd.s32 $0x884, v0;
	v19 =	vadd.s32 $0x1104, v0;
	v20 =	vadd.s32 $0x1984, v0  }
0xc: {  	_ =	strace $0x80000047;
	v21 =	vor.u32 $0x5, v0;
	v22 =	vadd.s32 $0x885, v0;
	v23 =	vadd.s32 $0x1105, v0;
	s5 =	sshrl.u32 s4, $0x3;
	s30 =	ssub.s32 s1, s6  }
0xd: {  	v24 =	vadd.s32 $0x1985, v0;
	v25 =	vor.u32 $0x6, v0;
	v26 =	vadd.s32 $0x886, v0;
	s7 =	sadd.s32 s5, s0;
	s5 =	sadd.s32 $0x600, s0;
	s0 =	smax.u32 s30, $0x1  }
0xe: {  	v27 =	vadd.s32 $0x1106, v0;
	v28 =	vadd.s32 $0x1986, v0;
	v29 =	vor.u32 $0x7, v0;
	s6 =	simm.s32 $0x2;
	s31 =	sadd.s32 $0xC3C00, s7;
	[dreg:$0x4] =	wrdreg s0  }
0xf: {  	v30 =	vadd.s32 $0x887, v0;
	v31 =	vadd.s32 $0x1107, v0;
	v32 =	vadd.s32 $0x1987, v0;
	s1 =	simm.s32 $0x0;
	s7 =	sadd.s32 $0x1000, s2;
	[dreg:$0x3] =	wrdreg s31  }
.LBB2_1:
0x10: {  	[dreg:$0x5] =	wrdreg s1  }
0x11: {  	s0 =	rddreg [dreg:$0x3]  }
0x12: {  	s19 =	simm.s32 $0x400;
	s15 =	simm.s32 $0x8000;
	s30 =	simm.s32 $0x4  }
0x13: {  	[tilespmem:s3], [sflag:$0x4] =	stream.strided.gather [hbm4b:s0+s19], $0x1C00, s15, s19, $0x38;
	[tilespmem:$0xA000] =	vst v63  }
0x14: {  	_ =	swait.ge [sflag:s30], $0x1C00  }
0x15: {  	[sflag:s30] =	ssyncset.done $0x0  }
0x16: {  	s31 =	simm.s32 $0x1C00;
	s29 =	simm.s32 $0x0;
	[sflag:s30] =	ssyncadd.s32 $0xFFFFE400  }
0x17: {  	[tilespmem:s31], [sflag:$0x1] =	stream.indirect.gather [hbm4b:s5+s18], $0x40, s3, s18, $0xb8;
	[tilespmem:$0xA000] =	vst v63  }
.LBB2_2:
0x18: {  	s30 =	sshllo.u32 s29, $0x1  }
0x19: {  	s1 =	sshll.u32 s29, $0x8;
	s0 =	sshll.u32 s30, $0x7  }
0x1a: {  	s1 =	sand.u32 $0x1C00, s1;
	s0 =	sand.u32 $0x380, s0  }
0x1b: {  	s19 =	simm.s32 $0x3C00;
	s0 =	sor.u32 s0, s1  }
0x1c: {  	[tilespmem:s19], [sflag:$0x2] =	stream.indirect.gather [hbm4b:s5+s18], $0x40, s0, s18, $0xb8;
	[tilespmem:$0xA000] =	vst v63  }
0x1d: {  	_ =	swait.ge [sflag:s21], $0x2000  }
0x1e: {  	p0 =	seq.s32 s29, $0x0;
	[sflag:s21] =	ssyncset.done $0x0  }
0x1f: {  	s0 =	simm.s32 @!p0 $0x3;
	[sflag:s21] =	ssyncadd.s32 $0xFFFFE000  }
0x20: {  	_ =	swait.ge @!p0 [sflag:s0], $0x400  }
0x21: {  	[sflag:s0] =	ssyncset.done @!p0 $0x0  }
0x22: {  	[sflag:s0] =	ssyncadd.s32 @!p0 $0xFFFFFC00  }
0x23: {  	_ =	swait.ge @!p0 [sflag:s0], $0x400  }
0x24: {  	[sflag:s0] =	ssyncset.done @!p0 $0x0  }
0x25: {  	[sflag:s0] =	ssyncadd.s32 @!p0 $0xFFFFFC00  }
0x26: {  	_ =	swait.ge @!p0 [sflag:s0], $0x400  }
0x27: {  	[sflag:s0] =	ssyncset.done @!p0 $0x0  }
0x28: {  	[sflag:s0] =	ssyncadd.s32 @!p0 $0xFFFFFC00  }
0x29: {  	_ =	swait.ge @!p0 [sflag:s0], $0x400  }
0x2a: {  	[sflag:s0] =	ssyncset.done @!p0 $0x0  }
0x2b: {  	[sflag:s0] =	ssyncadd.s32 @!p0 $0xFFFFFC00  }
0x2c: {  	_ =	swait.ge @!p0 [sflag:s0], $0x400  }
0x2d: {  	[sflag:s0] =	ssyncset.done @!p0 $0x0  }
0x2e: {  	[sflag:s0] =	ssyncadd.s32 @!p0 $0xFFFFFC00  }
0x2f: {  	_ =	swait.ge @!p0 [sflag:s0], $0x400  }
0x30: {  	[sflag:s0] =	ssyncset.done @!p0 $0x0  }
0x31: {  	[sflag:s0] =	ssyncadd.s32 @!p0 $0xFFFFFC00  }
0x32: {  	s15 =	simm.s32 $0x0;
	_ =	swait.ge @!p0 [sflag:s0], $0x400  }
0x33: {  	v33 =	vmov s15;
	[sflag:s0] =	ssyncset.done @!p0 $0x0  }
0x34: {  	v33 =	vshrl.u32 v33, $0x3;
	[sflag:s0] =	ssyncadd.s32 @!p0 $0xFFFFFC00  }
0x35: {  	v33 =	vshll.u32 v33, v1;
	_ =	swait.ge @!p0 [sflag:s0], $0x400  }
0x36: {  	v33 =	vbroadcast v33, $0x0;
	[sflag:s0] =	ssyncset.done @!p0 $0x0  }
0x37: {  	[sflag:s0] =	ssyncadd.s32 @!p0 $0xFFFFFC00;
	s0 =	simm.s32 $0x1D00  }
0x38: {  	v35 =	vadd.s32 v0, v33;
	v34 =	vld [tilespmem:s0+$0xFFFFFF00]  }
0x39: {  	v37 =	vadd.s32 v2, v33;
	v36 =	vld [tilespmem:s0+$0xFFFFFF10]  }
0x3a: {  	v39 =	vadd.s32 v3, v33;
	v38 =	vld [tilespmem:s0+$0xFFFFFF20]  }
0x3b: {  	s16 =	simm.s32 $0x1;
	v33 =	vadd.s32 v4, v33;
	v40 =	vld [tilespmem:s0+$0xFFFFFF30]  }
0x3c: {  	v41 =	vmov s16  }
0x3d: {  	v47 =	vshrl.u32 v41, $0x3;
	[tilespmem:v35+s22+$0x0] =	vst.idx.msk $0xffff, v34  }
0x3e: {  	v34 =	vshll.u32 v47, v1;
	[tilespmem:v37+s22+$0x0] =	vst.idx.msk $0xffff, v36  }
0x3f: {  	v34 =	vbroadcast v34, $0x0;
	[tilespmem:v39+s22+$0x0] =	vst.idx.msk $0xffff, v38  }
0x40: {  	[tilespmem:v33+s22+$0x0] =	vst.idx.msk $0xffff, v40  }
0x41: {  	v48 =	vadd.s32 v5, v34;
	v33 =	vld [tilespmem:s0+$0xFFFFFF40]  }
0x42: {  	v49 =	vadd.s32 v6, v34;
	v36 =	vld [tilespmem:s0+$0xFFFFFF50]  }
0x43: {  	v50 =	vadd.s32 v7, v34;
	v38 =	vld [tilespmem:s0+$0xFFFFFF60]  }
0x44: {  	s19 =	simm.s32 $0x2;
	v34 =	vadd.s32 v8, v34;
	v40 =	vld [tilespmem:s0+$0xFFFFFF70]  }
0x45: {  	v51 =	vmov s19  }
0x46: {  	v52 =	vshrl.u32 v51, $0x3;
	[tilespmem:v48+s22+$0x0] =	vst.idx.msk $0xffff, v33  }
0x47: {  	v33 =	vshll.u32 v52, v1;
	[tilespmem:v49+s22+$0x0] =	vst.idx.msk $0xffff, v36  }
0x48: {  	v33 =	vbroadcast v33, $0x0;
	[tilespmem:v50+s22+$0x0] =	vst.idx.msk $0xffff, v38  }
0x49: {  	[tilespmem:v34+s22+$0x0] =	vst.idx.msk $0xffff, v40  }
0x4a: {  	v53 =	vadd.s32 v9, v33;
	v34 =	vld [tilespmem:s0+$0xFFFFFF80]  }
0x4b: {  	v54 =	vadd.s32 v10, v33;
	v36 =	vld [tilespmem:s0+$0xFFFFFF90]  }
0x4c: {  	v55 =	vadd.s32 v11, v33;
	v38 =	vld [tilespmem:s0+$0xFFFFFFA0]  }
0x4d: {  	s15 =	simm.s32 $0x3;
	v33 =	vadd.s32 v12, v33;
	v40 =	vld [tilespmem:s0+$0xFFFFFFB0]  }
0x4e: {  	v56 =	vmov s15  }
0x4f: {  	v57 =	vshrl.u32 v56, $0x3;
	[tilespmem:v53+s22+$0x0] =	vst.idx.msk $0xffff, v34  }
0x50: {  	v34 =	vshll.u32 v57, v1;
	[tilespmem:v54+s22+$0x0] =	vst.idx.msk $0xffff, v36  }
0x51: {  	v34 =	vbroadcast v34, $0x0;
	[tilespmem:v55+s22+$0x0] =	vst.idx.msk $0xffff, v38  }
0x52: {  	[tilespmem:v33+s22+$0x0] =	vst.idx.msk $0xffff, v40  }
0x53: {  	v58 =	vadd.s32 v13, v34;
	v33 =	vld [tilespmem:s0+$0xFFFFFFC0]  }
0x54: {  	v59 =	vadd.s32 v14, v34;
	v36 =	vld [tilespmem:s0+$0xFFFFFFD0]  }
0x55: {  	v60 =	vadd.s32 v15, v34;
	v38 =	vld [tilespmem:s0+$0xFFFFFFE0]  }
0x56: {  	s16 =	simm.s32 $0x4;
	v34 =	vadd.s32 v16, v34;
	v40 =	vld [tilespmem:s0+$0xFFFFFFF0]  }
0x57: {  	v61 =	vmov s16  }
0x58: {  	v62 =	vshrl.u32 v61, $0x3;
	[tilespmem:v58+s22+$0x0] =	vst.idx.msk $0xffff, v33  }
0x59: {  	v33 =	vshll.u32 v62, v1;
	[tilespmem:v59+s22+$0x0] =	vst.idx.msk $0xffff, v36  }
0x5a: {  	v33 =	vbroadcast v33, $0x0;
	[tilespmem:v60+s22+$0x0] =	vst.idx.msk $0xffff, v38  }
0x5b: {  	[tilespmem:v34+s22+$0x0] =	vst.idx.msk $0xffff, v40  }
0x5c: {  	v63 =	vadd.s32 v17, v33;
	v34 =	vld [tilespmem:s0+$0x0]  }
0x5d: {  	v44 =	vadd.s32 v18, v33;
	v36 =	vld [tilespmem:s0+$0x10]  }
0x5e: {  	v45 =	vadd.s32 v19, v33;
	v38 =	vld [tilespmem:s0+$0x20]  }
0x5f: {  	s19 =	simm.s32 $0x5;
	v33 =	vadd.s32 v20, v33;
	v40 =	vld [tilespmem:s0+$0x30]  }
0x60: {  	v46 =	vmov s19  }
0x61: {  	v47 =	vshrl.u32 v46, $0x3;
	[tilespmem:v63+s22+$0x0] =	vst.idx.msk $0xffff, v34  }
0x62: {  	v34 =	vshll.u32 v47, v1;
	[tilespmem:v44+s22+$0x0] =	vst.idx.msk $0xffff, v36  }
0x63: {  	v34 =	vbroadcast v34, $0x0;
	[tilespmem:v45+s22+$0x0] =	vst.idx.msk $0xffff, v38  }
0x64: {  	[tilespmem:v33+s22+$0x0] =	vst.idx.msk $0xffff, v40  }
0x65: {  	v48 =	vadd.s32 v21, v34;
	v33 =	vld [tilespmem:s0+$0x40]  }
0x66: {  	v49 =	vadd.s32 v22, v34;
	v36 =	vld [tilespmem:s0+$0x50]  }
0x67: {  	v50 =	vadd.s32 v23, v34;
	v38 =	vld [tilespmem:s0+$0x60]  }
0x68: {  	s15 =	simm.s32 $0x6;
	v34 =	vadd.s32 v24, v34;
	v40 =	vld [tilespmem:s0+$0x70]  }
0x69: {  	v51 =	vmov s15  }
0x6a: {  	v52 =	vshrl.u32 v51, $0x3;
	[tilespmem:v48+s22+$0x0] =	vst.idx.msk $0xffff, v33  }
0x6b: {  	v33 =	vshll.u32 v52, v1;
	[tilespmem:v49+s22+$0x0] =	vst.idx.msk $0xffff, v36  }
0x6c: {  	v33 =	vbroadcast v33, $0x0;
	[tilespmem:v50+s22+$0x0] =	vst.idx.msk $0xffff, v38  }
0x6d: {  	[tilespmem:v34+s22+$0x0] =	vst.idx.msk $0xffff, v40  }
0x6e: {  	v53 =	vadd.s32 v25, v33;
	v34 =	vld [tilespmem:s0+$0x80]  }
0x6f: {  	v54 =	vadd.s32 v26, v33;
	v36 =	vld [tilespmem:s0+$0x90]  }
0x70: {  	v55 =	vadd.s32 v27, v33;
	v38 =	vld [tilespmem:s0+$0xA0]  }
0x71: {  	s16 =	simm.s32 $0x7;
	v33 =	vadd.s32 v28, v33;
	v40 =	vld [tilespmem:s0+$0xB0]  }
0x72: {  	v56 =	vmov s16  }
0x73: {  	v57 =	vshrl.u32 v56, $0x3;
	[tilespmem:v53+s22+$0x0] =	vst.idx.msk $0xffff, v34  }
0x74: {  	v34 =	vshll.u32 v57, v1;
	[tilespmem:v54+s22+$0x0] =	vst.idx.msk $0xffff, v36  }
0x75: {  	v58 =	vbroadcast v34, $0x0;
	[tilespmem:v55+s22+$0x0] =	vst.idx.msk $0xffff, v38  }
0x76: {  	[tilespmem:v33+s22+$0x0] =	vst.idx.msk $0xffff, v40  }
0x77: {  	v59 =	vadd.s32 v29, v58;
	v33 =	vld [tilespmem:s0+$0xC0]  }
0x78: {  	v60 =	vadd.s32 v30, v58;
	v37 =	vld [tilespmem:s0+$0xD0]  }
0x79: {  	v61 =	vadd.s32 v31, v58;
	v39 =	vld [tilespmem:s0+$0xE0]  }
0x7a: {  	s19 =	simm.s32 $0x8  }
0x7b: {  	v62 =	vmov s19;
	v35 =	vadd.s32 v32, v58;
	v34 =	vld [tilespmem:s0+$0xF0]  }
0x7c: {  	v41 =	vshrl.u32 v62, $0x3;
	[tilespmem:v59+s22+$0x0] =	vst.idx.msk $0xffff, v33  }
0x7d: {  	v63 =	vshll.u32 v41, v1;
	[tilespmem:v60+s22+$0x0] =	vst.idx.msk $0xffff, v37  }
0x7e: {  	s31 =	sshll.u32 s29, $0x1;
	s1 =	simm.s32 $0xF;
	s15 =	simm.s32 $0x17;
	v33 =	vbroadcast v63, $0x0;
	[tilespmem:v61+s22+$0x0] =	vst.idx.msk $0xffff, v39  }
.LBB2_3:
0x7f: {  	p1 =	sne.s32 s15, $0x7F  }
0x80: {  	[tilespmem:v35+s22+$0x0] =	vst.idx.msk $0xffff, v34;
	s0 =	sadd.s32 $0x200, s0;
	s16 =	smov.u32 s15;
	s15 =	sadd.s32 $0x8, s15  }
0x81: {  	v34 =	vld [tilespmem:s0+$0xFFFFFF00];
	v35 =	vadd.s32 v0, v33  }
0x82: {  	v37 =	vadd.s32 v2, v33;
	v36 =	vld [tilespmem:s0+$0xFFFFFF10]  }
0x83: {  	v39 =	vadd.s32 v3, v33;
	v38 =	vld [tilespmem:s0+$0xFFFFFF20]  }
0x84: {  	s19 =	sadd.s32 $0xFFFFFFFA, s1;
	v33 =	vadd.s32 v4, v33;
	v40 =	vld [tilespmem:s0+$0xFFFFFF30]  }
0x85: {  	v41 =	vmov s19  }
0x86: {  	[tilespmem:v35+s22+$0x0] =	vst.idx.msk $0xffff, v34;
	v34 =	vshrl.u32 v41, $0x3  }
0x87: {  	[tilespmem:v37+s22+$0x0] =	vst.idx.msk $0xffff, v36;
	v34 =	vshll.u32 v34, v1  }
0x88: {  	[tilespmem:v39+s22+$0x0] =	vst.idx.msk $0xffff, v38;
	v34 =	vbroadcast v34, $0x0  }
0x89: {  	[tilespmem:v33+s22+$0x0] =	vst.idx.msk $0xffff, v40  }
0x8a: {  	v33 =	vld [tilespmem:s0+$0xFFFFFF40];
	v35 =	vadd.s32 v5, v34  }
0x8b: {  	v37 =	vadd.s32 v6, v34;
	v36 =	vld [tilespmem:s0+$0xFFFFFF50]  }
0x8c: {  	v39 =	vadd.s32 v7, v34;
	v38 =	vld [tilespmem:s0+$0xFFFFFF60]  }
0x8d: {  	s19 =	sadd.s32 $0xFFFFFFFB, s1;
	v34 =	vadd.s32 v8, v34;
	v40 =	vld [tilespmem:s0+$0xFFFFFF70]  }
0x8e: {  	v41 =	vmov s19  }
0x8f: {  	[tilespmem:v35+s22+$0x0] =	vst.idx.msk $0xffff, v33;
	v33 =	vshrl.u32 v41, $0x3  }
0x90: {  	[tilespmem:v37+s22+$0x0] =	vst.idx.msk $0xffff, v36;
	v33 =	vshll.u32 v33, v1  }
0x91: {  	[tilespmem:v39+s22+$0x0] =	vst.idx.msk $0xffff, v38;
	v33 =	vbroadcast v33, $0x0  }
0x92: {  	[tilespmem:v34+s22+$0x0] =	vst.idx.msk $0xffff, v40  }
0x93: {  	v34 =	vld [tilespmem:s0+$0xFFFFFF80];
	v35 =	vadd.s32 v9, v33  }
0x94: {  	v37 =	vadd.s32 v10, v33;
	v36 =	vld [tilespmem:s0+$0xFFFFFF90]  }
0x95: {  	v39 =	vadd.s32 v11, v33;
	v38 =	vld [tilespmem:s0+$0xFFFFFFA0]  }
0x96: {  	s19 =	sadd.s32 $0xFFFFFFFC, s1;
	v33 =	vadd.s32 v12, v33;
	v40 =	vld [tilespmem:s0+$0xFFFFFFB0]  }
0x97: {  	v41 =	vmov s19  }
0x98: {  	[tilespmem:v35+s22+$0x0] =	vst.idx.msk $0xffff, v34;
	v34 =	vshrl.u32 v41, $0x3  }
0x99: {  	[tilespmem:v37+s22+$0x0] =	vst.idx.msk $0xffff, v36;
	v34 =	vshll.u32 v34, v1  }
0x9a: {  	[tilespmem:v39+s22+$0x0] =	vst.idx.msk $0xffff, v38;
	v34 =	vbroadcast v34, $0x0  }
0x9b: {  	[tilespmem:v33+s22+$0x0] =	vst.idx.msk $0xffff, v40  }
0x9c: {  	v33 =	vld [tilespmem:s0+$0xFFFFFFC0];
	v35 =	vadd.s32 v13, v34  }
0x9d: {  	v37 =	vadd.s32 v14, v34;
	v36 =	vld [tilespmem:s0+$0xFFFFFFD0]  }
0x9e: {  	v39 =	vadd.s32 v15, v34;
	v38 =	vld [tilespmem:s0+$0xFFFFFFE0]  }
0x9f: {  	s19 =	sadd.s32 $0xFFFFFFFD, s1;
	v34 =	vadd.s32 v16, v34;
	v40 =	vld [tilespmem:s0+$0xFFFFFFF0]  }
0xa0: {  	v41 =	vmov s19  }
0xa1: {  	[tilespmem:v35+s22+$0x0] =	vst.idx.msk $0xffff, v33;
	v33 =	vshrl.u32 v41, $0x3  }
0xa2: {  	[tilespmem:v37+s22+$0x0] =	vst.idx.msk $0xffff, v36;
	v33 =	vshll.u32 v33, v1  }
0xa3: {  	[tilespmem:v39+s22+$0x0] =	vst.idx.msk $0xffff, v38;
	v33 =	vbroadcast v33, $0x0  }
0xa4: {  	[tilespmem:v34+s22+$0x0] =	vst.idx.msk $0xffff, v40  }
0xa5: {  	v34 =	vld [tilespmem:s0+$0x0];
	v35 =	vadd.s32 v17, v33  }
0xa6: {  	v37 =	vadd.s32 v18, v33;
	v36 =	vld [tilespmem:s0+$0x10]  }
0xa7: {  	v39 =	vadd.s32 v19, v33;
	v38 =	vld [tilespmem:s0+$0x20]  }
0xa8: {  	s19 =	sadd.s32 $0xFFFFFFFE, s1;
	v33 =	vadd.s32 v20, v33;
	v40 =	vld [tilespmem:s0+$0x30]  }
0xa9: {  	v41 =	vmov s19  }
0xaa: {  	[tilespmem:v35+s22+$0x0] =	vst.idx.msk $0xffff, v34;
	v34 =	vshrl.u32 v41, $0x3  }
0xab: {  	[tilespmem:v37+s22+$0x0] =	vst.idx.msk $0xffff, v36;
	v34 =	vshll.u32 v34, v1  }
0xac: {  	[tilespmem:v39+s22+$0x0] =	vst.idx.msk $0xffff, v38;
	v34 =	vbroadcast v34, $0x0  }
0xad: {  	[tilespmem:v33+s22+$0x0] =	vst.idx.msk $0xffff, v40  }
0xae: {  	v33 =	vld [tilespmem:s0+$0x40];
	v35 =	vadd.s32 v21, v34  }
0xaf: {  	v37 =	vadd.s32 v22, v34;
	v36 =	vld [tilespmem:s0+$0x50]  }
0xb0: {  	v39 =	vadd.s32 v23, v34;
	v38 =	vld [tilespmem:s0+$0x60]  }
0xb1: {  	s19 =	sadd.s32 $0xFFFFFFFF, s1;
	v34 =	vadd.s32 v24, v34;
	v40 =	vld [tilespmem:s0+$0x70]  }
0xb2: {  	v41 =	vmov s19  }
0xb3: {  	[tilespmem:v35+s22+$0x0] =	vst.idx.msk $0xffff, v33;
	v33 =	vshrl.u32 v41, $0x3  }
0xb4: {  	[tilespmem:v37+s22+$0x0] =	vst.idx.msk $0xffff, v36;
	v33 =	vshll.u32 v33, v1  }
0xb5: {  	[tilespmem:v39+s22+$0x0] =	vst.idx.msk $0xffff, v38;
	v33 =	vbroadcast v33, $0x0  }
0xb6: {  	[tilespmem:v34+s22+$0x0] =	vst.idx.msk $0xffff, v40  }
0xb7: {  	v34 =	vld [tilespmem:s0+$0x80];
	v35 =	vadd.s32 v25, v33  }
0xb8: {  	v37 =	vadd.s32 v26, v33;
	v36 =	vld [tilespmem:s0+$0x90]  }
0xb9: {  	v39 =	vadd.s32 v27, v33;
	v38 =	vld [tilespmem:s0+$0xA0]  }
0xba: {  	v33 =	vadd.s32 v28, v33;
	v40 =	vld [tilespmem:s0+$0xB0]  }
0xbb: {  	v41 =	vmov s1;
	s1 =	smov.u32 s16  }
0xbc: {  	[tilespmem:v35+s22+$0x0] =	vst.idx.msk $0xffff, v34;
	v34 =	vshrl.u32 v41, $0x3  }
0xbd: {  	[tilespmem:v37+s22+$0x0] =	vst.idx.msk $0xffff, v36;
	v34 =	vshll.u32 v34, v1  }
0xbe: {  	[tilespmem:v39+s22+$0x0] =	vst.idx.msk $0xffff, v38;
	v35 =	vbroadcast v34, $0x0  }
0xbf: {  	[tilespmem:v33+s22+$0x0] =	vst.idx.msk $0xffff, v40  }
0xc0: {  	v33 =	vld [tilespmem:s0+$0xC0];
	v36 =	vadd.s32 v29, v35  }
0xc1: {  	v38 =	vadd.s32 v30, v35;
	v37 =	vld [tilespmem:s0+$0xD0]  }
0xc2: {  	v40 =	vadd.s32 v31, v35;
	v39 =	vld [tilespmem:s0+$0xE0]  }
.Ltmp0:
0xc3: {  	s16 =	sadd.s32 $0xFFFFFFF9, s1;
	v35 =	vadd.s32 v32, v35;
	v34 =	vld [tilespmem:s0+$0xF0];
	(pc) =	sbr.rel @p1 .LBB2_3-.Ltmp0, $4  }
0xc4: {  	v41 =	vmov s16  }
0xc5: {  	v41 =	vshrl.u32 v41, $0x3;
	[tilespmem:v36+s22+$0x0] =	vst.idx.msk $0xffff, v33  }
0xc6: {  	v33 =	vshll.u32 v41, v1;
	[tilespmem:v38+s22+$0x0] =	vst.idx.msk $0xffff, v37  }
0xc7: {  	v33 =	vbroadcast v33, $0x0;
	[tilespmem:v40+s22+$0x0] =	vst.idx.msk $0xffff, v39  }
0xc8: {  	_ =	sdelay $0x3  }
0xc9: {  	[tilespmem:v35+s22+$0x0] =	vst.idx.msk $0xffff, v34;
	s0 =	sadd.s32 $0x200, s0  }
0xca: {  	v34 =	vld [tilespmem:s0+$0xFFFFFF00];
	v48 =	vadd.s32 v0, v33  }
0xcb: {  	v36 =	vld [tilespmem:s0+$0xFFFFFF10];
	v37 =	vadd.s32 v2, v33  }
0xcc: {  	v38 =	vld [tilespmem:s0+$0xFFFFFF20];
	v39 =	vadd.s32 v3, v33  }
0xcd: {  	s15 =	sadd.s32 $0xFFFFFFFA, s1;
	v40 =	vld [tilespmem:s0+$0xFFFFFF30];
	v49 =	vadd.s32 v4, v33  }
0xce: {  	v41 =	vmov s15  }
0xcf: {  	v50 =	vshrl.u32 v41, $0x3;
	[tilespmem:v48+s22+$0x0] =	vst.idx.msk $0xffff, v34  }
0xd0: {  	v34 =	vshll.u32 v50, v1;
	[tilespmem:v37+s22+$0x0] =	vst.idx.msk $0xffff, v36  }
0xd1: {  	v34 =	vbroadcast v34, $0x0;
	[tilespmem:v39+s22+$0x0] =	vst.idx.msk $0xffff, v38  }
0xd2: {  	[tilespmem:v49+s22+$0x0] =	vst.idx.msk $0xffff, v40  }
0xd3: {  	v51 =	vadd.s32 v5, v34;
	v33 =	vld [tilespmem:s0+$0xFFFFFF40]  }
0xd4: {  	v52 =	vadd.s32 v6, v34;
	v36 =	vld [tilespmem:s0+$0xFFFFFF50]  }
0xd5: {  	v53 =	vadd.s32 v7, v34;
	v38 =	vld [tilespmem:s0+$0xFFFFFF60]  }
0xd6: {  	s19 =	sadd.s32 $0xFFFFFFFB, s1;
	v34 =	vadd.s32 v8, v34;
	v40 =	vld [tilespmem:s0+$0xFFFFFF70]  }
0xd7: {  	v54 =	vmov s19  }
0xd8: {  	v55 =	vshrl.u32 v54, $0x3;
	[tilespmem:v51+s22+$0x0] =	vst.idx.msk $0xffff, v33  }
0xd9: {  	v33 =	vshll.u32 v55, v1;
	[tilespmem:v52+s22+$0x0] =	vst.idx.msk $0xffff, v36  }
0xda: {  	v33 =	vbroadcast v33, $0x0;
	[tilespmem:v53+s22+$0x0] =	vst.idx.msk $0xffff, v38  }
0xdb: {  	[tilespmem:v34+s22+$0x0] =	vst.idx.msk $0xffff, v40  }
0xdc: {  	v56 =	vadd.s32 v9, v33;
	v34 =	vld [tilespmem:s0+$0xFFFFFF80]  }
0xdd: {  	v57 =	vadd.s32 v10, v33;
	v36 =	vld [tilespmem:s0+$0xFFFFFF90]  }
0xde: {  	v58 =	vadd.s32 v11, v33;
	v38 =	vld [tilespmem:s0+$0xFFFFFFA0]  }
0xdf: {  	s16 =	sadd.s32 $0xFFFFFFFC, s1;
	v33 =	vadd.s32 v12, v33;
	v40 =	vld [tilespmem:s0+$0xFFFFFFB0]  }
0xe0: {  	v59 =	vmov s16  }
0xe1: {  	v60 =	vshrl.u32 v59, $0x3;
	[tilespmem:v56+s22+$0x0] =	vst.idx.msk $0xffff, v34  }
0xe2: {  	v34 =	vshll.u32 v60, v1;
	[tilespmem:v57+s22+$0x0] =	vst.idx.msk $0xffff, v36  }
0xe3: {  	v34 =	vbroadcast v34, $0x0;
	[tilespmem:v58+s22+$0x0] =	vst.idx.msk $0xffff, v38  }
0xe4: {  	[tilespmem:v33+s22+$0x0] =	vst.idx.msk $0xffff, v40  }
0xe5: {  	v61 =	vadd.s32 v13, v34;
	v33 =	vld [tilespmem:s0+$0xFFFFFFC0]  }
0xe6: {  	v62 =	vadd.s32 v14, v34;
	v36 =	vld [tilespmem:s0+$0xFFFFFFD0]  }
0xe7: {  	v63 =	vadd.s32 v15, v34;
	v38 =	vld [tilespmem:s0+$0xFFFFFFE0]  }
0xe8: {  	s19 =	sadd.s32 $0xFFFFFFFD, s1;
	v34 =	vadd.s32 v16, v34;
	v40 =	vld [tilespmem:s0+$0xFFFFFFF0]  }
0xe9: {  	v44 =	vmov s19  }
0xea: {  	v45 =	vshrl.u32 v44, $0x3;
	[tilespmem:v61+s22+$0x0] =	vst.idx.msk $0xffff, v33  }
0xeb: {  	v33 =	vshll.u32 v45, v1;
	[tilespmem:v62+s22+$0x0] =	vst.idx.msk $0xffff, v36  }
0xec: {  	v33 =	vbroadcast v33, $0x0;
	[tilespmem:v63+s22+$0x0] =	vst.idx.msk $0xffff, v38  }
0xed: {  	[tilespmem:v34+s22+$0x0] =	vst.idx.msk $0xffff, v40  }
0xee: {  	v46 =	vadd.s32 v17, v33;
	v34 =	vld [tilespmem:s0+$0x0]  }
0xef: {  	v47 =	vadd.s32 v18, v33;
	v36 =	vld [tilespmem:s0+$0x10]  }
0xf0: {  	v48 =	vadd.s32 v19, v33;
	v38 =	vld [tilespmem:s0+$0x20]  }
0xf1: {  	s16 =	sadd.s32 $0xFFFFFFFE, s1;
	v33 =	vadd.s32 v20, v33;
	v40 =	vld [tilespmem:s0+$0x30]  }
0xf2: {  	v49 =	vmov s16  }
0xf3: {  	v50 =	vshrl.u32 v49, $0x3;
	[tilespmem:v46+s22+$0x0] =	vst.idx.msk $0xffff, v34  }
0xf4: {  	v34 =	vshll.u32 v50, v1;
	[tilespmem:v47+s22+$0x0] =	vst.idx.msk $0xffff, v36  }
0xf5: {  	v34 =	vbroadcast v34, $0x0;
	[tilespmem:v48+s22+$0x0] =	vst.idx.msk $0xffff, v38  }
0xf6: {  	[tilespmem:v33+s22+$0x0] =	vst.idx.msk $0xffff, v40  }
0xf7: {  	v51 =	vadd.s32 v21, v34;
	v33 =	vld [tilespmem:s0+$0x40]  }
0xf8: {  	v52 =	vadd.s32 v22, v34;
	v36 =	vld [tilespmem:s0+$0x50]  }
0xf9: {  	v53 =	vadd.s32 v23, v34;
	v38 =	vld [tilespmem:s0+$0x60]  }
0xfa: {  	s19 =	sadd.s32 $0xFFFFFFFF, s1;
	v34 =	vadd.s32 v24, v34;
	v40 =	vld [tilespmem:s0+$0x70]  }
0xfb: {  	v54 =	vmov s19  }
0xfc: {  	v55 =	vshrl.u32 v54, $0x3;
	[tilespmem:v51+s22+$0x0] =	vst.idx.msk $0xffff, v33  }
0xfd: {  	v33 =	vshll.u32 v55, v1;
	[tilespmem:v52+s22+$0x0] =	vst.idx.msk $0xffff, v36  }
0xfe: {  	v33 =	vbroadcast v33, $0x0;
	[tilespmem:v53+s22+$0x0] =	vst.idx.msk $0xffff, v38  }
0xff: {  	[tilespmem:v34+s22+$0x0] =	vst.idx.msk $0xffff, v40  }
0x100: {  	v56 =	vadd.s32 v25, v33;
	v34 =	vld [tilespmem:s0+$0x80]  }
0x101: {  	v57 =	vadd.s32 v26, v33;
	v36 =	vld [tilespmem:s0+$0x90]  }
0x102: {  	v58 =	vadd.s32 v27, v33;
	v38 =	vld [tilespmem:s0+$0xA0]  }
0x103: {  	v33 =	vadd.s32 v28, v33;
	v40 =	vld [tilespmem:s0+$0xB0]  }
0x104: {  	v59 =	vmov s1  }
0x105: {  	v60 =	vshrl.u32 v59, $0x3;
	[tilespmem:v56+s22+$0x0] =	vst.idx.msk $0xffff, v34  }
0x106: {  	v34 =	vshll.u32 v60, v1;
	[tilespmem:v57+s22+$0x0] =	vst.idx.msk $0xffff, v36  }
0x107: {  	v34 =	vbroadcast v34, $0x0;
	[tilespmem:v58+s22+$0x0] =	vst.idx.msk $0xffff, v38  }
0x108: {  	[tilespmem:v33+s22+$0x0] =	vst.idx.msk $0xffff, v40  }
0x109: {  	v61 =	vadd.s32 v29, v34;
	v33 =	vld [tilespmem:s0+$0xC0]  }
0x10a: {  	v62 =	vadd.s32 v30, v34;
	v36 =	vld [tilespmem:s0+$0xD0]  }
0x10b: {  	v63 =	vadd.s32 v31, v34;
	v38 =	vld [tilespmem:s0+$0xE0]  }
0x10c: {  	v34 =	vadd.s32 v32, v34;
	v40 =	vld [tilespmem:s0+$0xF0];
	_ =	sdelay $0x1  }
0x10d: {  	s16 =	sshll.u32 s29, $0x13;
	[tilespmem:v61+s22+$0x0] =	vst.idx.msk $0xffff, v33  }
0x10e: {  	s0 =	sor.u32 s4, s16;
	[tilespmem:v62+s22+$0x0] =	vst.idx.msk $0xffff, v36  }
0x10f: {  	s0 =	sshrl.u32 s0, $0x3;
	[tilespmem:v63+s22+$0x0] =	vst.idx.msk $0xffff, v38  }
0x110: {  	s1 =	sadd.s32 s2, s0;
	[tilespmem:v34+s22+$0x0] =	vst.idx.msk $0xffff, v40  }
0x111: {  	[hbm4b:s1+s3] =	stream.linear.scatter [tilespmem:s22], [sflag:$0x3], $0x80, $0x38;
	[tilespmem:$0xA000] =	vst v63  }
0x112: {  	s16 =	simm.s32 $0x5C88;
	s19 =	sadd.s32 $0x10, s1  }
0x113: {  	[hbm4b:s19+s3] =	stream.linear.scatter [tilespmem:s16], [sflag:$0x3], $0x80, $0x38;
	[tilespmem:$0xA000] =	vst v63  }
0x114: {  	s16 =	sadd.s32 $0x20, s1;
	s19 =	simm.s32 $0x5D10  }
0x115: {  	[hbm4b:s16+s3] =	stream.linear.scatter [tilespmem:s19], [sflag:$0x3], $0x80, $0x38;
	[tilespmem:$0xA000] =	vst v63  }
0x116: {  	s16 =	sadd.s32 $0x30, s1;
	s19 =	simm.s32 $0x5D98  }
0x117: {  	[hbm4b:s16+s3] =	stream.linear.scatter [tilespmem:s19], [sflag:$0x3], $0x80, $0x38;
	[tilespmem:$0xA000] =	vst v63  }
0x118: {  	s16 =	sadd.s32 $0x40, s1;
	s19 =	simm.s32 $0x5E20  }
0x119: {  	[hbm4b:s16+s3] =	stream.linear.scatter [tilespmem:s19], [sflag:$0x3], $0x80, $0x38;
	[tilespmem:$0xA000] =	vst v63  }
0x11a: {  	s16 =	sadd.s32 $0x50, s1;
	s19 =	simm.s32 $0x5EA8  }
0x11b: {  	[hbm4b:s16+s3] =	stream.linear.scatter [tilespmem:s19], [sflag:$0x3], $0x80, $0x38;
	[tilespmem:$0xA000] =	vst v63  }
0x11c: {  	s16 =	sadd.s32 $0x60, s1;
	s19 =	simm.s32 $0x5F30  }
0x11d: {  	[hbm4b:s16+s3] =	stream.linear.scatter [tilespmem:s19], [sflag:$0x3], $0x80, $0x38;
	[tilespmem:$0xA000] =	vst v63  }
0x11e: {  	s1 =	sadd.s32 $0x70, s1;
	s16 =	simm.s32 $0x5FB8  }
0x11f: {  	[hbm4b:s1+s3] =	stream.linear.scatter [tilespmem:s16], [sflag:$0x3], $0x80, $0x38;
	[tilespmem:$0xA000] =	vst v63  }
0x120: {  	s19 =	simm.s32 $0x6040;
	s1 =	sadd.s32 s0, s7  }
0x121: {  	[hbm4b:s1+s3] =	stream.linear.scatter [tilespmem:s19], [sflag:$0x3], $0x80, $0x38;
	[tilespmem:$0xA000] =	vst v63  }
0x122: {  	s16 =	sadd.s32 $0x10, s1;
	s19 =	simm.s32 $0x60C8  }
0x123: {  	[hbm4b:s16+s3] =	stream.linear.scatter [tilespmem:s19], [sflag:$0x3], $0x80, $0x38;
	[tilespmem:$0xA000] =	vst v63  }
0x124: {  	s16 =	sadd.s32 $0x20, s1;
	s19 =	simm.s32 $0x6150  }
0x125: {  	[hbm4b:s16+s3] =	stream.linear.scatter [tilespmem:s19], [sflag:$0x3], $0x80, $0x38;
	[tilespmem:$0xA000] =	vst v63  }
0x126: {  	s16 =	sadd.s32 $0x30, s1;
	s19 =	simm.s32 $0x61D8  }
0x127: {  	[hbm4b:s16+s3] =	stream.linear.scatter [tilespmem:s19], [sflag:$0x3], $0x80, $0x38;
	[tilespmem:$0xA000] =	vst v63  }
0x128: {  	s16 =	sadd.s32 $0x40, s1;
	s19 =	simm.s32 $0x6260  }
0x129: {  	[hbm4b:s16+s3] =	stream.linear.scatter [tilespmem:s19], [sflag:$0x3], $0x80, $0x38;
	[tilespmem:$0xA000] =	vst v63  }
0x12a: {  	s16 =	sadd.s32 $0x50, s1;
	s19 =	simm.s32 $0x62E8  }
0x12b: {  	[hbm4b:s16+s3] =	stream.linear.scatter [tilespmem:s19], [sflag:$0x3], $0x80, $0x38;
	[tilespmem:$0xA000] =	vst v63  }
0x12c: {  	s16 =	sadd.s32 $0x60, s1;
	s19 =	simm.s32 $0x6370  }
0x12d: {  	[hbm4b:s16+s3] =	stream.linear.scatter [tilespmem:s19], [sflag:$0x3], $0x80, $0x38;
	[tilespmem:$0xA000] =	vst v63  }
0x12e: {  	s1 =	sadd.s32 $0x70, s1;
	s16 =	simm.s32 $0x63F8  }
0x12f: {  	[hbm4b:s1+s3] =	stream.linear.scatter [tilespmem:s16], [sflag:$0x3], $0x80, $0x38;
	[tilespmem:$0xA000] =	vst v63  }
0x130: {  	s19 =	simm.s32 $0x6480;
	s1 =	sadd.s32 s0, s8  }
0x131: {  	[hbm4b:s1+s3] =	stream.linear.scatter [tilespmem:s19], [sflag:$0x3], $0x80, $0x38;
	[tilespmem:$0xA000] =	vst v63  }
0x132: {  	s16 =	sadd.s32 $0x10, s1;
	s19 =	simm.s32 $0x6508  }
0x133: {  	[hbm4b:s16+s3] =	stream.linear.scatter [tilespmem:s19], [sflag:$0x3], $0x80, $0x38;
	[tilespmem:$0xA000] =	vst v63  }
0x134: {  	s16 =	sadd.s32 $0x20, s1;
	s19 =	simm.s32 $0x6590  }
0x135: {  	[hbm4b:s16+s3] =	stream.linear.scatter [tilespmem:s19], [sflag:$0x3], $0x80, $0x38;
	[tilespmem:$0xA000] =	vst v63  }
0x136: {  	s16 =	sadd.s32 $0x30, s1;
	s19 =	simm.s32 $0x6618  }
0x137: {  	[hbm4b:s16+s3] =	stream.linear.scatter [tilespmem:s19], [sflag:$0x3], $0x80, $0x38;
	[tilespmem:$0xA000] =	vst v63  }
0x138: {  	s16 =	sadd.s32 $0x40, s1;
	s19 =	simm.s32 $0x66A0  }
0x139: {  	[hbm4b:s16+s3] =	stream.linear.scatter [tilespmem:s19], [sflag:$0x3], $0x80, $0x38;
	[tilespmem:$0xA000] =	vst v63  }
0x13a: {  	s16 =	sadd.s32 $0x50, s1;
	s19 =	simm.s32 $0x6728  }
0x13b: {  	[hbm4b:s16+s3] =	stream.linear.scatter [tilespmem:s19], [sflag:$0x3], $0x80, $0x38;
	[tilespmem:$0xA000] =	vst v63  }
0x13c: {  	s16 =	sadd.s32 $0x60, s1;
	s19 =	simm.s32 $0x67B0  }
0x13d: {  	[hbm4b:s16+s3] =	stream.linear.scatter [tilespmem:s19], [sflag:$0x3], $0x80, $0x38;
	[tilespmem:$0xA000] =	vst v63  }
0x13e: {  	s1 =	sadd.s32 $0x70, s1;
	s16 =	simm.s32 $0x6838  }
0x13f: {  	[hbm4b:s1+s3] =	stream.linear.scatter [tilespmem:s16], [sflag:$0x3], $0x80, $0x38;
	[tilespmem:$0xA000] =	vst v63  }
0x140: {  	s19 =	simm.s32 $0x68C0;
	s1 =	sadd.s32 s0, s9  }
0x141: {  	[hbm4b:s1+s3] =	stream.linear.scatter [tilespmem:s19], [sflag:$0x3], $0x80, $0x38;
	[tilespmem:$0xA000] =	vst v63  }
0x142: {  	s16 =	sadd.s32 $0x10, s1;
	s19 =	simm.s32 $0x6948  }
0x143: {  	[hbm4b:s16+s3] =	stream.linear.scatter [tilespmem:s19], [sflag:$0x3], $0x80, $0x38;
	[tilespmem:$0xA000] =	vst v63  }
0x144: {  	s16 =	sadd.s32 $0x20, s1;
	s19 =	simm.s32 $0x69D0  }
0x145: {  	[hbm4b:s16+s3] =	stream.linear.scatter [tilespmem:s19], [sflag:$0x3], $0x80, $0x38;
	[tilespmem:$0xA000] =	vst v63  }
0x146: {  	s16 =	sadd.s32 $0x30, s1;
	s19 =	simm.s32 $0x6A58  }
0x147: {  	[hbm4b:s16+s3] =	stream.linear.scatter [tilespmem:s19], [sflag:$0x3], $0x80, $0x38;
	[tilespmem:$0xA000] =	vst v63  }
0x148: {  	s16 =	sadd.s32 $0x40, s1;
	s19 =	simm.s32 $0x6AE0  }
0x149: {  	[hbm4b:s16+s3] =	stream.linear.scatter [tilespmem:s19], [sflag:$0x3], $0x80, $0x38;
	[tilespmem:$0xA000] =	vst v63  }
0x14a: {  	s16 =	sadd.s32 $0x50, s1;
	s19 =	simm.s32 $0x6B68  }
0x14b: {  	[hbm4b:s16+s3] =	stream.linear.scatter [tilespmem:s19], [sflag:$0x3], $0x80, $0x38;
	[tilespmem:$0xA000] =	vst v63  }
0x14c: {  	s16 =	sadd.s32 $0x60, s1;
	s19 =	simm.s32 $0x6BF0  }
0x14d: {  	[hbm4b:s16+s3] =	stream.linear.scatter [tilespmem:s19], [sflag:$0x3], $0x80, $0x38;
	[tilespmem:$0xA000] =	vst v63  }
0x14e: {  	s1 =	sadd.s32 $0x70, s1;
	s16 =	simm.s32 $0x6C78  }
0x14f: {  	[hbm4b:s1+s3] =	stream.linear.scatter [tilespmem:s16], [sflag:$0x3], $0x80, $0x38;
	[tilespmem:$0xA000] =	vst v63  }
0x150: {  	s19 =	simm.s32 $0x6D00;
	s1 =	sadd.s32 s0, s10  }
0x151: {  	[hbm4b:s1+s3] =	stream.linear.scatter [tilespmem:s19], [sflag:$0x3], $0x80, $0x38;
	[tilespmem:$0xA000] =	vst v63  }
0x152: {  	s16 =	sadd.s32 $0x10, s1;
	s19 =	simm.s32 $0x6D88  }
0x153: {  	[hbm4b:s16+s3] =	stream.linear.scatter [tilespmem:s19], [sflag:$0x3], $0x80, $0x38;
	[tilespmem:$0xA000] =	vst v63  }
0x154: {  	s16 =	sadd.s32 $0x20, s1;
	s19 =	simm.s32 $0x6E10  }
0x155: {  	[hbm4b:s16+s3] =	stream.linear.scatter [tilespmem:s19], [sflag:$0x3], $0x80, $0x38;
	[tilespmem:$0xA000] =	vst v63  }
0x156: {  	s16 =	sadd.s32 $0x30, s1;
	s19 =	simm.s32 $0x6E98  }
0x157: {  	[hbm4b:s16+s3] =	stream.linear.scatter [tilespmem:s19], [sflag:$0x3], $0x80, $0x38;
	[tilespmem:$0xA000] =	vst v63  }
0x158: {  	s16 =	sadd.s32 $0x40, s1;
	s19 =	simm.s32 $0x6F20  }
0x159: {  	[hbm4b:s16+s3] =	stream.linear.scatter [tilespmem:s19], [sflag:$0x3], $0x80, $0x38;
	[tilespmem:$0xA000] =	vst v63  }
0x15a: {  	s16 =	sadd.s32 $0x50, s1;
	s19 =	simm.s32 $0x6FA8  }
0x15b: {  	[hbm4b:s16+s3] =	stream.linear.scatter [tilespmem:s19], [sflag:$0x3], $0x80, $0x38;
	[tilespmem:$0xA000] =	vst v63  }
0x15c: {  	s16 =	sadd.s32 $0x60, s1;
	s19 =	simm.s32 $0x7030  }
0x15d: {  	[hbm4b:s16+s3] =	stream.linear.scatter [tilespmem:s19], [sflag:$0x3], $0x80, $0x38;
	[tilespmem:$0xA000] =	vst v63  }
0x15e: {  	s1 =	sadd.s32 $0x70, s1;
	s16 =	simm.s32 $0x70B8  }
0x15f: {  	[hbm4b:s1+s3] =	stream.linear.scatter [tilespmem:s16], [sflag:$0x3], $0x80, $0x38;
	[tilespmem:$0xA000] =	vst v63  }
0x160: {  	s19 =	simm.s32 $0x7140;
	s1 =	sadd.s32 s0, s11  }
0x161: {  	[hbm4b:s1+s3] =	stream.linear.scatter [tilespmem:s19], [sflag:$0x3], $0x80, $0x38;
	[tilespmem:$0xA000] =	vst v63  }
0x162: {  	s16 =	sadd.s32 $0x10, s1;
	s19 =	simm.s32 $0x71C8  }
0x163: {  	[hbm4b:s16+s3] =	stream.linear.scatter [tilespmem:s19], [sflag:$0x3], $0x80, $0x38;
	[tilespmem:$0xA000] =	vst v63  }
0x164: {  	s16 =	sadd.s32 $0x20, s1;
	s19 =	simm.s32 $0x7250  }
0x165: {  	[hbm4b:s16+s3] =	stream.linear.scatter [tilespmem:s19], [sflag:$0x3], $0x80, $0x38;
	[tilespmem:$0xA000] =	vst v63  }
0x166: {  	s16 =	sadd.s32 $0x30, s1;
	s19 =	simm.s32 $0x72D8  }
0x167: {  	[hbm4b:s16+s3] =	stream.linear.scatter [tilespmem:s19], [sflag:$0x3], $0x80, $0x38;
	[tilespmem:$0xA000] =	vst v63  }
0x168: {  	s16 =	sadd.s32 $0x40, s1;
	s19 =	simm.s32 $0x7360  }
0x169: {  	[hbm4b:s16+s3] =	stream.linear.scatter [tilespmem:s19], [sflag:$0x3], $0x80, $0x38;
	[tilespmem:$0xA000] =	vst v63  }
0x16a: {  	s16 =	sadd.s32 $0x50, s1;
	s19 =	simm.s32 $0x73E8  }
0x16b: {  	[hbm4b:s16+s3] =	stream.linear.scatter [tilespmem:s19], [sflag:$0x3], $0x80, $0x38;
	[tilespmem:$0xA000] =	vst v63  }
0x16c: {  	s16 =	sadd.s32 $0x60, s1;
	s19 =	simm.s32 $0x7470  }
0x16d: {  	[hbm4b:s16+s3] =	stream.linear.scatter [tilespmem:s19], [sflag:$0x3], $0x80, $0x38;
	[tilespmem:$0xA000] =	vst v63  }
0x16e: {  	s1 =	sadd.s32 $0x70, s1;
	s16 =	simm.s32 $0x74F8  }
0x16f: {  	[hbm4b:s1+s3] =	stream.linear.scatter [tilespmem:s16], [sflag:$0x3], $0x80, $0x38;
	[tilespmem:$0xA000] =	vst v63  }
0x170: {  	s19 =	simm.s32 $0x7580;
	s1 =	sadd.s32 s0, s12  }
0x171: {  	[hbm4b:s1+s3] =	stream.linear.scatter [tilespmem:s19], [sflag:$0x3], $0x80, $0x38;
	[tilespmem:$0xA000] =	vst v63  }
0x172: {  	s16 =	sadd.s32 $0x10, s1;
	s19 =	simm.s32 $0x7608  }
0x173: {  	[hbm4b:s16+s3] =	stream.linear.scatter [tilespmem:s19], [sflag:$0x3], $0x80, $0x38;
	[tilespmem:$0xA000] =	vst v63  }
0x174: {  	s16 =	sadd.s32 $0x20, s1;
	s19 =	simm.s32 $0x7690  }
0x175: {  	[hbm4b:s16+s3] =	stream.linear.scatter [tilespmem:s19], [sflag:$0x3], $0x80, $0x38;
	[tilespmem:$0xA000] =	vst v63  }
0x176: {  	s16 =	sadd.s32 $0x30, s1;
	s19 =	simm.s32 $0x7718  }
0x177: {  	[hbm4b:s16+s3] =	stream.linear.scatter [tilespmem:s19], [sflag:$0x3], $0x80, $0x38;
	[tilespmem:$0xA000] =	vst v63  }
0x178: {  	s16 =	sadd.s32 $0x40, s1;
	s19 =	simm.s32 $0x77A0  }
0x179: {  	[hbm4b:s16+s3] =	stream.linear.scatter [tilespmem:s19], [sflag:$0x3], $0x80, $0x38;
	[tilespmem:$0xA000] =	vst v63  }
0x17a: {  	s16 =	sadd.s32 $0x50, s1;
	s19 =	simm.s32 $0x7828  }
0x17b: {  	[hbm4b:s16+s3] =	stream.linear.scatter [tilespmem:s19], [sflag:$0x3], $0x80, $0x38;
	[tilespmem:$0xA000] =	vst v63  }
0x17c: {  	s16 =	sadd.s32 $0x60, s1;
	s19 =	simm.s32 $0x78B0  }
0x17d: {  	[hbm4b:s16+s3] =	stream.linear.scatter [tilespmem:s19], [sflag:$0x3], $0x80, $0x38;
	[tilespmem:$0xA000] =	vst v63  }
0x17e: {  	s1 =	sadd.s32 $0x70, s1;
	s19 =	simm.s32 $0x7938  }
0x17f: {  	[hbm4b:s1+s3] =	stream.linear.scatter [tilespmem:s19], [sflag:$0x3], $0x80, $0x38;
	[tilespmem:$0xA000] =	vst v63  }
0x180: {  	s15 =	simm.s32 $0x79C0;
	s0 =	sadd.s32 s0, s13  }
0x181: {  	[hbm4b:s0+s3] =	stream.linear.scatter [tilespmem:s15], [sflag:$0x3], $0x80, $0x38;
	[tilespmem:$0xA000] =	vst v63  }
0x182: {  	s16 =	sadd.s32 $0x10, s0;
	s19 =	simm.s32 $0x7A48  }
0x183: {  	[hbm4b:s16+s3] =	stream.linear.scatter [tilespmem:s19], [sflag:$0x3], $0x80, $0x38;
	[tilespmem:$0xA000] =	vst v63  }
0x184: {  	s16 =	sadd.s32 $0x20, s0;
	s19 =	simm.s32 $0x7AD0  }
0x185: {  	[hbm4b:s16+s3] =	stream.linear.scatter [tilespmem:s19], [sflag:$0x3], $0x80, $0x38;
	[tilespmem:$0xA000] =	vst v63  }
0x186: {  	s16 =	sadd.s32 $0x30, s0;
	s19 =	simm.s32 $0x7B58  }
0x187: {  	[hbm4b:s16+s3] =	stream.linear.scatter [tilespmem:s19], [sflag:$0x3], $0x80, $0x38;
	[tilespmem:$0xA000] =	vst v63  }
0x188: {  	s16 =	sadd.s32 $0x40, s0;
	s19 =	simm.s32 $0x7BE0  }
0x189: {  	[hbm4b:s16+s3] =	stream.linear.scatter [tilespmem:s19], [sflag:$0x3], $0x80, $0x38;
	[tilespmem:$0xA000] =	vst v63  }
0x18a: {  	p1 =	sne.s32 s29, $0x18;
	s16 =	sadd.s32 $0x50, s0;
	s19 =	simm.s32 $0x7C68  }
0x18b: {  	[hbm4b:s16+s3] =	stream.linear.scatter [tilespmem:s19], [sflag:$0x3], $0x80, $0x38;
	[tilespmem:$0xA000] =	vst v63  }
.Ltmp1:
0x18c: {  	_ = 	snop;
	(pc) =	sbr.rel @p1 .LBB2_6-.Ltmp1, $4  }
0x18d: {  	s15 =	sadd.s32 $0x60, s0;
	s16 =	simm.s32 $0x7CF0  }
0x18e: {  	[hbm4b:s15+s3] =	stream.linear.scatter [tilespmem:s16], [sflag:$0x3], $0x80, $0x38;
	[tilespmem:$0xA000] =	vst v63  }
0x18f: {  	s0 =	sadd.s32 $0x70, s0;
	s19 =	simm.s32 $0x7D78  }
0x190: {  	[hbm4b:s0+s3] =	stream.linear.scatter [tilespmem:s19], [sflag:$0x3], $0x80, $0x38;
	[tilespmem:$0xA000] =	vst v63  }
.Ltmp2:
0x191: {  	(pc) =	sbr.rel .LBB2_7-.Ltmp2, $4  }
0x192: {  	_ = 	snop  }
0x193: {  	_ =	swait.ge [sflag:s6], $0x2000  }
0x194: {  	[sflag:s6] =	ssyncset.done $0x0  }
0x195: {  	[sflag:s6] =	ssyncadd.s32 $0xFFFFE000  }
.LBB2_6:
0x196: {  	s0 =	sshll.u32 s31, $0x7  }
0x197: {  	s0 =	sadd.s32 $0x100, s0  }
.Ltmp3:
0x198: {  	s1 =	simm.s32 $0x1C00;
	s0 =	sand.u32 $0x3F00, s0;
	(pc) =	sbr.rel @p0 .LBB2_8-.Ltmp3, $4  }
0x199: {  	[tilespmem:s1], [sflag:$0x1] =	stream.indirect.gather [hbm4b:s5+s18], $0x40, s0, s18, $0xb8;
	[tilespmem:$0xA000] =	vst v63  }
0x19a: {  	_ =	swait.ge [sflag:s6], $0x2000  }
0x19b: {  	[sflag:s6] =	ssyncset.done $0x0  }
0x19c: {  	[sflag:s6] =	ssyncadd.s32 $0xFFFFE000  }
.LBB2_7:
0x19d: {  	_ =	swait.ge [sflag:s14], $0x400  }
0x19e: {  	[sflag:s14] =	ssyncset.done $0x0  }
0x19f: {  	[sflag:s14] =	ssyncadd.s32 $0xFFFFFC00  }
0x1a0: {  	_ =	swait.ge [sflag:s14], $0x400  }
0x1a1: {  	[sflag:s14] =	ssyncset.done $0x0  }
0x1a2: {  	[sflag:s14] =	ssyncadd.s32 $0xFFFFFC00  }
0x1a3: {  	_ =	swait.ge [sflag:s14], $0x400  }
0x1a4: {  	[sflag:s14] =	ssyncset.done $0x0  }
0x1a5: {  	[sflag:s14] =	ssyncadd.s32 $0xFFFFFC00  }
0x1a6: {  	_ =	swait.ge [sflag:s14], $0x400  }
0x1a7: {  	[sflag:s14] =	ssyncset.done $0x0  }
0x1a8: {  	[sflag:s14] =	ssyncadd.s32 $0xFFFFFC00  }
0x1a9: {  	_ =	swait.ge [sflag:s14], $0x400  }
0x1aa: {  	[sflag:s14] =	ssyncset.done $0x0  }
0x1ab: {  	[sflag:s14] =	ssyncadd.s32 $0xFFFFFC00  }
0x1ac: {  	_ =	swait.ge [sflag:s14], $0x400  }
0x1ad: {  	[sflag:s14] =	ssyncset.done $0x0  }
0x1ae: {  	[sflag:s14] =	ssyncadd.s32 $0xFFFFFC00  }
0x1af: {  	_ =	swait.ge [sflag:s14], $0x400  }
0x1b0: {  	[sflag:s14] =	ssyncset.done $0x0  }
0x1b1: {  	[sflag:s14] =	ssyncadd.s32 $0xFFFFFC00  }
0x1b2: {  	_ =	swait.ge [sflag:s14], $0x400  }
0x1b3: {  	[sflag:s14] =	ssyncset.done $0x0  }
0x1b4: {  	[sflag:s14] =	ssyncadd.s32 $0xFFFFFC00  }
.LBB2_8:
0x1b5: {  	s0 =	simm.s32 $0x0  }
0x1b6: {  	v33 =	vmov s0  }
0x1b7: {  	v33 =	vshrl.u32 v33, $0x3  }
0x1b8: {  	v33 =	vshll.u32 v33, v1  }
0x1b9: {  	v33 =	vbroadcast v33, $0x0  }
0x1ba: {  	s0 =	simm.s32 $0x3DF0  }
0x1bb: {  	v34 =	vld [tilespmem:s0+$0xFFFFFE10];
	v35 =	vadd.s32 v0, v33  }
0x1bc: {  	v36 =	vld [tilespmem:s0+$0xFFFFFE20];
	v37 =	vadd.s32 v2, v33  }
0x1bd: {  	v38 =	vld [tilespmem:s0+$0xFFFFFE30];
	v39 =	vadd.s32 v3, v33  }
0x1be: {  	s1 =	simm.s32 $0x1;
	v40 =	vld [tilespmem:s0+$0xFFFFFE40];
	v33 =	vadd.s32 v4, v33  }
0x1bf: {  	v41 =	vmov s1  }
0x1c0: {  	v47 =	vshrl.u32 v41, $0x3;
	[tilespmem:v35+s17+$0x0] =	vst.idx.msk $0xffff, v34  }
0x1c1: {  	v34 =	vshll.u32 v47, v1;
	[tilespmem:v37+s17+$0x0] =	vst.idx.msk $0xffff, v36  }
0x1c2: {  	v34 =	vbroadcast v34, $0x0;
	[tilespmem:v39+s17+$0x0] =	vst.idx.msk $0xffff, v38  }
0x1c3: {  	[tilespmem:v33+s17+$0x0] =	vst.idx.msk $0xffff, v40  }
0x1c4: {  	v48 =	vadd.s32 v5, v34;
	v33 =	vld [tilespmem:s0+$0xFFFFFE50]  }
0x1c5: {  	v49 =	vadd.s32 v6, v34;
	v36 =	vld [tilespmem:s0+$0xFFFFFE60]  }
0x1c6: {  	v50 =	vadd.s32 v7, v34;
	v38 =	vld [tilespmem:s0+$0xFFFFFE70]  }
0x1c7: {  	s16 =	simm.s32 $0x2;
	v34 =	vadd.s32 v8, v34;
	v40 =	vld [tilespmem:s0+$0xFFFFFE80]  }
0x1c8: {  	v51 =	vmov s16  }
0x1c9: {  	v52 =	vshrl.u32 v51, $0x3;
	[tilespmem:v48+s17+$0x0] =	vst.idx.msk $0xffff, v33  }
0x1ca: {  	v33 =	vshll.u32 v52, v1;
	[tilespmem:v49+s17+$0x0] =	vst.idx.msk $0xffff, v36  }
0x1cb: {  	v33 =	vbroadcast v33, $0x0;
	[tilespmem:v50+s17+$0x0] =	vst.idx.msk $0xffff, v38  }
0x1cc: {  	[tilespmem:v34+s17+$0x0] =	vst.idx.msk $0xffff, v40  }
0x1cd: {  	v53 =	vadd.s32 v9, v33;
	v34 =	vld [tilespmem:s0+$0xFFFFFE90]  }
0x1ce: {  	v54 =	vadd.s32 v10, v33;
	v36 =	vld [tilespmem:s0+$0xFFFFFEA0]  }
0x1cf: {  	v55 =	vadd.s32 v11, v33;
	v38 =	vld [tilespmem:s0+$0xFFFFFEB0]  }
0x1d0: {  	s19 =	simm.s32 $0x3;
	v33 =	vadd.s32 v12, v33;
	v40 =	vld [tilespmem:s0+$0xFFFFFEC0]  }
0x1d1: {  	v56 =	vmov s19  }
0x1d2: {  	v57 =	vshrl.u32 v56, $0x3;
	[tilespmem:v53+s17+$0x0] =	vst.idx.msk $0xffff, v34  }
0x1d3: {  	v34 =	vshll.u32 v57, v1;
	[tilespmem:v54+s17+$0x0] =	vst.idx.msk $0xffff, v36  }
0x1d4: {  	v34 =	vbroadcast v34, $0x0;
	[tilespmem:v55+s17+$0x0] =	vst.idx.msk $0xffff, v38  }
0x1d5: {  	[tilespmem:v33+s17+$0x0] =	vst.idx.msk $0xffff, v40  }
0x1d6: {  	v58 =	vadd.s32 v13, v34;
	v33 =	vld [tilespmem:s0+$0xFFFFFED0]  }
0x1d7: {  	v59 =	vadd.s32 v14, v34;
	v36 =	vld [tilespmem:s0+$0xFFFFFEE0]  }
0x1d8: {  	v60 =	vadd.s32 v15, v34;
	v38 =	vld [tilespmem:s0+$0xFFFFFEF0]  }
0x1d9: {  	s31 =	simm.s32 $0x4;
	v34 =	vadd.s32 v16, v34;
	v40 =	vld [tilespmem:s0+$0xFFFFFF00]  }
0x1da: {  	v61 =	vmov s31  }
0x1db: {  	v62 =	vshrl.u32 v61, $0x3;
	[tilespmem:v58+s17+$0x0] =	vst.idx.msk $0xffff, v33  }
0x1dc: {  	v33 =	vshll.u32 v62, v1;
	[tilespmem:v59+s17+$0x0] =	vst.idx.msk $0xffff, v36  }
0x1dd: {  	v33 =	vbroadcast v33, $0x0;
	[tilespmem:v60+s17+$0x0] =	vst.idx.msk $0xffff, v38  }
0x1de: {  	[tilespmem:v34+s17+$0x0] =	vst.idx.msk $0xffff, v40  }
0x1df: {  	v63 =	vadd.s32 v17, v33;
	v34 =	vld [tilespmem:s0+$0xFFFFFF10]  }
0x1e0: {  	v44 =	vadd.s32 v18, v33;
	v36 =	vld [tilespmem:s0+$0xFFFFFF20]  }
0x1e1: {  	v45 =	vadd.s32 v19, v33;
	v38 =	vld [tilespmem:s0+$0xFFFFFF30]  }
0x1e2: {  	s15 =	simm.s32 $0x5;
	v33 =	vadd.s32 v20, v33;
	v40 =	vld [tilespmem:s0+$0xFFFFFF40]  }
0x1e3: {  	v46 =	vmov s15  }
0x1e4: {  	v47 =	vshrl.u32 v46, $0x3;
	[tilespmem:v63+s17+$0x0] =	vst.idx.msk $0xffff, v34  }
0x1e5: {  	v34 =	vshll.u32 v47, v1;
	[tilespmem:v44+s17+$0x0] =	vst.idx.msk $0xffff, v36  }
0x1e6: {  	v34 =	vbroadcast v34, $0x0;
	[tilespmem:v45+s17+$0x0] =	vst.idx.msk $0xffff, v38  }
0x1e7: {  	[tilespmem:v33+s17+$0x0] =	vst.idx.msk $0xffff, v40  }
0x1e8: {  	v48 =	vadd.s32 v21, v34;
	v33 =	vld [tilespmem:s0+$0xFFFFFF50]  }
0x1e9: {  	v49 =	vadd.s32 v22, v34;
	v36 =	vld [tilespmem:s0+$0xFFFFFF60]  }
0x1ea: {  	v50 =	vadd.s32 v23, v34;
	v38 =	vld [tilespmem:s0+$0xFFFFFF70]  }
0x1eb: {  	s16 =	simm.s32 $0x6;
	v34 =	vadd.s32 v24, v34;
	v40 =	vld [tilespmem:s0+$0xFFFFFF80]  }
0x1ec: {  	v51 =	vmov s16  }
0x1ed: {  	v52 =	vshrl.u32 v51, $0x3;
	[tilespmem:v48+s17+$0x0] =	vst.idx.msk $0xffff, v33  }
0x1ee: {  	v33 =	vshll.u32 v52, v1;
	[tilespmem:v49+s17+$0x0] =	vst.idx.msk $0xffff, v36  }
0x1ef: {  	v33 =	vbroadcast v33, $0x0;
	[tilespmem:v50+s17+$0x0] =	vst.idx.msk $0xffff, v38  }
0x1f0: {  	[tilespmem:v34+s17+$0x0] =	vst.idx.msk $0xffff, v40  }
0x1f1: {  	v53 =	vadd.s32 v25, v33;
	v34 =	vld [tilespmem:s0+$0xFFFFFF90]  }
0x1f2: {  	v54 =	vadd.s32 v26, v33;
	v36 =	vld [tilespmem:s0+$0xFFFFFFA0]  }
0x1f3: {  	v55 =	vadd.s32 v27, v33;
	v38 =	vld [tilespmem:s0+$0xFFFFFFB0]  }
0x1f4: {  	s19 =	simm.s32 $0x7;
	v33 =	vadd.s32 v28, v33;
	v40 =	vld [tilespmem:s0+$0xFFFFFFC0]  }
0x1f5: {  	v56 =	vmov s19  }
0x1f6: {  	v57 =	vshrl.u32 v56, $0x3;
	[tilespmem:v53+s17+$0x0] =	vst.idx.msk $0xffff, v34  }
0x1f7: {  	v34 =	vshll.u32 v57, v1;
	[tilespmem:v54+s17+$0x0] =	vst.idx.msk $0xffff, v36  }
0x1f8: {  	v58 =	vbroadcast v34, $0x0;
	[tilespmem:v55+s17+$0x0] =	vst.idx.msk $0xffff, v38  }
0x1f9: {  	[tilespmem:v33+s17+$0x0] =	vst.idx.msk $0xffff, v40  }
0x1fa: {  	v59 =	vadd.s32 v29, v58;
	v33 =	vld [tilespmem:s0+$0xFFFFFFD0]  }
0x1fb: {  	v60 =	vadd.s32 v30, v58;
	v37 =	vld [tilespmem:s0+$0xFFFFFFE0]  }
0x1fc: {  	v61 =	vadd.s32 v31, v58;
	v39 =	vld [tilespmem:s0+$0xFFFFFFF0]  }
0x1fd: {  	s31 =	simm.s32 $0x8  }
0x1fe: {  	v62 =	vmov s31;
	v35 =	vadd.s32 v32, v58;
	v34 =	vld [tilespmem:s0+$0x0]  }
0x1ff: {  	v41 =	vshrl.u32 v62, $0x3;
	[tilespmem:v59+s17+$0x0] =	vst.idx.msk $0xffff, v33  }
0x200: {  	v63 =	vshll.u32 v41, v1;
	[tilespmem:v60+s17+$0x0] =	vst.idx.msk $0xffff, v37  }
0x201: {  	s1 =	simm.s32 $0xF;
	s15 =	simm.s32 $0x17;
	v33 =	vbroadcast v63, $0x0;
	[tilespmem:v61+s17+$0x0] =	vst.idx.msk $0xffff, v39  }
.LBB2_9:
0x202: {  	p0 =	sne.s32 s15, $0x7F  }
0x203: {  	[tilespmem:v35+s17+$0x0] =	vst.idx.msk $0xffff, v34;
	s0 =	sadd.s32 $0x200, s0;
	s16 =	smov.u32 s15;
	s15 =	sadd.s32 $0x8, s15  }
0x204: {  	v34 =	vld [tilespmem:s0+$0xFFFFFE10];
	v35 =	vadd.s32 v0, v33  }
0x205: {  	v37 =	vadd.s32 v2, v33;
	v36 =	vld [tilespmem:s0+$0xFFFFFE20]  }
0x206: {  	v39 =	vadd.s32 v3, v33;
	v38 =	vld [tilespmem:s0+$0xFFFFFE30]  }
0x207: {  	s19 =	sadd.s32 $0xFFFFFFFA, s1;
	v33 =	vadd.s32 v4, v33;
	v40 =	vld [tilespmem:s0+$0xFFFFFE40]  }
0x208: {  	v41 =	vmov s19  }
0x209: {  	[tilespmem:v35+s17+$0x0] =	vst.idx.msk $0xffff, v34;
	v34 =	vshrl.u32 v41, $0x3  }
0x20a: {  	[tilespmem:v37+s17+$0x0] =	vst.idx.msk $0xffff, v36;
	v34 =	vshll.u32 v34, v1  }
0x20b: {  	[tilespmem:v39+s17+$0x0] =	vst.idx.msk $0xffff, v38;
	v34 =	vbroadcast v34, $0x0  }
0x20c: {  	[tilespmem:v33+s17+$0x0] =	vst.idx.msk $0xffff, v40  }
0x20d: {  	v33 =	vld [tilespmem:s0+$0xFFFFFE50];
	v35 =	vadd.s32 v5, v34  }
0x20e: {  	v37 =	vadd.s32 v6, v34;
	v36 =	vld [tilespmem:s0+$0xFFFFFE60]  }
0x20f: {  	v39 =	vadd.s32 v7, v34;
	v38 =	vld [tilespmem:s0+$0xFFFFFE70]  }
0x210: {  	s19 =	sadd.s32 $0xFFFFFFFB, s1;
	v34 =	vadd.s32 v8, v34;
	v40 =	vld [tilespmem:s0+$0xFFFFFE80]  }
0x211: {  	v41 =	vmov s19  }
0x212: {  	[tilespmem:v35+s17+$0x0] =	vst.idx.msk $0xffff, v33;
	v33 =	vshrl.u32 v41, $0x3  }
0x213: {  	[tilespmem:v37+s17+$0x0] =	vst.idx.msk $0xffff, v36;
	v33 =	vshll.u32 v33, v1  }
0x214: {  	[tilespmem:v39+s17+$0x0] =	vst.idx.msk $0xffff, v38;
	v33 =	vbroadcast v33, $0x0  }
0x215: {  	[tilespmem:v34+s17+$0x0] =	vst.idx.msk $0xffff, v40  }
0x216: {  	v34 =	vld [tilespmem:s0+$0xFFFFFE90];
	v35 =	vadd.s32 v9, v33  }
0x217: {  	v37 =	vadd.s32 v10, v33;
	v36 =	vld [tilespmem:s0+$0xFFFFFEA0]  }
0x218: {  	v39 =	vadd.s32 v11, v33;
	v38 =	vld [tilespmem:s0+$0xFFFFFEB0]  }
0x219: {  	s19 =	sadd.s32 $0xFFFFFFFC, s1;
	v33 =	vadd.s32 v12, v33;
	v40 =	vld [tilespmem:s0+$0xFFFFFEC0]  }
0x21a: {  	v41 =	vmov s19  }
0x21b: {  	[tilespmem:v35+s17+$0x0] =	vst.idx.msk $0xffff, v34;
	v34 =	vshrl.u32 v41, $0x3  }
0x21c: {  	[tilespmem:v37+s17+$0x0] =	vst.idx.msk $0xffff, v36;
	v34 =	vshll.u32 v34, v1  }
0x21d: {  	[tilespmem:v39+s17+$0x0] =	vst.idx.msk $0xffff, v38;
	v34 =	vbroadcast v34, $0x0  }
0x21e: {  	[tilespmem:v33+s17+$0x0] =	vst.idx.msk $0xffff, v40  }
0x21f: {  	v33 =	vld [tilespmem:s0+$0xFFFFFED0];
	v35 =	vadd.s32 v13, v34  }
0x220: {  	v37 =	vadd.s32 v14, v34;
	v36 =	vld [tilespmem:s0+$0xFFFFFEE0]  }
0x221: {  	v39 =	vadd.s32 v15, v34;
	v38 =	vld [tilespmem:s0+$0xFFFFFEF0]  }
0x222: {  	s19 =	sadd.s32 $0xFFFFFFFD, s1;
	v34 =	vadd.s32 v16, v34;
	v40 =	vld [tilespmem:s0+$0xFFFFFF00]  }
0x223: {  	v41 =	vmov s19  }
0x224: {  	[tilespmem:v35+s17+$0x0] =	vst.idx.msk $0xffff, v33;
	v33 =	vshrl.u32 v41, $0x3  }
0x225: {  	[tilespmem:v37+s17+$0x0] =	vst.idx.msk $0xffff, v36;
	v33 =	vshll.u32 v33, v1  }
0x226: {  	[tilespmem:v39+s17+$0x0] =	vst.idx.msk $0xffff, v38;
	v33 =	vbroadcast v33, $0x0  }
0x227: {  	[tilespmem:v34+s17+$0x0] =	vst.idx.msk $0xffff, v40  }
0x228: {  	v34 =	vld [tilespmem:s0+$0xFFFFFF10];
	v35 =	vadd.s32 v17, v33  }
0x229: {  	v37 =	vadd.s32 v18, v33;
	v36 =	vld [tilespmem:s0+$0xFFFFFF20]  }
0x22a: {  	v39 =	vadd.s32 v19, v33;
	v38 =	vld [tilespmem:s0+$0xFFFFFF30]  }
0x22b: {  	s19 =	sadd.s32 $0xFFFFFFFE, s1;
	v33 =	vadd.s32 v20, v33;
	v40 =	vld [tilespmem:s0+$0xFFFFFF40]  }
0x22c: {  	v41 =	vmov s19  }
0x22d: {  	[tilespmem:v35+s17+$0x0] =	vst.idx.msk $0xffff, v34;
	v34 =	vshrl.u32 v41, $0x3  }
0x22e: {  	[tilespmem:v37+s17+$0x0] =	vst.idx.msk $0xffff, v36;
	v34 =	vshll.u32 v34, v1  }
0x22f: {  	[tilespmem:v39+s17+$0x0] =	vst.idx.msk $0xffff, v38;
	v34 =	vbroadcast v34, $0x0  }
0x230: {  	[tilespmem:v33+s17+$0x0] =	vst.idx.msk $0xffff, v40  }
0x231: {  	v33 =	vld [tilespmem:s0+$0xFFFFFF50];
	v35 =	vadd.s32 v21, v34  }
0x232: {  	v37 =	vadd.s32 v22, v34;
	v36 =	vld [tilespmem:s0+$0xFFFFFF60]  }
0x233: {  	v39 =	vadd.s32 v23, v34;
	v38 =	vld [tilespmem:s0+$0xFFFFFF70]  }
0x234: {  	s19 =	sadd.s32 $0xFFFFFFFF, s1;
	v34 =	vadd.s32 v24, v34;
	v40 =	vld [tilespmem:s0+$0xFFFFFF80]  }
0x235: {  	v41 =	vmov s19  }
0x236: {  	[tilespmem:v35+s17+$0x0] =	vst.idx.msk $0xffff, v33;
	v33 =	vshrl.u32 v41, $0x3  }
0x237: {  	[tilespmem:v37+s17+$0x0] =	vst.idx.msk $0xffff, v36;
	v33 =	vshll.u32 v33, v1  }
0x238: {  	[tilespmem:v39+s17+$0x0] =	vst.idx.msk $0xffff, v38;
	v33 =	vbroadcast v33, $0x0  }
0x239: {  	[tilespmem:v34+s17+$0x0] =	vst.idx.msk $0xffff, v40  }
0x23a: {  	v34 =	vld [tilespmem:s0+$0xFFFFFF90];
	v35 =	vadd.s32 v25, v33  }
0x23b: {  	v37 =	vadd.s32 v26, v33;
	v36 =	vld [tilespmem:s0+$0xFFFFFFA0]  }
0x23c: {  	v39 =	vadd.s32 v27, v33;
	v38 =	vld [tilespmem:s0+$0xFFFFFFB0]  }
0x23d: {  	v33 =	vadd.s32 v28, v33;
	v40 =	vld [tilespmem:s0+$0xFFFFFFC0]  }
0x23e: {  	v41 =	vmov s1;
	s1 =	smov.u32 s16  }
0x23f: {  	[tilespmem:v35+s17+$0x0] =	vst.idx.msk $0xffff, v34;
	v34 =	vshrl.u32 v41, $0x3  }
0x240: {  	[tilespmem:v37+s17+$0x0] =	vst.idx.msk $0xffff, v36;
	v34 =	vshll.u32 v34, v1  }
0x241: {  	[tilespmem:v39+s17+$0x0] =	vst.idx.msk $0xffff, v38;
	v35 =	vbroadcast v34, $0x0  }
0x242: {  	[tilespmem:v33+s17+$0x0] =	vst.idx.msk $0xffff, v40  }
0x243: {  	v33 =	vld [tilespmem:s0+$0xFFFFFFD0];
	v36 =	vadd.s32 v29, v35  }
0x244: {  	v38 =	vadd.s32 v30, v35;
	v37 =	vld [tilespmem:s0+$0xFFFFFFE0]  }
0x245: {  	v40 =	vadd.s32 v31, v35;
	v39 =	vld [tilespmem:s0+$0xFFFFFFF0]  }
.Ltmp4:
0x246: {  	s16 =	sadd.s32 $0xFFFFFFF9, s1;
	v35 =	vadd.s32 v32, v35;
	v34 =	vld [tilespmem:s0+$0x0];
	(pc) =	sbr.rel @p0 .LBB2_9-.Ltmp4, $4  }
0x247: {  	v41 =	vmov s16  }
0x248: {  	v41 =	vshrl.u32 v41, $0x3;
	[tilespmem:v36+s17+$0x0] =	vst.idx.msk $0xffff, v33  }
0x249: {  	v33 =	vshll.u32 v41, v1;
	[tilespmem:v38+s17+$0x0] =	vst.idx.msk $0xffff, v37  }
0x24a: {  	v33 =	vbroadcast v33, $0x0;
	[tilespmem:v40+s17+$0x0] =	vst.idx.msk $0xffff, v39  }
0x24b: {  	_ =	sdelay $0x3  }
0x24c: {  	[tilespmem:v35+s17+$0x0] =	vst.idx.msk $0xffff, v34;
	s0 =	sadd.s32 $0x200, s0  }
0x24d: {  	v34 =	vld [tilespmem:s0+$0xFFFFFE10];
	v48 =	vadd.s32 v0, v33  }
0x24e: {  	v36 =	vld [tilespmem:s0+$0xFFFFFE20];
	v37 =	vadd.s32 v2, v33  }
0x24f: {  	v38 =	vld [tilespmem:s0+$0xFFFFFE30];
	v39 =	vadd.s32 v3, v33  }
0x250: {  	s15 =	sadd.s32 $0xFFFFFFFA, s1;
	v40 =	vld [tilespmem:s0+$0xFFFFFE40];
	v49 =	vadd.s32 v4, v33  }
0x251: {  	v41 =	vmov s15  }
0x252: {  	v50 =	vshrl.u32 v41, $0x3;
	[tilespmem:v48+s17+$0x0] =	vst.idx.msk $0xffff, v34  }
0x253: {  	v34 =	vshll.u32 v50, v1;
	[tilespmem:v37+s17+$0x0] =	vst.idx.msk $0xffff, v36  }
0x254: {  	v34 =	vbroadcast v34, $0x0;
	[tilespmem:v39+s17+$0x0] =	vst.idx.msk $0xffff, v38  }
0x255: {  	[tilespmem:v49+s17+$0x0] =	vst.idx.msk $0xffff, v40  }
0x256: {  	v51 =	vadd.s32 v5, v34;
	v33 =	vld [tilespmem:s0+$0xFFFFFE50]  }
0x257: {  	v52 =	vadd.s32 v6, v34;
	v36 =	vld [tilespmem:s0+$0xFFFFFE60]  }
0x258: {  	v53 =	vadd.s32 v7, v34;
	v38 =	vld [tilespmem:s0+$0xFFFFFE70]  }
0x259: {  	s19 =	sadd.s32 $0xFFFFFFFB, s1;
	v34 =	vadd.s32 v8, v34;
	v40 =	vld [tilespmem:s0+$0xFFFFFE80]  }
0x25a: {  	v54 =	vmov s19  }
0x25b: {  	v55 =	vshrl.u32 v54, $0x3;
	[tilespmem:v51+s17+$0x0] =	vst.idx.msk $0xffff, v33  }
0x25c: {  	v33 =	vshll.u32 v55, v1;
	[tilespmem:v52+s17+$0x0] =	vst.idx.msk $0xffff, v36  }
0x25d: {  	v33 =	vbroadcast v33, $0x0;
	[tilespmem:v53+s17+$0x0] =	vst.idx.msk $0xffff, v38  }
0x25e: {  	[tilespmem:v34+s17+$0x0] =	vst.idx.msk $0xffff, v40  }
0x25f: {  	v56 =	vadd.s32 v9, v33;
	v34 =	vld [tilespmem:s0+$0xFFFFFE90]  }
0x260: {  	v57 =	vadd.s32 v10, v33;
	v36 =	vld [tilespmem:s0+$0xFFFFFEA0]  }
0x261: {  	v58 =	vadd.s32 v11, v33;
	v38 =	vld [tilespmem:s0+$0xFFFFFEB0]  }
0x262: {  	s31 =	sadd.s32 $0xFFFFFFFC, s1;
	v33 =	vadd.s32 v12, v33;
	v40 =	vld [tilespmem:s0+$0xFFFFFEC0]  }
0x263: {  	v59 =	vmov s31  }
0x264: {  	v60 =	vshrl.u32 v59, $0x3;
	[tilespmem:v56+s17+$0x0] =	vst.idx.msk $0xffff, v34  }
0x265: {  	v34 =	vshll.u32 v60, v1;
	[tilespmem:v57+s17+$0x0] =	vst.idx.msk $0xffff, v36  }
0x266: {  	v34 =	vbroadcast v34, $0x0;
	[tilespmem:v58+s17+$0x0] =	vst.idx.msk $0xffff, v38  }
0x267: {  	[tilespmem:v33+s17+$0x0] =	vst.idx.msk $0xffff, v40  }
0x268: {  	v61 =	vadd.s32 v13, v34;
	v33 =	vld [tilespmem:s0+$0xFFFFFED0]  }
0x269: {  	v62 =	vadd.s32 v14, v34;
	v36 =	vld [tilespmem:s0+$0xFFFFFEE0]  }
0x26a: {  	v63 =	vadd.s32 v15, v34;
	v38 =	vld [tilespmem:s0+$0xFFFFFEF0]  }
0x26b: {  	s16 =	sadd.s32 $0xFFFFFFFD, s1;
	v34 =	vadd.s32 v16, v34;
	v40 =	vld [tilespmem:s0+$0xFFFFFF00]  }
0x26c: {  	v44 =	vmov s16  }
0x26d: {  	v45 =	vshrl.u32 v44, $0x3;
	[tilespmem:v61+s17+$0x0] =	vst.idx.msk $0xffff, v33  }
0x26e: {  	v33 =	vshll.u32 v45, v1;
	[tilespmem:v62+s17+$0x0] =	vst.idx.msk $0xffff, v36  }
0x26f: {  	v33 =	vbroadcast v33, $0x0;
	[tilespmem:v63+s17+$0x0] =	vst.idx.msk $0xffff, v38  }
0x270: {  	[tilespmem:v34+s17+$0x0] =	vst.idx.msk $0xffff, v40  }
0x271: {  	v46 =	vadd.s32 v17, v33;
	v34 =	vld [tilespmem:s0+$0xFFFFFF10]  }
0x272: {  	v47 =	vadd.s32 v18, v33;
	v36 =	vld [tilespmem:s0+$0xFFFFFF20]  }
0x273: {  	v48 =	vadd.s32 v19, v33;
	v38 =	vld [tilespmem:s0+$0xFFFFFF30]  }
0x274: {  	s19 =	sadd.s32 $0xFFFFFFFE, s1;
	v33 =	vadd.s32 v20, v33;
	v40 =	vld [tilespmem:s0+$0xFFFFFF40]  }
0x275: {  	v49 =	vmov s19  }
0x276: {  	v50 =	vshrl.u32 v49, $0x3;
	[tilespmem:v46+s17+$0x0] =	vst.idx.msk $0xffff, v34  }
0x277: {  	v34 =	vshll.u32 v50, v1;
	[tilespmem:v47+s17+$0x0] =	vst.idx.msk $0xffff, v36  }
0x278: {  	v34 =	vbroadcast v34, $0x0;
	[tilespmem:v48+s17+$0x0] =	vst.idx.msk $0xffff, v38  }
0x279: {  	[tilespmem:v33+s17+$0x0] =	vst.idx.msk $0xffff, v40  }
0x27a: {  	v51 =	vadd.s32 v21, v34;
	v33 =	vld [tilespmem:s0+$0xFFFFFF50]  }
0x27b: {  	v52 =	vadd.s32 v22, v34;
	v36 =	vld [tilespmem:s0+$0xFFFFFF60]  }
0x27c: {  	v53 =	vadd.s32 v23, v34;
	v38 =	vld [tilespmem:s0+$0xFFFFFF70]  }
0x27d: {  	s31 =	sadd.s32 $0xFFFFFFFF, s1;
	v34 =	vadd.s32 v24, v34;
	v40 =	vld [tilespmem:s0+$0xFFFFFF80]  }
0x27e: {  	v54 =	vmov s31  }
0x27f: {  	v55 =	vshrl.u32 v54, $0x3;
	[tilespmem:v51+s17+$0x0] =	vst.idx.msk $0xffff, v33  }
0x280: {  	v33 =	vshll.u32 v55, v1;
	[tilespmem:v52+s17+$0x0] =	vst.idx.msk $0xffff, v36  }
0x281: {  	v33 =	vbroadcast v33, $0x0;
	[tilespmem:v53+s17+$0x0] =	vst.idx.msk $0xffff, v38  }
0x282: {  	[tilespmem:v34+s17+$0x0] =	vst.idx.msk $0xffff, v40  }
0x283: {  	v56 =	vadd.s32 v25, v33;
	v34 =	vld [tilespmem:s0+$0xFFFFFF90]  }
0x284: {  	v57 =	vadd.s32 v26, v33;
	v36 =	vld [tilespmem:s0+$0xFFFFFFA0]  }
0x285: {  	v58 =	vadd.s32 v27, v33;
	v38 =	vld [tilespmem:s0+$0xFFFFFFB0]  }
0x286: {  	v33 =	vadd.s32 v28, v33;
	v40 =	vld [tilespmem:s0+$0xFFFFFFC0]  }
0x287: {  	v59 =	vmov s1  }
0x288: {  	v60 =	vshrl.u32 v59, $0x3;
	[tilespmem:v56+s17+$0x0] =	vst.idx.msk $0xffff, v34  }
0x289: {  	v34 =	vshll.u32 v60, v1;
	[tilespmem:v57+s17+$0x0] =	vst.idx.msk $0xffff, v36  }
0x28a: {  	v34 =	vbroadcast v34, $0x0;
	[tilespmem:v58+s17+$0x0] =	vst.idx.msk $0xffff, v38  }
0x28b: {  	[tilespmem:v33+s17+$0x0] =	vst.idx.msk $0xffff, v40  }
0x28c: {  	v61 =	vadd.s32 v29, v34;
	v33 =	vld [tilespmem:s0+$0xFFFFFFD0]  }
0x28d: {  	v62 =	vadd.s32 v30, v34;
	v36 =	vld [tilespmem:s0+$0xFFFFFFE0]  }
0x28e: {  	v63 =	vadd.s32 v31, v34;
	v38 =	vld [tilespmem:s0+$0xFFFFFFF0]  }
0x28f: {  	v34 =	vadd.s32 v32, v34;
	v40 =	vld [tilespmem:s0+$0x0];
	_ =	sdelay $0x1  }
0x290: {  	s16 =	sshll.u32 s30, $0x12;
	[tilespmem:v61+s17+$0x0] =	vst.idx.msk $0xffff, v33  }
0x291: {  	s0 =	sor.u32 s4, s16;
	[tilespmem:v62+s17+$0x0] =	vst.idx.msk $0xffff, v36  }
0x292: {  	s0 =	sshrl.u32 s0, $0x3;
	[tilespmem:v63+s17+$0x0] =	vst.idx.msk $0xffff, v38  }
0x293: {  	s1 =	sadd.s32 s2, s0;
	[tilespmem:v34+s17+$0x0] =	vst.idx.msk $0xffff, v40  }
0x294: {  	[hbm4b:s1+s3] =	stream.linear.scatter [tilespmem:s17], [sflag:$0x3], $0x80, $0x38;
	[tilespmem:$0xA000] =	vst v63  }
0x295: {  	s16 =	simm.s32 $0x7E88;
	s19 =	sadd.s32 $0x10, s1  }
0x296: {  	[hbm4b:s19+s3] =	stream.linear.scatter [tilespmem:s16], [sflag:$0x3], $0x80, $0x38;
	[tilespmem:$0xA000] =	vst v63  }
0x297: {  	s31 =	simm.s32 $0x7F10;
	s30 =	sadd.s32 $0x20, s1  }
0x298: {  	[hbm4b:s30+s3] =	stream.linear.scatter [tilespmem:s31], [sflag:$0x3], $0x80, $0x38;
	[tilespmem:$0xA000] =	vst v63  }
0x299: {  	s16 =	sadd.s32 $0x30, s1;
	s19 =	simm.s32 $0x7F98  }
0x29a: {  	[hbm4b:s16+s3] =	stream.linear.scatter [tilespmem:s19], [sflag:$0x3], $0x80, $0x38;
	[tilespmem:$0xA000] =	vst v63  }
0x29b: {  	s30 =	sadd.s32 $0x40, s1;
	s31 =	simm.s32 $0x8020  }
0x29c: {  	[hbm4b:s30+s3] =	stream.linear.scatter [tilespmem:s31], [sflag:$0x3], $0x80, $0x38;
	[tilespmem:$0xA000] =	vst v63  }
0x29d: {  	s16 =	sadd.s32 $0x50, s1;
	s19 =	simm.s32 $0x80A8  }
0x29e: {  	[hbm4b:s16+s3] =	stream.linear.scatter [tilespmem:s19], [sflag:$0x3], $0x80, $0x38;
	[tilespmem:$0xA000] =	vst v63  }
0x29f: {  	s30 =	sadd.s32 $0x60, s1;
	s31 =	simm.s32 $0x8130  }
0x2a0: {  	[hbm4b:s30+s3] =	stream.linear.scatter [tilespmem:s31], [sflag:$0x3], $0x80, $0x38;
	[tilespmem:$0xA000] =	vst v63  }
0x2a1: {  	s1 =	sadd.s32 $0x70, s1;
	s16 =	simm.s32 $0x81B8  }
0x2a2: {  	[hbm4b:s1+s3] =	stream.linear.scatter [tilespmem:s16], [sflag:$0x3], $0x80, $0x38;
	[tilespmem:$0xA000] =	vst v63  }
0x2a3: {  	s19 =	simm.s32 $0x8240;
	s1 =	sadd.s32 s0, s7  }
0x2a4: {  	[hbm4b:s1+s3] =	stream.linear.scatter [tilespmem:s19], [sflag:$0x3], $0x80, $0x38;
	[tilespmem:$0xA000] =	vst v63  }
0x2a5: {  	s31 =	simm.s32 $0x82C8;
	s30 =	sadd.s32 $0x10, s1  }
0x2a6: {  	[hbm4b:s30+s3] =	stream.linear.scatter [tilespmem:s31], [sflag:$0x3], $0x80, $0x38;
	[tilespmem:$0xA000] =	vst v63  }
0x2a7: {  	s16 =	sadd.s32 $0x20, s1;
	s19 =	simm.s32 $0x8350  }
0x2a8: {  	[hbm4b:s16+s3] =	stream.linear.scatter [tilespmem:s19], [sflag:$0x3], $0x80, $0x38;
	[tilespmem:$0xA000] =	vst v63  }
0x2a9: {  	s30 =	sadd.s32 $0x30, s1;
	s31 =	simm.s32 $0x83D8  }
0x2aa: {  	[hbm4b:s30+s3] =	stream.linear.scatter [tilespmem:s31], [sflag:$0x3], $0x80, $0x38;
	[tilespmem:$0xA000] =	vst v63  }
0x2ab: {  	s16 =	sadd.s32 $0x40, s1;
	s19 =	simm.s32 $0x8460  }
0x2ac: {  	[hbm4b:s16+s3] =	stream.linear.scatter [tilespmem:s19], [sflag:$0x3], $0x80, $0x38;
	[tilespmem:$0xA000] =	vst v63  }
0x2ad: {  	s30 =	sadd.s32 $0x50, s1;
	s31 =	simm.s32 $0x84E8  }
0x2ae: {  	[hbm4b:s30+s3] =	stream.linear.scatter [tilespmem:s31], [sflag:$0x3], $0x80, $0x38;
	[tilespmem:$0xA000] =	vst v63  }
0x2af: {  	s16 =	sadd.s32 $0x60, s1;
	s19 =	simm.s32 $0x8570  }
0x2b0: {  	[hbm4b:s16+s3] =	stream.linear.scatter [tilespmem:s19], [sflag:$0x3], $0x80, $0x38;
	[tilespmem:$0xA000] =	vst v63  }
0x2b1: {  	s1 =	sadd.s32 $0x70, s1;
	s30 =	simm.s32 $0x85F8  }
0x2b2: {  	[hbm4b:s1+s3] =	stream.linear.scatter [tilespmem:s30], [sflag:$0x3], $0x80, $0x38;
	[tilespmem:$0xA000] =	vst v63  }
0x2b3: {  	s31 =	simm.s32 $0x8680;
	s1 =	sadd.s32 s0, s8  }
0x2b4: {  	[hbm4b:s1+s3] =	stream.linear.scatter [tilespmem:s31], [sflag:$0x3], $0x80, $0x38;
	[tilespmem:$0xA000] =	vst v63  }
0x2b5: {  	s19 =	simm.s32 $0x8708;
	s16 =	sadd.s32 $0x10, s1  }
0x2b6: {  	[hbm4b:s16+s3] =	stream.linear.scatter [tilespmem:s19], [sflag:$0x3], $0x80, $0x38;
	[tilespmem:$0xA000] =	vst v63  }
0x2b7: {  	s30 =	sadd.s32 $0x20, s1;
	s31 =	simm.s32 $0x8790  }
0x2b8: {  	[hbm4b:s30+s3] =	stream.linear.scatter [tilespmem:s31], [sflag:$0x3], $0x80, $0x38;
	[tilespmem:$0xA000] =	vst v63  }
0x2b9: {  	s16 =	sadd.s32 $0x30, s1;
	s19 =	simm.s32 $0x8818  }
0x2ba: {  	[hbm4b:s16+s3] =	stream.linear.scatter [tilespmem:s19], [sflag:$0x3], $0x80, $0x38;
	[tilespmem:$0xA000] =	vst v63  }
0x2bb: {  	s30 =	sadd.s32 $0x40, s1;
	s31 =	simm.s32 $0x88A0  }
0x2bc: {  	[hbm4b:s30+s3] =	stream.linear.scatter [tilespmem:s31], [sflag:$0x3], $0x80, $0x38;
	[tilespmem:$0xA000] =	vst v63  }
0x2bd: {  	s16 =	sadd.s32 $0x50, s1;
	s19 =	simm.s32 $0x8928  }
0x2be: {  	[hbm4b:s16+s3] =	stream.linear.scatter [tilespmem:s19], [sflag:$0x3], $0x80, $0x38;
	[tilespmem:$0xA000] =	vst v63  }
0x2bf: {  	s30 =	sadd.s32 $0x60, s1;
	s31 =	simm.s32 $0x89B0  }
0x2c0: {  	[hbm4b:s30+s3] =	stream.linear.scatter [tilespmem:s31], [sflag:$0x3], $0x80, $0x38;
	[tilespmem:$0xA000] =	vst v63  }
0x2c1: {  	s1 =	sadd.s32 $0x70, s1;
	s16 =	simm.s32 $0x8A38  }
0x2c2: {  	[hbm4b:s1+s3] =	stream.linear.scatter [tilespmem:s16], [sflag:$0x3], $0x80, $0x38;
	[tilespmem:$0xA000] =	vst v63  }
0x2c3: {  	s19 =	simm.s32 $0x8AC0;
	s1 =	sadd.s32 s0, s9  }
0x2c4: {  	[hbm4b:s1+s3] =	stream.linear.scatter [tilespmem:s19], [sflag:$0x3], $0x80, $0x38;
	[tilespmem:$0xA000] =	vst v63  }
0x2c5: {  	s31 =	simm.s32 $0x8B48;
	s30 =	sadd.s32 $0x10, s1  }
0x2c6: {  	[hbm4b:s30+s3] =	stream.linear.scatter [tilespmem:s31], [sflag:$0x3], $0x80, $0x38;
	[tilespmem:$0xA000] =	vst v63  }
0x2c7: {  	s16 =	sadd.s32 $0x20, s1;
	s19 =	simm.s32 $0x8BD0  }
0x2c8: {  	[hbm4b:s16+s3] =	stream.linear.scatter [tilespmem:s19], [sflag:$0x3], $0x80, $0x38;
	[tilespmem:$0xA000] =	vst v63  }
0x2c9: {  	s30 =	sadd.s32 $0x30, s1;
	s31 =	simm.s32 $0x8C58  }
0x2ca: {  	[hbm4b:s30+s3] =	stream.linear.scatter [tilespmem:s31], [sflag:$0x3], $0x80, $0x38;
	[tilespmem:$0xA000] =	vst v63  }
0x2cb: {  	s16 =	sadd.s32 $0x40, s1;
	s19 =	simm.s32 $0x8CE0  }
0x2cc: {  	[hbm4b:s16+s3] =	stream.linear.scatter [tilespmem:s19], [sflag:$0x3], $0x80, $0x38;
	[tilespmem:$0xA000] =	vst v63  }
0x2cd: {  	s30 =	sadd.s32 $0x50, s1;
	s31 =	simm.s32 $0x8D68  }
0x2ce: {  	[hbm4b:s30+s3] =	stream.linear.scatter [tilespmem:s31], [sflag:$0x3], $0x80, $0x38;
	[tilespmem:$0xA000] =	vst v63  }
0x2cf: {  	s16 =	sadd.s32 $0x60, s1;
	s19 =	simm.s32 $0x8DF0  }
0x2d0: {  	[hbm4b:s16+s3] =	stream.linear.scatter [tilespmem:s19], [sflag:$0x3], $0x80, $0x38;
	[tilespmem:$0xA000] =	vst v63  }
0x2d1: {  	s1 =	sadd.s32 $0x70, s1;
	s30 =	simm.s32 $0x8E78  }
0x2d2: {  	[hbm4b:s1+s3] =	stream.linear.scatter [tilespmem:s30], [sflag:$0x3], $0x80, $0x38;
	[tilespmem:$0xA000] =	vst v63  }
0x2d3: {  	s31 =	simm.s32 $0x8F00;
	s1 =	sadd.s32 s0, s10  }
0x2d4: {  	[hbm4b:s1+s3] =	stream.linear.scatter [tilespmem:s31], [sflag:$0x3], $0x80, $0x38;
	[tilespmem:$0xA000] =	vst v63  }
0x2d5: {  	s19 =	simm.s32 $0x8F88;
	s16 =	sadd.s32 $0x10, s1  }
0x2d6: {  	[hbm4b:s16+s3] =	stream.linear.scatter [tilespmem:s19], [sflag:$0x3], $0x80, $0x38;
	[tilespmem:$0xA000] =	vst v63  }
0x2d7: {  	s30 =	sadd.s32 $0x20, s1;
	s31 =	simm.s32 $0x9010  }
0x2d8: {  	[hbm4b:s30+s3] =	stream.linear.scatter [tilespmem:s31], [sflag:$0x3], $0x80, $0x38;
	[tilespmem:$0xA000] =	vst v63  }
0x2d9: {  	s16 =	sadd.s32 $0x30, s1;
	s19 =	simm.s32 $0x9098  }
0x2da: {  	[hbm4b:s16+s3] =	stream.linear.scatter [tilespmem:s19], [sflag:$0x3], $0x80, $0x38;
	[tilespmem:$0xA000] =	vst v63  }
0x2db: {  	s30 =	sadd.s32 $0x40, s1;
	s31 =	simm.s32 $0x9120  }
0x2dc: {  	[hbm4b:s30+s3] =	stream.linear.scatter [tilespmem:s31], [sflag:$0x3], $0x80, $0x38;
	[tilespmem:$0xA000] =	vst v63  }
0x2dd: {  	s16 =	sadd.s32 $0x50, s1;
	s19 =	simm.s32 $0x91A8  }
0x2de: {  	[hbm4b:s16+s3] =	stream.linear.scatter [tilespmem:s19], [sflag:$0x3], $0x80, $0x38;
	[tilespmem:$0xA000] =	vst v63  }
0x2df: {  	s30 =	sadd.s32 $0x60, s1;
	s31 =	simm.s32 $0x9230  }
0x2e0: {  	[hbm4b:s30+s3] =	stream.linear.scatter [tilespmem:s31], [sflag:$0x3], $0x80, $0x38;
	[tilespmem:$0xA000] =	vst v63  }
0x2e1: {  	s1 =	sadd.s32 $0x70, s1;
	s16 =	simm.s32 $0x92B8  }
0x2e2: {  	[hbm4b:s1+s3] =	stream.linear.scatter [tilespmem:s16], [sflag:$0x3], $0x80, $0x38;
	[tilespmem:$0xA000] =	vst v63  }
0x2e3: {  	s19 =	simm.s32 $0x9340;
	s1 =	sadd.s32 s0, s11  }
0x2e4: {  	[hbm4b:s1+s3] =	stream.linear.scatter [tilespmem:s19], [sflag:$0x3], $0x80, $0x38;
	[tilespmem:$0xA000] =	vst v63  }
0x2e5: {  	s31 =	simm.s32 $0x93C8;
	s30 =	sadd.s32 $0x10, s1  }
0x2e6: {  	[hbm4b:s30+s3] =	stream.linear.scatter [tilespmem:s31], [sflag:$0x3], $0x80, $0x38;
	[tilespmem:$0xA000] =	vst v63  }
0x2e7: {  	s16 =	sadd.s32 $0x20, s1;
	s19 =	simm.s32 $0x9450  }
0x2e8: {  	[hbm4b:s16+s3] =	stream.linear.scatter [tilespmem:s19], [sflag:$0x3], $0x80, $0x38;
	[tilespmem:$0xA000] =	vst v63  }
0x2e9: {  	s30 =	sadd.s32 $0x30, s1;
	s31 =	simm.s32 $0x94D8  }
0x2ea: {  	[hbm4b:s30+s3] =	stream.linear.scatter [tilespmem:s31], [sflag:$0x3], $0x80, $0x38;
	[tilespmem:$0xA000] =	vst v63  }
0x2eb: {  	s16 =	sadd.s32 $0x40, s1;
	s19 =	simm.s32 $0x9560  }
0x2ec: {  	[hbm4b:s16+s3] =	stream.linear.scatter [tilespmem:s19], [sflag:$0x3], $0x80, $0x38;
	[tilespmem:$0xA000] =	vst v63  }
0x2ed: {  	s30 =	sadd.s32 $0x50, s1;
	s31 =	simm.s32 $0x95E8  }
0x2ee: {  	[hbm4b:s30+s3] =	stream.linear.scatter [tilespmem:s31], [sflag:$0x3], $0x80, $0x38;
	[tilespmem:$0xA000] =	vst v63  }
0x2ef: {  	s16 =	sadd.s32 $0x60, s1;
	s19 =	simm.s32 $0x9670  }
0x2f0: {  	[hbm4b:s16+s3] =	stream.linear.scatter [tilespmem:s19], [sflag:$0x3], $0x80, $0x38;
	[tilespmem:$0xA000] =	vst v63  }
0x2f1: {  	s1 =	sadd.s32 $0x70, s1;
	s30 =	simm.s32 $0x96F8  }
0x2f2: {  	[hbm4b:s1+s3] =	stream.linear.scatter [tilespmem:s30], [sflag:$0x3], $0x80, $0x38;
	[tilespmem:$0xA000] =	vst v63  }
0x2f3: {  	s31 =	simm.s32 $0x9780;
	s1 =	sadd.s32 s0, s12  }
0x2f4: {  	[hbm4b:s1+s3] =	stream.linear.scatter [tilespmem:s31], [sflag:$0x3], $0x80, $0x38;
	[tilespmem:$0xA000] =	vst v63  }
0x2f5: {  	s19 =	simm.s32 $0x9808;
	s16 =	sadd.s32 $0x10, s1  }
0x2f6: {  	[hbm4b:s16+s3] =	stream.linear.scatter [tilespmem:s19], [sflag:$0x3], $0x80, $0x38;
	[tilespmem:$0xA000] =	vst v63  }
0x2f7: {  	s30 =	sadd.s32 $0x20, s1;
	s31 =	simm.s32 $0x9890  }
0x2f8: {  	[hbm4b:s30+s3] =	stream.linear.scatter [tilespmem:s31], [sflag:$0x3], $0x80, $0x38;
	[tilespmem:$0xA000] =	vst v63  }
0x2f9: {  	s16 =	sadd.s32 $0x30, s1;
	s19 =	simm.s32 $0x9918  }
0x2fa: {  	[hbm4b:s16+s3] =	stream.linear.scatter [tilespmem:s19], [sflag:$0x3], $0x80, $0x38;
	[tilespmem:$0xA000] =	vst v63  }
0x2fb: {  	s30 =	sadd.s32 $0x40, s1;
	s31 =	simm.s32 $0x99A0  }
0x2fc: {  	[hbm4b:s30+s3] =	stream.linear.scatter [tilespmem:s31], [sflag:$0x3], $0x80, $0x38;
	[tilespmem:$0xA000] =	vst v63  }
0x2fd: {  	s16 =	sadd.s32 $0x50, s1;
	s19 =	simm.s32 $0x9A28  }
0x2fe: {  	[hbm4b:s16+s3] =	stream.linear.scatter [tilespmem:s19], [sflag:$0x3], $0x80, $0x38;
	[tilespmem:$0xA000] =	vst v63  }
0x2ff: {  	s30 =	sadd.s32 $0x60, s1;
	s31 =	simm.s32 $0x9AB0  }
0x300: {  	[hbm4b:s30+s3] =	stream.linear.scatter [tilespmem:s31], [sflag:$0x3], $0x80, $0x38;
	[tilespmem:$0xA000] =	vst v63  }
0x301: {  	s1 =	sadd.s32 $0x70, s1;
	s16 =	simm.s32 $0x9B38  }
0x302: {  	[hbm4b:s1+s3] =	stream.linear.scatter [tilespmem:s16], [sflag:$0x3], $0x80, $0x38;
	[tilespmem:$0xA000] =	vst v63  }
0x303: {  	s0 =	sadd.s32 s0, s13;
	s19 =	simm.s32 $0x9BC0  }
0x304: {  	[hbm4b:s0+s3] =	stream.linear.scatter [tilespmem:s19], [sflag:$0x3], $0x80, $0x38;
	[tilespmem:$0xA000] =	vst v63  }
0x305: {  	s30 =	sadd.s32 $0x10, s0;
	s31 =	simm.s32 $0x9C48  }
0x306: {  	[hbm4b:s30+s3] =	stream.linear.scatter [tilespmem:s31], [sflag:$0x3], $0x80, $0x38;
	[tilespmem:$0xA000] =	vst v63  }
0x307: {  	s15 =	sadd.s32 $0x20, s0  }
0x308: {  	[hbm4b:s15+s3] =	stream.linear.scatter [tilespmem:s20], [sflag:$0x3], $0x80, $0x38;
	[tilespmem:$0xA000] =	vst v63  }
0x309: {  	s16 =	sadd.s32 $0x30, s0  }
0x30a: {  	[hbm4b:s16+s3] =	stream.linear.scatter [tilespmem:s23], [sflag:$0x3], $0x80, $0x38;
	[tilespmem:$0xA000] =	vst v63  }
0x30b: {  	s29 =	sadd.s32 $0x1, s29;
	s19 =	sadd.s32 $0x40, s0  }
0x30c: {  	[hbm4b:s19+s3] =	stream.linear.scatter [tilespmem:s24], [sflag:$0x3], $0x80, $0x38;
	[tilespmem:$0xA000] =	vst v63  }
0x30d: {  	p0 =	sne.s32 s29, $0x19;
	s30 =	sadd.s32 $0x50, s0  }
0x30e: {  	[hbm4b:s30+s3] =	stream.linear.scatter [tilespmem:s25], [sflag:$0x3], $0x80, $0x38;
	[tilespmem:$0xA000] =	vst v63  }
.Ltmp5:
0x30f: {  	_ = 	snop;
	(pc) =	sbr.rel @p0 .LBB2_2-.Ltmp5, $4  }
0x310: {  	s31 =	sadd.s32 $0x60, s0  }
0x311: {  	[hbm4b:s31+s3] =	stream.linear.scatter [tilespmem:s26], [sflag:$0x3], $0x80, $0x38;
	[tilespmem:$0xA000] =	vst v63  }
0x312: {  	s0 =	sadd.s32 $0x70, s0  }
0x313: {  	[hbm4b:s0+s3] =	stream.linear.scatter [tilespmem:s28], [sflag:$0x3], $0x80, $0x38;
	[tilespmem:$0xA000] =	vst v63  }
0x314: {  	_ =	swait.ge [sflag:s14], $0x400  }
0x315: {  	[sflag:s14] =	ssyncset.done $0x0  }
0x316: {  	[sflag:s14] =	ssyncadd.s32 $0xFFFFFC00  }
0x317: {  	_ =	swait.ge [sflag:s14], $0x400  }
0x318: {  	[sflag:s14] =	ssyncset.done $0x0  }
0x319: {  	[sflag:s14] =	ssyncadd.s32 $0xFFFFFC00  }
0x31a: {  	_ =	swait.ge [sflag:s14], $0x400  }
0x31b: {  	[sflag:s14] =	ssyncset.done $0x0  }
0x31c: {  	[sflag:s14] =	ssyncadd.s32 $0xFFFFFC00  }
0x31d: {  	_ =	swait.ge [sflag:s14], $0x400  }
0x31e: {  	[sflag:s14] =	ssyncset.done $0x0  }
0x31f: {  	[sflag:s14] =	ssyncadd.s32 $0xFFFFFC00  }
0x320: {  	_ =	swait.ge [sflag:s14], $0x400  }
0x321: {  	[sflag:s14] =	ssyncset.done $0x0  }
0x322: {  	[sflag:s14] =	ssyncadd.s32 $0xFFFFFC00  }
0x323: {  	_ =	swait.ge [sflag:s14], $0x400  }
0x324: {  	[sflag:s14] =	ssyncset.done $0x0  }
0x325: {  	[sflag:s14] =	ssyncadd.s32 $0xFFFFFC00  }
0x326: {  	_ =	swait.ge [sflag:s14], $0x400  }
0x327: {  	[sflag:s14] =	ssyncset.done $0x0  }
0x328: {  	[sflag:s14] =	ssyncadd.s32 $0xFFFFFC00  }
0x329: {  	_ =	swait.ge [sflag:s14], $0x400  }
0x32a: {  	[sflag:s14] =	ssyncset.done $0x0  }
0x32b: {  	[sflag:s14] =	ssyncadd.s32 $0xFFFFFC00  }
0x32c: {  	_ =	swait.ge [sflag:s14], $0x400  }
0x32d: {  	[sflag:s14] =	ssyncset.done $0x0  }
0x32e: {  	[sflag:s14] =	ssyncadd.s32 $0xFFFFFC00  }
0x32f: {  	_ =	swait.ge [sflag:s14], $0x400  }
0x330: {  	[sflag:s14] =	ssyncset.done $0x0  }
0x331: {  	[sflag:s14] =	ssyncadd.s32 $0xFFFFFC00  }
0x332: {  	_ =	swait.ge [sflag:s14], $0x400  }
0x333: {  	[sflag:s14] =	ssyncset.done $0x0  }
0x334: {  	[sflag:s14] =	ssyncadd.s32 $0xFFFFFC00  }
0x335: {  	_ =	swait.ge [sflag:s14], $0x400  }
0x336: {  	[sflag:s14] =	ssyncset.done $0x0  }
0x337: {  	[sflag:s14] =	ssyncadd.s32 $0xFFFFFC00  }
0x338: {  	_ =	swait.ge [sflag:s14], $0x400  }
0x339: {  	[sflag:s14] =	ssyncset.done $0x0  }
0x33a: {  	[sflag:s14] =	ssyncadd.s32 $0xFFFFFC00  }
0x33b: {  	_ =	swait.ge [sflag:s14], $0x400  }
0x33c: {  	[sflag:s14] =	ssyncset.done $0x0  }
0x33d: {  	[sflag:s14] =	ssyncadd.s32 $0xFFFFFC00  }
0x33e: {  	_ =	swait.ge [sflag:s14], $0x400  }
0x33f: {  	[sflag:s14] =	ssyncset.done $0x0  }
0x340: {  	[sflag:s14] =	ssyncadd.s32 $0xFFFFFC00  }
0x341: {  	_ =	swait.ge [sflag:s14], $0x400  }
0x342: {  	s1 =	rddreg [dreg:$0x5]  }
0x343: {  	s0 =	rddreg [dreg:$0x4];
	s1 =	sadd.s32 $0x1, s1  }
0x344: {  	p0 =	sne.s32 s1, s0  }
.Ltmp6:
0x345: {  	_ = 	snop;
	(pc) =	sbr.rel @p0 .LBB2_1-.Ltmp6, $3  }
0x346: {  	_ =	sdelay $0x1  }
0x347: {  	[sflag:s14] =	ssyncset.done $0x0  }
0x348: {  	[sflag:s14] =	ssyncadd.s32 $0xFFFFFC00  }
0x349: {  	_ =	sfence.sel $0x180000  }
0x34a: {  	[bflag:$0x0] =	sbarrier.arrive $0xFFFF  }
0x34b: {  	_ =	strace $0x90000047  }
0x34c: {  	s0 =	stileid.u32;
	[bflag:$0x2] =	sbarrier.arrive $0xFFFF  }
0x34d: {  	p0 =	sne.s32 s0, $0x0;
	s0 =	rddreg [dreg:$0x2]  }
0x34e: {  	s0 =	sadd.s32 @!p0 $0x100000, s0  }
0x34f: {  	[sflag:s0] =	ssyncadd.tile.s32 @!p0 $0x1;
	_ =	shalt  }
.Lfunc_end2:
_tile_overlayer_lowered:
.L_overlay_start_2:
0x350: {  	(tag) =	ssettag $0x2  }
0x351: {  	s0 =	rddreg [dreg:$0x0];
	s2 =	stileid.u32  }
0x352: {  	s1 =	rddreg [dreg:$0x1];
	p0 =	sne.s32 s2, $0x0  }
0x353: {  	s3 =	rddreg [dreg:$0x2];
	[bflag:$0x3] =	sbarrier.arrive $0xFFFF;
	s2 =	simm.s32 @!p0 $0x1C04  }
0x354: {  	[timem:s3], [sflag:s2] =	dma.local @!p0 [hbm:s0], s1  }
0x355: {  	s0 =	simm.s32 @!p0 $0x4  }
0x356: {  	_ =	swait.ge @!p0 [sflag:s0], s1  }
0x357: {  	s1 =	ssub.s32 @!p0 $0x0, s1;
	[sflag:s0] =	ssyncset.done @!p0 $0x0  }
0x358: {  	[sflag:s0] =	ssyncadd.s32 @!p0 s1  }
0x359: {  	[bflag:$0x3] =	sbarrier.arrive $0xFFFF  }
0x35a: {  	_ =	shalt  }

</sc_bundles>
